<compile_context>
chip_gen: v7x
topology: tpu7x:2x2x1
jax: 0.10.2.dev20260603
libtpu: 0.0.44.dev20260713+nightly
codegen_flags: <defaults>
</compile_context>

<pallas_src>
import functools

import numpy as np
import jax
import jax.numpy as jnp
from jax import lax
from jax.experimental import pallas as pl
from jax.experimental.pallas import tpu as pltpu
from jax.experimental.pallas import tpu_sc as plsc

B_ROWS = 64
N_COLS = 8192
K_ACT = 164
L = 16
VECS = N_COLS // L
UNROLL = 8
MIN_I32 = np.int32(-2147483648)


def _i32(x):
    return x.astype(jnp.int32)


def _splat(val):
    return jnp.full((L,), val, jnp.int32)


def _srl(x, sh):
    return lax.shift_right_logical(x, _splat(sh))


def _lane0(v):
    return lax.squeeze(lax.slice(v, (0,), (1,)), (0,))


def _takev(v, idx_v):
    return v.at[idx_v].get(mode="promise_in_bounds")


def _build_sc_call():
    nc, ns = 2, 16
    rows_per = B_ROWS // (nc * ns)
    mesh = plsc.VectorSubcoreMesh(core_axis_name="c", subcore_axis_name="s")

    @functools.partial(
        pl.kernel,
        mesh=mesh,
        out_type=jax.ShapeDtypeStruct((B_ROWS, N_COLS), jnp.float32),
        scratch_types=[
            pltpu.VMEM((2 * N_COLS,), jnp.float32),
            pltpu.VMEM((2 * N_COLS,), jnp.float32),
            pltpu.VMEM((N_COLS,), jnp.int32),
            pltpu.VMEM((L * 256,), jnp.int32),
            pltpu.VMEM((L,), jnp.float32),
            pltpu.VMEM((N_COLS,), jnp.float32),
            pltpu.SemaphoreType.DMA,
            pltpu.SemaphoreType.DMA,
            pltpu.SemaphoreType.DMA,
        ],
        compiler_params=pltpu.CompilerParams(needs_layout_passes=False),
    )
    def sc_kernel(t_hbm, bst_hbm, bp_hbm, out_hbm,
                  t_v, b_v, key_v, bins, bp_v, out_stage,
                  sem_t, sem_b, sem_o):
        wid = lax.axis_index("s") * nc + lax.axis_index("c")
        lane = lax.iota(jnp.int32, L)
        lane_sh = lax.shift_left(lane, _splat(8))
        ones = _splat(1)
        zeros = _splat(0)

        pltpu.sync_copy(bp_hbm, bp_v)
        bp_vec = bp_v[...]

        def zbody(c, _):
            for l in range(L):
                bins[pl.ds(l * 256 + c * L, L)] = zeros
            return _

        lax.fori_loop(0, 16, zbody, jnp.int32(0))

        def selectbin(r, ncur):
            q_v = jnp.broadcast_to(ncur - r, (L,))

            def chunk(c, carry):
                cum_v, B_v, tb_v, below_v = carry
                acc = bins[pl.ds(c * L, L)]
                bins[pl.ds(c * L, L)] = zeros
                for l in range(1, L):
                    acc = acc + bins[pl.ds(l * 256 + c * L, L)]
                    bins[pl.ds(l * 256 + c * L, L)] = zeros
                pincl = plsc.cumsum(acc)
                incl = pincl + cum_v
                mask = incl > q_v
                last_v = _takev(incl, _splat(L - 1))
                ffs_v = plsc.all_reduce_ffs(mask)
                take_v = jnp.logical_and(B_v < 0, last_v > q_v)
                safe_ffs = jnp.where(take_v, ffs_v, zeros)
                tb_c = _takev(acc, safe_ffs)
                below_c = cum_v + _takev(pincl, safe_ffs) - tb_c
                B_v = jnp.where(take_v, _splat(c * L) + ffs_v, B_v)
                tb_v = jnp.where(take_v, tb_c, tb_v)
                below_v = jnp.where(take_v, below_c, below_v)
                return (last_v, B_v, tb_v, below_v)

            init = (zeros, _splat(-1), zeros, zeros)
            _, B_v, tb_v, below_v = lax.fori_loop(0, 16, chunk, init)
            Bsel = _lane0(B_v)
            tb = _lane0(tb_v)
            below = _lane0(below_v)
            above = ncur - below - tb
            return Bsel, r - above, tb

        def hist(byte, prefix):
            have_prefix = byte != 3
            if have_prefix:
                pref_v = jnp.broadcast_to(prefix, (L,))

            @plsc.parallel_loop(0, VECS, unroll=UNROLL)
            def _hist_loop(v):
                base = v * L
                k = key_v[pl.ds(base, L)]
                dig = _srl(k, 8 * byte)
                if have_prefix:
                    hi = _srl(k, 8 * (byte + 1))
                    m = hi == pref_v
                    dig = jnp.bitwise_and(dig, _splat(0xFF))
                    plsc.addupdate_scatter(
                        bins, [jnp.bitwise_or(lane_sh, dig)], ones, mask=m)
                else:
                    plsc.addupdate_scatter(
                        bins, [jnp.bitwise_or(lane_sh, dig)], ones)

        row0 = wid * rows_per
        pltpu.make_async_copy(
            t_hbm.at[row0], t_v.at[pl.ds(0, N_COLS)], sem_t).start()
        pltpu.make_async_copy(
            bst_hbm.at[row0], b_v.at[pl.ds(0, N_COLS)], sem_b).start()

        def rowbody(i, _carry):
            row = wid * rows_per + i
            off = jnp.bitwise_and(i, 1) * N_COLS
            noff = jnp.bitwise_and(i + 1, 1) * N_COLS
            pltpu.make_async_copy(
                t_hbm.at[row], t_v.at[pl.ds(off, N_COLS)], sem_t).wait()

            @pl.when(i + 1 < rows_per)
            def _prefetch():
                pltpu.make_async_copy(
                    t_hbm.at[row + 1], t_v.at[pl.ds(noff, N_COLS)],
                    sem_t).start()
                pltpu.make_async_copy(
                    bst_hbm.at[row + 1], b_v.at[pl.ds(noff, N_COLS)],
                    sem_b).start()

            def maxbody(v, acc):
                for j in range(8):
                    acc = jnp.maximum(
                        acc, t_v[pl.ds(off + (v * 8 + j) * L, L)])
                return acc

            acc0 = lax.fori_loop(0, VECS // 8, maxbody,
                                 jnp.full((L,), -jnp.inf, jnp.float32))
            rmax = jnp.max(acc0)
            safe = jnp.where(rmax == 0.0, jnp.float32(1.0), rmax)
            recip_v = jnp.float32(1.0) / jnp.broadcast_to(safe, (L,))
            coef_v = bp_vec * recip_v
            minv = jnp.broadcast_to(MIN_I32, (L,))
            pltpu.make_async_copy(
                bst_hbm.at[row], b_v.at[pl.ds(off, N_COLS)], sem_b).wait()

            @plsc.parallel_loop(0, VECS, unroll=UNROLL)
            def _key_loop(v):
                base = v * L
                t = t_v[pl.ds(off + base, L)]
                bb = b_v[pl.ds(off + base, L)]
                bt = bb + t * coef_v
                boosted = jnp.maximum(t, jnp.float32(0.0)) + bt
                bi = plsc.bitcast(boosted, jnp.int32)
                key = jnp.bitwise_xor(
                    bi, jnp.bitwise_or(
                        lax.shift_right_arithmetic(bi, _splat(31)), minv))
                key_v[pl.ds(base, L)] = key
                dig = _srl(key, 24)
                plsc.addupdate_scatter(
                    bins, [jnp.bitwise_or(lane_sh, dig)], ones)

            B3, r1, n1 = selectbin(jnp.int32(K_ACT), jnp.int32(N_COLS))
            hist(2, B3)
            B2, r2, n2 = selectbin(r1, n1)
            pref2 = jnp.bitwise_or(lax.shift_left(B3, jnp.int32(8)), B2)
            hist(1, pref2)
            B1, r3, n3 = selectbin(r2, n2)
            pref1 = jnp.bitwise_or(lax.shift_left(pref2, jnp.int32(8)), B1)

            def last_byte():
                hist(0, pref1)
                B0, need_, n4_ = selectbin(r3, n3)
                return (jnp.bitwise_or(lax.shift_left(pref1, jnp.int32(8)),
                                       B0), need_, n4_)

            def unique_prefix():
                return (lax.shift_left(pref1, jnp.int32(8)), jnp.int32(1),
                        jnp.int32(1))

            Ku, need, n4 = lax.cond(n3 == 1, unique_prefix, last_byte)
            Ks = jnp.bitwise_xor(Ku, MIN_I32)
            Kuv = jnp.broadcast_to(Ku, (L,))
            Ksv = jnp.broadcast_to(Ks, (L,))

            @pl.when(i > 0)
            def _drain():
                pltpu.make_async_copy(out_stage, out_hbm.at[row], sem_o
                                      ).wait()

            def fast_out():
                @plsc.parallel_loop(0, VECS, unroll=UNROLL)
                def _fast_loop(v):
                    base = v * L
                    k = key_v[pl.ds(base, L)]
                    t = t_v[pl.ds(off + base, L)]
                    ge = jnp.bitwise_xor(k, minv) >= Ksv
                    on = jnp.logical_and(ge, t > 0.0)
                    out_stage[pl.ds(base, L)] = jnp.where(
                        on, jnp.float32(1.0), jnp.float32(0.0))

            def slow_out():
                needv = jnp.broadcast_to(need, (L,))

                def body(v, tcnt):
                    base = v * L
                    k = key_v[pl.ds(base, L)]
                    t = t_v[pl.ds(off + base, L)]
                    eq = k == Kuv
                    gt = jnp.bitwise_xor(k, minv) > Ksv
                    eqi = _i32(eq)
                    tie_rank = plsc.cumsum(eqi) - eqi + jnp.broadcast_to(
                        tcnt, (L,))
                    sel = jnp.logical_or(
                        gt, jnp.logical_and(eq, tie_rank < needv))
                    on = jnp.logical_and(sel, t > 0.0)
                    out_stage[pl.ds(base, L)] = jnp.where(
                        on, jnp.float32(1.0), jnp.float32(0.0))
                    return tcnt + jnp.sum(eqi)

                lax.fori_loop(0, VECS, body, jnp.int32(0))

            lax.cond(need == n4, fast_out, slow_out)
            pltpu.make_async_copy(out_stage, out_hbm.at[row], sem_o).start()
            return _carry

        lax.fori_loop(0, rows_per, rowbody, jnp.int32(0))
        pltpu.make_async_copy(out_stage, out_hbm.at[0], sem_o).wait()

    return sc_kernel


def kernel(tensor, boost_tensor, boost_percent):
    sc = _build_sc_call()
    bp = jnp.full((L,), boost_percent, jnp.float32)
    return sc(tensor, boost_tensor, bp)

# --- scband reference (transcript-rebuilt; emitter-appended) ---
"""Pipeline reference for scband-kwinners-boost-11905649345098 (READ-ONLY COPY).

The authoritative reference and input builder live on the scoring server;
editing this copy changes nothing except your own understanding.
"""

import jax, jax.numpy as jnp
import numpy as np
import math


def percent_closeness_boosting(tensor, boost_tensor, boost_percent):
    # PercentClosenessBoosting (class not provided in source): boost grows in
    # proportion to how close each unit's activation is to the per-row max.
    row_max = jnp.max(tensor, axis=1, keepdims=True)
    safe_max = jnp.where(row_max == 0, jnp.ones_like(row_max), row_max)
    closeness = tensor / safe_max
    return boost_tensor + boost_percent * closeness


def _forward(tensor, boost_tensor, boost_percent):
    B, N = tensor.shape
    min_sparsity, max_sparsity = 0.002, 0.02  # default sparsity arg torch.Tensor([0.002, 0.02])
    bt = percent_closeness_boosting(tensor, boost_tensor, boost_percent)
    tensor_above = jnp.where(tensor > 0, tensor, jnp.zeros_like(tensor))
    boosted = tensor_above + bt
    max_active = int(math.ceil(max_sparsity * N))
    min_active = int(math.floor(min_sparsity * N))
    # descending sort over dim=1 (ties vanishingly unlikely with randn input)
    argsort = jnp.argsort(-boosted, axis=1)
    active_indices = argsort[:, :max_active]
    mask_active = jnp.zeros((B, N), dtype=bool).at[jnp.arange(B)[:, None], active_indices].set(True)
    t = jnp.where(mask_active, tensor, jnp.zeros_like(tensor))  # tensor[~mask_active] = 0
    t = jnp.where(t > 0, jnp.ones_like(t), jnp.zeros_like(t))
    saved = t  # ctx.save_for_backward happens BEFORE the min-active rescue branch
    actually_active = jnp.sum(t)
    boostsort = jnp.argsort(-bt, axis=1)
    to_activate = jnp.ceil(jnp.maximum(min_active - actually_active, 0.0)).astype(jnp.int32)
    boost_indices = boostsort[:, :min_active]
    rescue = jnp.where(
        jnp.arange(min_active)[None, :] < to_activate,
        jnp.ones((B, min_active), dtype=t.dtype),
        jnp.zeros((B, min_active), dtype=t.dtype),
    )
    t = t.at[jnp.arange(B)[:, None], boost_indices].max(rescue)
    # module also updates its boost_tensor state: zero where active (not returned by forward)
    return t, saved


def setup_inputs(seed: int = 0) -> dict:
    key = jax.random.key(seed)
    tensor = jax.random.normal(key, (64, 8192), dtype=jnp.float32)
    # module lazily creates boost_tensor = zeros_like(tensor) on first forward
    boost_tensor = jnp.zeros((64, 8192), dtype=jnp.float32)
    boost_percent = jnp.float32(1e-08)  # default forward arg
    return {"tensor": tensor, "boost_tensor": boost_tensor, "boost_percent": boost_percent}


def reference(tensor, boost_tensor, boost_percent):
    out, _saved = _forward(tensor, boost_tensor, boost_percent)
    return out

if __name__ == "__main__":
    import jax
    _d = setup_inputs()
    print(jax.jit(kernel)(*tuple(_d.values())))

</pallas_src>

<mosaic_0001>
#map = affine_map<(d0, d1) -> (0, 0)>
#map1 = affine_map<(d0, d1) -> (0)>
module attributes {stable_mosaic.version = 14 : i64} {
  func.func @sc_kernel(%arg0: i32, %arg1: i32, %arg2: memref<64x8192xf32, #tpu.memory_space<hbm>>, %arg3: memref<64x8192xf32, #tpu.memory_space<hbm>>, %arg4: memref<16xf32, #tpu.memory_space<hbm>>, %arg5: memref<64x8192xf32, #tpu.memory_space<hbm>>, %arg6: memref<16384xf32, #tpu.memory_space<vmem>>, %arg7: memref<16384xf32, #tpu.memory_space<vmem>>, %arg8: memref<8192xi32, #tpu.memory_space<vmem>>, %arg9: memref<4096xi32, #tpu.memory_space<vmem>>, %arg10: memref<16xf32, #tpu.memory_space<vmem>>, %arg11: memref<8192xf32, #tpu.memory_space<vmem>>, %arg12: memref<!tpu.dma_semaphore, #tpu.memory_space<semaphore_mem>>, %arg13: memref<!tpu.dma_semaphore, #tpu.memory_space<semaphore_mem>>, %arg14: memref<!tpu.dma_semaphore, #tpu.memory_space<semaphore_mem>>) attributes {dimension_semantics = [#tpu.dimension_semantics<core_parallel>, #tpu.dimension_semantics<subcore_parallel>], iteration_bounds = array<i64: 2, 16>, scalar_prefetch = 0 : i64, scratch_operands = 9 : i64, tpu.core_type = #tpu.core_type<sc_vector_subcore>, window_params = [{transform_indices = #map}, {transform_indices = #map}, {transform_indices = #map1}, {transform_indices = #map}]} {
    %mul3A = arith.constant 2 : i32
    %mul3A_0 = arith.muli %arg1, %mul3A : i32
    %add3A = arith.addi %mul3A_0, %arg0 : i32
    %iota3A = tpu.iota {dimensions = array<i32: 0>} : vector<16xi32>
    %broadcast_in_dim3A = arith.constant 8 : i32
    %broadcast_in_dim3A_1 = vector.broadcast %broadcast_in_dim3A : i32 to vector<16xi32>
    %shift_left3A = arith.shli %iota3A, %broadcast_in_dim3A_1 : vector<16xi32>
    %broadcast_in_dim3A_2 = arith.constant 1 : i32
    %broadcast_in_dim3A_3 = vector.broadcast %broadcast_in_dim3A_2 : i32 to vector<16xi32>
    %broadcast_in_dim3A_4 = arith.constant 0 : i32
    %broadcast_in_dim3A_5 = vector.broadcast %broadcast_in_dim3A_4 : i32 to vector<16xi32>
    "tpu.region"() ({
      %run_scoped3A = tpu.sem_alloc : memref<!tpu.dma_semaphore, #tpu.memory_space<semaphore_mem>>
      tpu.enqueue_dma source(%arg4 : memref<16xf32, #tpu.memory_space<hbm>>) target(%arg10 : memref<16xf32, #tpu.memory_space<vmem>>) target_semaphore(%run_scoped3A : memref<!tpu.dma_semaphore, #tpu.memory_space<semaphore_mem>>)
      tpu.wait_dma2 semaphore(%run_scoped3A : memref<!tpu.dma_semaphore, #tpu.memory_space<semaphore_mem>>) src(%arg4 : memref<16xf32, #tpu.memory_space<hbm>>) dst(%arg10 : memref<16xf32, #tpu.memory_space<vmem>>)
      tpu.yield
    }) : () -> ()
    %get3A = arith.constant 0 : index
    %get3A_6 = tpu.vector_load %arg10[%get3A] {strides = array<i32>} : memref<16xf32, #tpu.memory_space<vmem>>, vector<16xf32>,
    %scan3A = arith.constant 0 : i32
    %scan3A_7 = arith.constant 0 : i32
    %scan3A_8 = arith.constant 16 : i32
    %scan3A_9 = arith.addi %scan3A_7, %scan3A_8 : i32
    %scan3A_10 = arith.constant 1 : i32
    scf.for %scan3A_45 = %scan3A_7 to %scan3A_9 step %scan3A_10  : i32 {
      %mul3A_46 = arith.constant 16 : i32
      %mul3A_47 = arith.muli %scan3A_45, %mul3A_46 : i32
      %add3A_48 = arith.constant 0 : i32
      %add3A_49 = arith.addi %add3A_48, %mul3A_47 : i32
      %swap3A = arith.index_cast %add3A_49 : i32 to index
      %swap3A_50 = tpu.vector_load %arg9[%swap3A] {strides = array<i32>} : memref<4096xi32, #tpu.memory_space<vmem>>, vector<16xi32>,
      tpu.vector_store %arg9[%swap3A], %broadcast_in_dim3A_5 {strides = array<i32>} : memref<4096xi32, #tpu.memory_space<vmem>>, vector<16xi32>,
      %mul3A_51 = arith.constant 16 : i32
      %mul3A_52 = arith.muli %scan3A_45, %mul3A_51 : i32
      %add3A_53 = arith.constant 256 : i32
      %add3A_54 = arith.addi %add3A_53, %mul3A_52 : i32
      %swap3A_55 = arith.index_cast %add3A_54 : i32 to index
      %swap3A_56 = tpu.vector_load %arg9[%swap3A_55] {strides = array<i32>} : memref<4096xi32, #tpu.memory_space<vmem>>, vector<16xi32>,
      tpu.vector_store %arg9[%swap3A_55], %broadcast_in_dim3A_5 {strides = array<i32>} : memref<4096xi32, #tpu.memory_space<vmem>>, vector<16xi32>,
      %mul3A_57 = arith.constant 16 : i32
      %mul3A_58 = arith.muli %scan3A_45, %mul3A_57 : i32
      %add3A_59 = arith.constant 512 : i32
      %add3A_60 = arith.addi %add3A_59, %mul3A_58 : i32
      %swap3A_61 = arith.index_cast %add3A_60 : i32 to index
      %swap3A_62 = tpu.vector_load %arg9[%swap3A_61] {strides = array<i32>} : memref<4096xi32, #tpu.memory_space<vmem>>, vector<16xi32>,
      tpu.vector_store %arg9[%swap3A_61], %broadcast_in_dim3A_5 {strides = array<i32>} : memref<4096xi32, #tpu.memory_space<vmem>>, vector<16xi32>,
      %mul3A_63 = arith.constant 16 : i32
      %mul3A_64 = arith.muli %scan3A_45, %mul3A_63 : i32
      %add3A_65 = arith.constant 768 : i32
      %add3A_66 = arith.addi %add3A_65, %mul3A_64 : i32
      %swap3A_67 = arith.index_cast %add3A_66 : i32 to index
      %swap3A_68 = tpu.vector_load %arg9[%swap3A_67] {strides = array<i32>} : memref<4096xi32, #tpu.memory_space<vmem>>, vector<16xi32>,
      tpu.vector_store %arg9[%swap3A_67], %broadcast_in_dim3A_5 {strides = array<i32>} : memref<4096xi32, #tpu.memory_space<vmem>>, vector<16xi32>,
      %mul3A_69 = arith.constant 16 : i32
      %mul3A_70 = arith.muli %scan3A_45, %mul3A_69 : i32
      %add3A_71 = arith.constant 1024 : i32
      %add3A_72 = arith.addi %add3A_71, %mul3A_70 : i32
      %swap3A_73 = arith.index_cast %add3A_72 : i32 to index
      %swap3A_74 = tpu.vector_load %arg9[%swap3A_73] {strides = array<i32>} : memref<4096xi32, #tpu.memory_space<vmem>>, vector<16xi32>,
      tpu.vector_store %arg9[%swap3A_73], %broadcast_in_dim3A_5 {strides = array<i32>} : memref<4096xi32, #tpu.memory_space<vmem>>, vector<16xi32>,
      %mul3A_75 = arith.constant 16 : i32
      %mul3A_76 = arith.muli %scan3A_45, %mul3A_75 : i32
      %add3A_77 = arith.constant 1280 : i32
      %add3A_78 = arith.addi %add3A_77, %mul3A_76 : i32
      %swap3A_79 = arith.index_cast %add3A_78 : i32 to index
      %swap3A_80 = tpu.vector_load %arg9[%swap3A_79] {strides = array<i32>} : memref<4096xi32, #tpu.memory_space<vmem>>, vector<16xi32>,
      tpu.vector_store %arg9[%swap3A_79], %broadcast_in_dim3A_5 {strides = array<i32>} : memref<4096xi32, #tpu.memory_space<vmem>>, vector<16xi32>,
      %mul3A_81 = arith.constant 16 : i32
      %mul3A_82 = arith.muli %scan3A_45, %mul3A_81 : i32
      %add3A_83 = arith.constant 1536 : i32
      %add3A_84 = arith.addi %add3A_83, %mul3A_82 : i32
      %swap3A_85 = arith.index_cast %add3A_84 : i32 to index
      %swap3A_86 = tpu.vector_load %arg9[%swap3A_85] {strides = array<i32>} : memref<4096xi32, #tpu.memory_space<vmem>>, vector<16xi32>,
      tpu.vector_store %arg9[%swap3A_85], %broadcast_in_dim3A_5 {strides = array<i32>} : memref<4096xi32, #tpu.memory_space<vmem>>, vector<16xi32>,
      %mul3A_87 = arith.constant 16 : i32
      %mul3A_88 = arith.muli %scan3A_45, %mul3A_87 : i32
      %add3A_89 = arith.constant 1792 : i32
      %add3A_90 = arith.addi %add3A_89, %mul3A_88 : i32
      %swap3A_91 = arith.index_cast %add3A_90 : i32 to index
      %swap3A_92 = tpu.vector_load %arg9[%swap3A_91] {strides = array<i32>} : memref<4096xi32, #tpu.memory_space<vmem>>, vector<16xi32>,
      tpu.vector_store %arg9[%swap3A_91], %broadcast_in_dim3A_5 {strides = array<i32>} : memref<4096xi32, #tpu.memory_space<vmem>>, vector<16xi32>,
      %mul3A_93 = arith.constant 16 : i32
      %mul3A_94 = arith.muli %scan3A_45, %mul3A_93 : i32
      %add3A_95 = arith.constant 2048 : i32
      %add3A_96 = arith.addi %add3A_95, %mul3A_94 : i32
      %swap3A_97 = arith.index_cast %add3A_96 : i32 to index
      %swap3A_98 = tpu.vector_load %arg9[%swap3A_97] {strides = array<i32>} : memref<4096xi32, #tpu.memory_space<vmem>>, vector<16xi32>,
      tpu.vector_store %arg9[%swap3A_97], %broadcast_in_dim3A_5 {strides = array<i32>} : memref<4096xi32, #tpu.memory_space<vmem>>, vector<16xi32>,
      %mul3A_99 = arith.constant 16 : i32
      %mul3A_100 = arith.muli %scan3A_45, %mul3A_99 : i32
      %add3A_101 = arith.constant 2304 : i32
      %add3A_102 = arith.addi %add3A_101, %mul3A_100 : i32
      %swap3A_103 = arith.index_cast %add3A_102 : i32 to index
      %swap3A_104 = tpu.vector_load %arg9[%swap3A_103] {strides = array<i32>} : memref<4096xi32, #tpu.memory_space<vmem>>, vector<16xi32>,
      tpu.vector_store %arg9[%swap3A_103], %broadcast_in_dim3A_5 {strides = array<i32>} : memref<4096xi32, #tpu.memory_space<vmem>>, vector<16xi32>,
      %mul3A_105 = arith.constant 16 : i32
      %mul3A_106 = arith.muli %scan3A_45, %mul3A_105 : i32
      %add3A_107 = arith.constant 2560 : i32
      %add3A_108 = arith.addi %add3A_107, %mul3A_106 : i32
      %swap3A_109 = arith.index_cast %add3A_108 : i32 to index
      %swap3A_110 = tpu.vector_load %arg9[%swap3A_109] {strides = array<i32>} : memref<4096xi32, #tpu.memory_space<vmem>>, vector<16xi32>,
      tpu.vector_store %arg9[%swap3A_109], %broadcast_in_dim3A_5 {strides = array<i32>} : memref<4096xi32, #tpu.memory_space<vmem>>, vector<16xi32>,
      %mul3A_111 = arith.constant 16 : i32
      %mul3A_112 = arith.muli %scan3A_45, %mul3A_111 : i32
      %add3A_113 = arith.constant 2816 : i32
      %add3A_114 = arith.addi %add3A_113, %mul3A_112 : i32
      %swap3A_115 = arith.index_cast %add3A_114 : i32 to index
      %swap3A_116 = tpu.vector_load %arg9[%swap3A_115] {strides = array<i32>} : memref<4096xi32, #tpu.memory_space<vmem>>, vector<16xi32>,
      tpu.vector_store %arg9[%swap3A_115], %broadcast_in_dim3A_5 {strides = array<i32>} : memref<4096xi32, #tpu.memory_space<vmem>>, vector<16xi32>,
      %mul3A_117 = arith.constant 16 : i32
      %mul3A_118 = arith.muli %scan3A_45, %mul3A_117 : i32
      %add3A_119 = arith.constant 3072 : i32
      %add3A_120 = arith.addi %add3A_119, %mul3A_118 : i32
      %swap3A_121 = arith.index_cast %add3A_120 : i32 to index
      %swap3A_122 = tpu.vector_load %arg9[%swap3A_121] {strides = array<i32>} : memref<4096xi32, #tpu.memory_space<vmem>>, vector<16xi32>,
      tpu.vector_store %arg9[%swap3A_121], %broadcast_in_dim3A_5 {strides = array<i32>} : memref<4096xi32, #tpu.memory_space<vmem>>, vector<16xi32>,
      %mul3A_123 = arith.constant 16 : i32
      %mul3A_124 = arith.muli %scan3A_45, %mul3A_123 : i32
      %add3A_125 = arith.constant 3328 : i32
      %add3A_126 = arith.addi %add3A_125, %mul3A_124 : i32
      %swap3A_127 = arith.index_cast %add3A_126 : i32 to index
      %swap3A_128 = tpu.vector_load %arg9[%swap3A_127] {strides = array<i32>} : memref<4096xi32, #tpu.memory_space<vmem>>, vector<16xi32>,
      tpu.vector_store %arg9[%swap3A_127], %broadcast_in_dim3A_5 {strides = array<i32>} : memref<4096xi32, #tpu.memory_space<vmem>>, vector<16xi32>,
      %mul3A_129 = arith.constant 16 : i32
      %mul3A_130 = arith.muli %scan3A_45, %mul3A_129 : i32
      %add3A_131 = arith.constant 3584 : i32
      %add3A_132 = arith.addi %add3A_131, %mul3A_130 : i32
      %swap3A_133 = arith.index_cast %add3A_132 : i32 to index
      %swap3A_134 = tpu.vector_load %arg9[%swap3A_133] {strides = array<i32>} : memref<4096xi32, #tpu.memory_space<vmem>>, vector<16xi32>,
      tpu.vector_store %arg9[%swap3A_133], %broadcast_in_dim3A_5 {strides = array<i32>} : memref<4096xi32, #tpu.memory_space<vmem>>, vector<16xi32>,
      %mul3A_135 = arith.constant 16 : i32
      %mul3A_136 = arith.muli %scan3A_45, %mul3A_135 : i32
      %add3A_137 = arith.constant 3840 : i32
      %add3A_138 = arith.addi %add3A_137, %mul3A_136 : i32
      %swap3A_139 = arith.index_cast %add3A_138 : i32 to index
      %swap3A_140 = tpu.vector_load %arg9[%swap3A_139] {strides = array<i32>} : memref<4096xi32, #tpu.memory_space<vmem>>, vector<16xi32>,
      tpu.vector_store %arg9[%swap3A_139], %broadcast_in_dim3A_5 {strides = array<i32>} : memref<4096xi32, #tpu.memory_space<vmem>>, vector<16xi32>,
    }
    %scan3A_11 = arith.constant 16 : i32
    %mul3A_12 = arith.constant 2 : i32
    %mul3A_13 = arith.muli %add3A, %mul3A_12 : i32
    %dma_start3A = arith.constant 0 : i32
    %dma_start3A_14 = tpu.memref_slice %arg6[%dma_start3A] : memref<16384xf32, #tpu.memory_space<vmem>> -> memref<8192xf32, #tpu.memory_space<vmem>>
    %dma_start3A_15 = arith.constant 0 : i32
    %dma_start3A_16 = tpu.memref_slice %arg2[%mul3A_13, %dma_start3A_15] : memref<64x8192xf32, #tpu.memory_space<hbm>> -> memref<1x8192xf32, #tpu.memory_space<hbm>>
    %dma_start3A_17 = tpu.memref_squeeze %dma_start3A_16 : memref<1x8192xf32, #tpu.memory_space<hbm>> -> memref<8192xf32, #tpu.memory_space<hbm>>
    %dma_start3A_18 = arith.constant 0 : i32
    %dma_start3A_19 = tpu.memref_slice %arg6[%dma_start3A_18] : memref<16384xf32, #tpu.memory_space<vmem>> -> memref<8192xf32, #tpu.memory_space<vmem>>
    %dma_start3A_20 = arith.constant 0 : i32
    %dma_start3A_21 = tpu.memref_slice %arg2[%mul3A_13, %dma_start3A_20] : memref<64x8192xf32, #tpu.memory_space<hbm>> -> memref<1x8192xf32, #tpu.memory_space<hbm>>
    %dma_start3A_22 = tpu.memref_squeeze %dma_start3A_21 : memref<1x8192xf32, #tpu.memory_space<hbm>> -> memref<8192xf32, #tpu.memory_space<hbm>>
    tpu.enqueue_dma source(%dma_start3A_22 : memref<8192xf32, #tpu.memory_space<hbm>>) target(%dma_start3A_19 : memref<8192xf32, #tpu.memory_space<vmem>>) target_semaphore(%arg12 : memref<!tpu.dma_semaphore, #tpu.memory_space<semaphore_mem>>)
    %dma_start3A_23 = arith.constant 0 : i32
    %dma_start3A_24 = tpu.memref_slice %arg7[%dma_start3A_23] : memref<16384xf32, #tpu.memory_space<vmem>> -> memref<8192xf32, #tpu.memory_space<vmem>>
    %dma_start3A_25 = arith.constant 0 : i32
    %dma_start3A_26 = tpu.memref_slice %arg3[%mul3A_13, %dma_start3A_25] : memref<64x8192xf32, #tpu.memory_space<hbm>> -> memref<1x8192xf32, #tpu.memory_space<hbm>>
    %dma_start3A_27 = tpu.memref_squeeze %dma_start3A_26 : memref<1x8192xf32, #tpu.memory_space<hbm>> -> memref<8192xf32, #tpu.memory_space<hbm>>
    %dma_start3A_28 = arith.constant 0 : i32
    %dma_start3A_29 = tpu.memref_slice %arg7[%dma_start3A_28] : memref<16384xf32, #tpu.memory_space<vmem>> -> memref<8192xf32, #tpu.memory_space<vmem>>
    %dma_start3A_30 = arith.constant 0 : i32
    %dma_start3A_31 = tpu.memref_slice %arg3[%mul3A_13, %dma_start3A_30] : memref<64x8192xf32, #tpu.memory_space<hbm>> -> memref<1x8192xf32, #tpu.memory_space<hbm>>
    %dma_start3A_32 = tpu.memref_squeeze %dma_start3A_31 : memref<1x8192xf32, #tpu.memory_space<hbm>> -> memref<8192xf32, #tpu.memory_space<hbm>>
    tpu.enqueue_dma source(%dma_start3A_32 : memref<8192xf32, #tpu.memory_space<hbm>>) target(%dma_start3A_29 : memref<8192xf32, #tpu.memory_space<vmem>>) target_semaphore(%arg13 : memref<!tpu.dma_semaphore, #tpu.memory_space<semaphore_mem>>)
    %scan3A_33 = arith.constant 0 : i32
    %scan3A_34 = arith.constant 0 : i32
    %scan3A_35 = arith.constant 2 : i32
    %scan3A_36 = arith.addi %scan3A_34, %scan3A_35 : i32
    %scan3A_37 = arith.constant 1 : i32
    scf.for %scan3A_45 = %scan3A_34 to %scan3A_36 step %scan3A_37  : i32 {
      %mul3A_46 = arith.constant 2 : i32
      %mul3A_47 = arith.muli %add3A, %mul3A_46 : i32
      %add3A_48 = arith.addi %mul3A_47, %scan3A_45 : i32
      %and3A = arith.constant 1 : i32
      %and3A_49 = arith.andi %scan3A_45, %and3A : i32
      %mul3A_50 = arith.constant 8192 : i32
      %mul3A_51 = arith.muli %and3A_49, %mul3A_50 : i32
      %add3A_52 = arith.constant 1 : i32
      %add3A_53 = arith.addi %scan3A_45, %add3A_52 : i32
      %and3A_54 = arith.constant 1 : i32
      %and3A_55 = arith.andi %add3A_53, %and3A_54 : i32
      %mul3A_56 = arith.constant 8192 : i32
      %mul3A_57 = arith.muli %and3A_55, %mul3A_56 : i32
      %dma_wait3A_58 = tpu.memref_slice %arg6[%mul3A_51] : memref<16384xf32, #tpu.memory_space<vmem>> -> memref<8192xf32, #tpu.memory_space<vmem>>
      %dma_wait3A_59 = arith.constant 0 : i32
      %dma_wait3A_60 = tpu.memref_slice %arg2[%add3A_48, %dma_wait3A_59] : memref<64x8192xf32, #tpu.memory_space<hbm>> -> memref<1x8192xf32, #tpu.memory_space<hbm>>
      %dma_wait3A_61 = tpu.memref_squeeze %dma_wait3A_60 : memref<1x8192xf32, #tpu.memory_space<hbm>> -> memref<8192xf32, #tpu.memory_space<hbm>>
      %dma_wait3A_62 = tpu.memref_slice %arg6[%mul3A_51] : memref<16384xf32, #tpu.memory_space<vmem>> -> memref<8192xf32, #tpu.memory_space<vmem>>
      %dma_wait3A_63 = arith.constant 0 : i32
      %dma_wait3A_64 = tpu.memref_slice %arg2[%add3A_48, %dma_wait3A_63] : memref<64x8192xf32, #tpu.memory_space<hbm>> -> memref<1x8192xf32, #tpu.memory_space<hbm>>
      %dma_wait3A_65 = tpu.memref_squeeze %dma_wait3A_64 : memref<1x8192xf32, #tpu.memory_space<hbm>> -> memref<8192xf32, #tpu.memory_space<hbm>>
      tpu.wait_dma2 semaphore(%arg12 : memref<!tpu.dma_semaphore, #tpu.memory_space<semaphore_mem>>) src(%dma_wait3A_65 : memref<8192xf32, #tpu.memory_space<hbm>>) dst(%dma_wait3A_62 : memref<8192xf32, #tpu.memory_space<vmem>>)
      %add3A_66 = arith.constant 1 : i32
      %add3A_67 = arith.addi %scan3A_45, %add3A_66 : i32
      %lt3A = arith.constant 2 : i32
      %lt3A_68 = arith.cmpi slt, %add3A_67, %lt3A : i32
      %convert_element_type3A = arith.extui %lt3A_68 : i1 to i32
      %cond3A = arith.constant 0 : i32
      %cond3A_69 = arith.cmpi ne, %convert_element_type3A, %cond3A : i32
      scf.if %cond3A_69 {
        %add3A_192 = arith.constant 1 : i32
        %add3A_193 = arith.addi %add3A_48, %add3A_192 : i32
        %dma_start3A_194 = tpu.memref_slice %arg6[%mul3A_57] : memref<16384xf32, #tpu.memory_space<vmem>> -> memref<8192xf32, #tpu.memory_space<vmem>>
        %dma_start3A_195 = arith.constant 0 : i32
        %dma_start3A_196 = tpu.memref_slice %arg2[%add3A_193, %dma_start3A_195] : memref<64x8192xf32, #tpu.memory_space<hbm>> -> memref<1x8192xf32, #tpu.memory_space<hbm>>
        %dma_start3A_197 = tpu.memref_squeeze %dma_start3A_196 : memref<1x8192xf32, #tpu.memory_space<hbm>> -> memref<8192xf32, #tpu.memory_space<hbm>>
        %dma_start3A_198 = tpu.memref_slice %arg6[%mul3A_57] : memref<16384xf32, #tpu.memory_space<vmem>> -> memref<8192xf32, #tpu.memory_space<vmem>>
        %dma_start3A_199 = arith.constant 0 : i32
        %dma_start3A_200 = tpu.memref_slice %arg2[%add3A_193, %dma_start3A_199] : memref<64x8192xf32, #tpu.memory_space<hbm>> -> memref<1x8192xf32, #tpu.memory_space<hbm>>
        %dma_start3A_201 = tpu.memref_squeeze %dma_start3A_200 : memref<1x8192xf32, #tpu.memory_space<hbm>> -> memref<8192xf32, #tpu.memory_space<hbm>>
        tpu.enqueue_dma source(%dma_start3A_201 : memref<8192xf32, #tpu.memory_space<hbm>>) target(%dma_start3A_198 : memref<8192xf32, #tpu.memory_space<vmem>>) target_semaphore(%arg12 : memref<!tpu.dma_semaphore, #tpu.memory_space<semaphore_mem>>)
        %add3A_202 = arith.constant 1 : i32
        %add3A_203 = arith.addi %add3A_48, %add3A_202 : i32
        %dma_start3A_204 = tpu.memref_slice %arg7[%mul3A_57] : memref<16384xf32, #tpu.memory_space<vmem>> -> memref<8192xf32, #tpu.memory_space<vmem>>
        %dma_start3A_205 = arith.constant 0 : i32
        %dma_start3A_206 = tpu.memref_slice %arg3[%add3A_203, %dma_start3A_205] : memref<64x8192xf32, #tpu.memory_space<hbm>> -> memref<1x8192xf32, #tpu.memory_space<hbm>>
        %dma_start3A_207 = tpu.memref_squeeze %dma_start3A_206 : memref<1x8192xf32, #tpu.memory_space<hbm>> -> memref<8192xf32, #tpu.memory_space<hbm>>
        %dma_start3A_208 = tpu.memref_slice %arg7[%mul3A_57] : memref<16384xf32, #tpu.memory_space<vmem>> -> memref<8192xf32, #tpu.memory_space<vmem>>
        %dma_start3A_209 = arith.constant 0 : i32
        %dma_start3A_210 = tpu.memref_slice %arg3[%add3A_203, %dma_start3A_209] : memref<64x8192xf32, #tpu.memory_space<hbm>> -> memref<1x8192xf32, #tpu.memory_space<hbm>>
        %dma_start3A_211 = tpu.memref_squeeze %dma_start3A_210 : memref<1x8192xf32, #tpu.memory_space<hbm>> -> memref<8192xf32, #tpu.memory_space<hbm>>
        tpu.enqueue_dma source(%dma_start3A_211 : memref<8192xf32, #tpu.memory_space<hbm>>) target(%dma_start3A_208 : memref<8192xf32, #tpu.memory_space<vmem>>) target_semaphore(%arg13 : memref<!tpu.dma_semaphore, #tpu.memory_space<semaphore_mem>>)
      } else {
      }
      %broadcast_in_dim3A_70 = arith.constant 0xFF800000 : f32
      %broadcast_in_dim3A_71 = vector.broadcast %broadcast_in_dim3A_70 : f32 to vector<16xf32>
      %scan3A_72 = arith.constant 0 : i32
      %scan3A_73 = arith.constant 64 : i32
      %scan3A_74 = arith.addi %scan3A_72, %scan3A_73 : i32
      %scan3A_75 = arith.constant 1 : i32
      %scan3A_76 = scf.for %scan3A_192 = %scan3A_72 to %scan3A_74 step %scan3A_75 iter_args(%scan3A_193 = %broadcast_in_dim3A_71) -> (vector<16xf32>)  : i32 {
        %mul3A_194 = arith.constant 8 : i32
        %mul3A_195 = arith.muli %scan3A_192, %mul3A_194 : i32
        %add3A_196 = arith.constant 0 : i32
        %add3A_197 = arith.addi %mul3A_195, %add3A_196 : i32
        %mul3A_198 = arith.constant 16 : i32
        %mul3A_199 = arith.muli %add3A_197, %mul3A_198 : i32
        %add3A_200 = arith.addi %mul3A_51, %mul3A_199 : i32
        %get3A_201 = arith.index_cast %add3A_200 : i32 to index
        %get3A_202 = tpu.vector_load %arg6[%get3A_201] {strides = array<i32>} : memref<16384xf32, #tpu.memory_space<vmem>>, vector<16xf32>,
        %max3A = arith.maximumf %scan3A_193, %get3A_202 : vector<16xf32>
        %mul3A_203 = arith.constant 8 : i32
        %mul3A_204 = arith.muli %scan3A_192, %mul3A_203 : i32
        %add3A_205 = arith.constant 1 : i32
        %add3A_206 = arith.addi %mul3A_204, %add3A_205 : i32
        %mul3A_207 = arith.constant 16 : i32
        %mul3A_208 = arith.muli %add3A_206, %mul3A_207 : i32
        %add3A_209 = arith.addi %mul3A_51, %mul3A_208 : i32
        %get3A_210 = arith.index_cast %add3A_209 : i32 to index
        %get3A_211 = tpu.vector_load %arg6[%get3A_210] {strides = array<i32>} : memref<16384xf32, #tpu.memory_space<vmem>>, vector<16xf32>,
        %max3A_212 = arith.maximumf %max3A, %get3A_211 : vector<16xf32>
        %mul3A_213 = arith.constant 8 : i32
        %mul3A_214 = arith.muli %scan3A_192, %mul3A_213 : i32
        %add3A_215 = arith.constant 2 : i32
        %add3A_216 = arith.addi %mul3A_214, %add3A_215 : i32
        %mul3A_217 = arith.constant 16 : i32
        %mul3A_218 = arith.muli %add3A_216, %mul3A_217 : i32
        %add3A_219 = arith.addi %mul3A_51, %mul3A_218 : i32
        %get3A_220 = arith.index_cast %add3A_219 : i32 to index
        %get3A_221 = tpu.vector_load %arg6[%get3A_220] {strides = array<i32>} : memref<16384xf32, #tpu.memory_space<vmem>>, vector<16xf32>,
        %max3A_222 = arith.maximumf %max3A_212, %get3A_221 : vector<16xf32>
        %mul3A_223 = arith.constant 8 : i32
        %mul3A_224 = arith.muli %scan3A_192, %mul3A_223 : i32
        %add3A_225 = arith.constant 3 : i32
        %add3A_226 = arith.addi %mul3A_224, %add3A_225 : i32
        %mul3A_227 = arith.constant 16 : i32
        %mul3A_228 = arith.muli %add3A_226, %mul3A_227 : i32
        %add3A_229 = arith.addi %mul3A_51, %mul3A_228 : i32
        %get3A_230 = arith.index_cast %add3A_229 : i32 to index
        %get3A_231 = tpu.vector_load %arg6[%get3A_230] {strides = array<i32>} : memref<16384xf32, #tpu.memory_space<vmem>>, vector<16xf32>,
        %max3A_232 = arith.maximumf %max3A_222, %get3A_231 : vector<16xf32>
        %mul3A_233 = arith.constant 8 : i32
        %mul3A_234 = arith.muli %scan3A_192, %mul3A_233 : i32
        %add3A_235 = arith.constant 4 : i32
        %add3A_236 = arith.addi %mul3A_234, %add3A_235 : i32
        %mul3A_237 = arith.constant 16 : i32
        %mul3A_238 = arith.muli %add3A_236, %mul3A_237 : i32
        %add3A_239 = arith.addi %mul3A_51, %mul3A_238 : i32
        %get3A_240 = arith.index_cast %add3A_239 : i32 to index
        %get3A_241 = tpu.vector_load %arg6[%get3A_240] {strides = array<i32>} : memref<16384xf32, #tpu.memory_space<vmem>>, vector<16xf32>,
        %max3A_242 = arith.maximumf %max3A_232, %get3A_241 : vector<16xf32>
        %mul3A_243 = arith.constant 8 : i32
        %mul3A_244 = arith.muli %scan3A_192, %mul3A_243 : i32
        %add3A_245 = arith.constant 5 : i32
        %add3A_246 = arith.addi %mul3A_244, %add3A_245 : i32
        %mul3A_247 = arith.constant 16 : i32
        %mul3A_248 = arith.muli %add3A_246, %mul3A_247 : i32
        %add3A_249 = arith.addi %mul3A_51, %mul3A_248 : i32
        %get3A_250 = arith.index_cast %add3A_249 : i32 to index
        %get3A_251 = tpu.vector_load %arg6[%get3A_250] {strides = array<i32>} : memref<16384xf32, #tpu.memory_space<vmem>>, vector<16xf32>,
        %max3A_252 = arith.maximumf %max3A_242, %get3A_251 : vector<16xf32>
        %mul3A_253 = arith.constant 8 : i32
        %mul3A_254 = arith.muli %scan3A_192, %mul3A_253 : i32
        %add3A_255 = arith.constant 6 : i32
        %add3A_256 = arith.addi %mul3A_254, %add3A_255 : i32
        %mul3A_257 = arith.constant 16 : i32
        %mul3A_258 = arith.muli %add3A_256, %mul3A_257 : i32
        %add3A_259 = arith.addi %mul3A_51, %mul3A_258 : i32
        %get3A_260 = arith.index_cast %add3A_259 : i32 to index
        %get3A_261 = tpu.vector_load %arg6[%get3A_260] {strides = array<i32>} : memref<16384xf32, #tpu.memory_space<vmem>>, vector<16xf32>,
        %max3A_262 = arith.maximumf %max3A_252, %get3A_261 : vector<16xf32>
        %mul3A_263 = arith.constant 8 : i32
        %mul3A_264 = arith.muli %scan3A_192, %mul3A_263 : i32
        %add3A_265 = arith.constant 7 : i32
        %add3A_266 = arith.addi %mul3A_264, %add3A_265 : i32
        %mul3A_267 = arith.constant 16 : i32
        %mul3A_268 = arith.muli %add3A_266, %mul3A_267 : i32
        %add3A_269 = arith.addi %mul3A_51, %mul3A_268 : i32
        %get3A_270 = arith.index_cast %add3A_269 : i32 to index
        %get3A_271 = tpu.vector_load %arg6[%get3A_270] {strides = array<i32>} : memref<16384xf32, #tpu.memory_space<vmem>>, vector<16xf32>,
        %max3A_272 = arith.maximumf %max3A_262, %get3A_271 : vector<16xf32>
        scf.yield %max3A_272 : vector<16xf32>
      }
      %scan3A_77 = arith.constant 64 : i32
      %reduce_max3A = arith.constant true
      %reduce_max3A_78 = vector.broadcast %reduce_max3A : i1 to vector<16xi1>
      %reduce_max3A_79 = tpu.scan <max>, %scan3A_76 masked %reduce_max3A_78 : vector<16xf32>, vector<16xi1> -> vector<16xf32>
      %reduce_max3A_80 = vector.extract %reduce_max3A_79[15] : f32 from vector<16xf32>
      %eq3A = arith.constant 0.000000e+00 : f32
      %eq3A_81 = arith.cmpf oeq, %reduce_max3A_80, %eq3A : f32
      %jit3A = arith.constant 1.000000e+00 : f32
      %select_n3A = arith.select %eq3A_81, %jit3A, %reduce_max3A_80 : f32
      %broadcast_in_dim3A_82 = vector.broadcast %select_n3A : f32 to vector<16xf32>
      %div3A = arith.constant 1.000000e+00 : f32
      %div3A_83 = vector.broadcast %div3A : f32 to vector<16xf32>
      %div3A_84 = arith.divf %div3A_83, %broadcast_in_dim3A_82 : vector<16xf32>
      %mul3A_85 = arith.mulf %get3A_6, %div3A_84 : vector<16xf32>
      %broadcast_in_dim3A_86 = arith.constant -2147483648 : i32
      %broadcast_in_dim3A_87 = vector.broadcast %broadcast_in_dim3A_86 : i32 to vector<16xi32>
      %dma_wait3A_88 = tpu.memref_slice %arg7[%mul3A_51] : memref<16384xf32, #tpu.memory_space<vmem>> -> memref<8192xf32, #tpu.memory_space<vmem>>
      %dma_wait3A_89 = arith.constant 0 : i32
      %dma_wait3A_90 = tpu.memref_slice %arg3[%add3A_48, %dma_wait3A_89] : memref<64x8192xf32, #tpu.memory_space<hbm>> -> memref<1x8192xf32, #tpu.memory_space<hbm>>
      %dma_wait3A_91 = tpu.memref_squeeze %dma_wait3A_90 : memref<1x8192xf32, #tpu.memory_space<hbm>> -> memref<8192xf32, #tpu.memory_space<hbm>>
      %dma_wait3A_92 = tpu.memref_slice %arg7[%mul3A_51] : memref<16384xf32, #tpu.memory_space<vmem>> -> memref<8192xf32, #tpu.memory_space<vmem>>
      %dma_wait3A_93 = arith.constant 0 : i32
      %dma_wait3A_94 = tpu.memref_slice %arg3[%add3A_48, %dma_wait3A_93] : memref<64x8192xf32, #tpu.memory_space<hbm>> -> memref<1x8192xf32, #tpu.memory_space<hbm>>
      %dma_wait3A_95 = tpu.memref_squeeze %dma_wait3A_94 : memref<1x8192xf32, #tpu.memory_space<hbm>> -> memref<8192xf32, #tpu.memory_space<hbm>>
      tpu.wait_dma2 semaphore(%arg13 : memref<!tpu.dma_semaphore, #tpu.memory_space<semaphore_mem>>) src(%dma_wait3A_95 : memref<8192xf32, #tpu.memory_space<hbm>>) dst(%dma_wait3A_92 : memref<8192xf32, #tpu.memory_space<vmem>>)
      %parallel_loop3A = arith.constant 0 : i32
      %parallel_loop3A_96 = arith.constant 512 : i32
      %parallel_loop3A_97 = arith.constant 1 : i32
      scf.for %parallel_loop3A_192 = %parallel_loop3A to %parallel_loop3A_96 step %parallel_loop3A_97  : i32 {
        %parallel_loop3A_193 = arith.constant 16 : i32
        %parallel_loop3A_194 = arith.muli %parallel_loop3A_192, %parallel_loop3A_193 : i32
        %parallel_loop3A_195 = arith.addi %mul3A_51, %parallel_loop3A_194 : i32
        %parallel_loop3A_196 = arith.index_cast %parallel_loop3A_195 : i32 to index
        %parallel_loop3A_197 = tpu.vector_load %arg6[%parallel_loop3A_196] {strides = array<i32>} : memref<16384xf32, #tpu.memory_space<vmem>>, vector<16xf32>,
        %parallel_loop3A_198 = arith.addi %mul3A_51, %parallel_loop3A_194 : i32
        %parallel_loop3A_199 = arith.index_cast %parallel_loop3A_198 : i32 to index
        %parallel_loop3A_200 = tpu.vector_load %arg7[%parallel_loop3A_199] {strides = array<i32>} : memref<16384xf32, #tpu.memory_space<vmem>>, vector<16xf32>,
        %parallel_loop3A_201 = arith.mulf %parallel_loop3A_197, %mul3A_85 : vector<16xf32>
        %parallel_loop3A_202 = arith.addf %parallel_loop3A_200, %parallel_loop3A_201 : vector<16xf32>
        %parallel_loop3A_203 = arith.constant 0.000000e+00 : f32
        %parallel_loop3A_204 = vector.broadcast %parallel_loop3A_203 : f32 to vector<16xf32>
        %parallel_loop3A_205 = arith.maximumf %parallel_loop3A_197, %parallel_loop3A_204 : vector<16xf32>
        %parallel_loop3A_206 = arith.addf %parallel_loop3A_205, %parallel_loop3A_202 : vector<16xf32>
        %parallel_loop3A_207 = vector.bitcast %parallel_loop3A_206 : vector<16xf32> to vector<16xi32>
        %parallel_loop3A_208 = arith.constant 31 : i32
        %parallel_loop3A_209 = vector.broadcast %parallel_loop3A_208 : i32 to vector<16xi32>
        %parallel_loop3A_210 = arith.shrsi %parallel_loop3A_207, %parallel_loop3A_209 : vector<16xi32>
        %parallel_loop3A_211 = arith.ori %parallel_loop3A_210, %broadcast_in_dim3A_87 : vector<16xi32>
        %parallel_loop3A_212 = arith.xori %parallel_loop3A_207, %parallel_loop3A_211 : vector<16xi32>
        %parallel_loop3A_213 = arith.index_cast %parallel_loop3A_194 : i32 to index
        %parallel_loop3A_214 = tpu.vector_load %arg8[%parallel_loop3A_213] {strides = array<i32>} : memref<8192xi32, #tpu.memory_space<vmem>>, vector<16xi32>,
        tpu.vector_store %arg8[%parallel_loop3A_213], %parallel_loop3A_212 {strides = array<i32>} : memref<8192xi32, #tpu.memory_space<vmem>>, vector<16xi32>,
        %parallel_loop3A_215 = arith.constant 24 : i32
        %parallel_loop3A_216 = vector.broadcast %parallel_loop3A_215 : i32 to vector<16xi32>
        %parallel_loop3A_217 = arith.shrui %parallel_loop3A_212, %parallel_loop3A_216 : vector<16xi32>
        %parallel_loop3A_218 = arith.ori %shift_left3A, %parallel_loop3A_217 : vector<16xi32>
        tpu.vector_store_idx %arg9[%parallel_loop3A_218], %broadcast_in_dim3A_3 {add = true} : memref<4096xi32, #tpu.memory_space<vmem>>[vector<16xi32>], vector<16xi32>,
      } {sc.loop_unroll_factor = 8 : i64, sc.parallel_access}
      %sub3A = arith.constant 8192 : i32
      %sub3A_98 = arith.constant 164 : i32
      %sub3A_99 = arith.subi %sub3A, %sub3A_98 : i32
      %broadcast_in_dim3A_100 = vector.broadcast %sub3A_99 : i32 to vector<16xi32>
      %broadcast_in_dim3A_101 = arith.constant -1 : i32
      %broadcast_in_dim3A_102 = vector.broadcast %broadcast_in_dim3A_101 : i32 to vector<16xi32>
      %scan3A_103 = arith.constant 0 : i32
      %scan3A_104 = arith.constant 16 : i32
      %scan3A_105 = arith.addi %scan3A_103, %scan3A_104 : i32
      %scan3A_106 = arith.constant 1 : i32
      %scan3A_107:4 = scf.for %scan3A_192 = %scan3A_103 to %scan3A_105 step %scan3A_106 iter_args(%scan3A_193 = %broadcast_in_dim3A_5, %scan3A_194 = %broadcast_in_dim3A_102, %scan3A_195 = %broadcast_in_dim3A_5, %scan3A_196 = %broadcast_in_dim3A_5) -> (vector<16xi32>, vector<16xi32>, vector<16xi32>, vector<16xi32>)  : i32 {
        %mul3A_197 = arith.constant 16 : i32
        %mul3A_198 = arith.muli %scan3A_192, %mul3A_197 : i32
        %get3A_199 = arith.index_cast %mul3A_198 : i32 to index
        %get3A_200 = tpu.vector_load %arg9[%get3A_199] {strides = array<i32>} : memref<4096xi32, #tpu.memory_space<vmem>>, vector<16xi32>,
        %mul3A_201 = arith.constant 16 : i32
        %mul3A_202 = arith.muli %scan3A_192, %mul3A_201 : i32
        %swap3A = arith.index_cast %mul3A_202 : i32 to index
        %swap3A_203 = tpu.vector_load %arg9[%swap3A] {strides = array<i32>} : memref<4096xi32, #tpu.memory_space<vmem>>, vector<16xi32>,
        tpu.vector_store %arg9[%swap3A], %broadcast_in_dim3A_5 {strides = array<i32>} : memref<4096xi32, #tpu.memory_space<vmem>>, vector<16xi32>,
        %mul3A_204 = arith.constant 16 : i32
        %mul3A_205 = arith.muli %scan3A_192, %mul3A_204 : i32
        %add3A_206 = arith.constant 256 : i32
        %add3A_207 = arith.addi %add3A_206, %mul3A_205 : i32
        %get3A_208 = arith.index_cast %add3A_207 : i32 to index
        %get3A_209 = tpu.vector_load %arg9[%get3A_208] {strides = array<i32>} : memref<4096xi32, #tpu.memory_space<vmem>>, vector<16xi32>,
        %add3A_210 = arith.addi %get3A_200, %get3A_209 : vector<16xi32>
        %mul3A_211 = arith.constant 16 : i32
        %mul3A_212 = arith.muli %scan3A_192, %mul3A_211 : i32
        %add3A_213 = arith.constant 256 : i32
        %add3A_214 = arith.addi %add3A_213, %mul3A_212 : i32
        %swap3A_215 = arith.index_cast %add3A_214 : i32 to index
        %swap3A_216 = tpu.vector_load %arg9[%swap3A_215] {strides = array<i32>} : memref<4096xi32, #tpu.memory_space<vmem>>, vector<16xi32>,
        tpu.vector_store %arg9[%swap3A_215], %broadcast_in_dim3A_5 {strides = array<i32>} : memref<4096xi32, #tpu.memory_space<vmem>>, vector<16xi32>,
        %mul3A_217 = arith.constant 16 : i32
        %mul3A_218 = arith.muli %scan3A_192, %mul3A_217 : i32
        %add3A_219 = arith.constant 512 : i32
        %add3A_220 = arith.addi %add3A_219, %mul3A_218 : i32
        %get3A_221 = arith.index_cast %add3A_220 : i32 to index
        %get3A_222 = tpu.vector_load %arg9[%get3A_221] {strides = array<i32>} : memref<4096xi32, #tpu.memory_space<vmem>>, vector<16xi32>,
        %add3A_223 = arith.addi %add3A_210, %get3A_222 : vector<16xi32>
        %mul3A_224 = arith.constant 16 : i32
        %mul3A_225 = arith.muli %scan3A_192, %mul3A_224 : i32
        %add3A_226 = arith.constant 512 : i32
        %add3A_227 = arith.addi %add3A_226, %mul3A_225 : i32
        %swap3A_228 = arith.index_cast %add3A_227 : i32 to index
        %swap3A_229 = tpu.vector_load %arg9[%swap3A_228] {strides = array<i32>} : memref<4096xi32, #tpu.memory_space<vmem>>, vector<16xi32>,
        tpu.vector_store %arg9[%swap3A_228], %broadcast_in_dim3A_5 {strides = array<i32>} : memref<4096xi32, #tpu.memory_space<vmem>>, vector<16xi32>,
        %mul3A_230 = arith.constant 16 : i32
        %mul3A_231 = arith.muli %scan3A_192, %mul3A_230 : i32
        %add3A_232 = arith.constant 768 : i32
        %add3A_233 = arith.addi %add3A_232, %mul3A_231 : i32
        %get3A_234 = arith.index_cast %add3A_233 : i32 to index
        %get3A_235 = tpu.vector_load %arg9[%get3A_234] {strides = array<i32>} : memref<4096xi32, #tpu.memory_space<vmem>>, vector<16xi32>,
        %add3A_236 = arith.addi %add3A_223, %get3A_235 : vector<16xi32>
        %mul3A_237 = arith.constant 16 : i32
        %mul3A_238 = arith.muli %scan3A_192, %mul3A_237 : i32
        %add3A_239 = arith.constant 768 : i32
        %add3A_240 = arith.addi %add3A_239, %mul3A_238 : i32
        %swap3A_241 = arith.index_cast %add3A_240 : i32 to index
        %swap3A_242 = tpu.vector_load %arg9[%swap3A_241] {strides = array<i32>} : memref<4096xi32, #tpu.memory_space<vmem>>, vector<16xi32>,
        tpu.vector_store %arg9[%swap3A_241], %broadcast_in_dim3A_5 {strides = array<i32>} : memref<4096xi32, #tpu.memory_space<vmem>>, vector<16xi32>,
        %mul3A_243 = arith.constant 16 : i32
        %mul3A_244 = arith.muli %scan3A_192, %mul3A_243 : i32
        %add3A_245 = arith.constant 1024 : i32
        %add3A_246 = arith.addi %add3A_245, %mul3A_244 : i32
        %get3A_247 = arith.index_cast %add3A_246 : i32 to index
        %get3A_248 = tpu.vector_load %arg9[%get3A_247] {strides = array<i32>} : memref<4096xi32, #tpu.memory_space<vmem>>, vector<16xi32>,
        %add3A_249 = arith.addi %add3A_236, %get3A_248 : vector<16xi32>
        %mul3A_250 = arith.constant 16 : i32
        %mul3A_251 = arith.muli %scan3A_192, %mul3A_250 : i32
        %add3A_252 = arith.constant 1024 : i32
        %add3A_253 = arith.addi %add3A_252, %mul3A_251 : i32
        %swap3A_254 = arith.index_cast %add3A_253 : i32 to index
        %swap3A_255 = tpu.vector_load %arg9[%swap3A_254] {strides = array<i32>} : memref<4096xi32, #tpu.memory_space<vmem>>, vector<16xi32>,
        tpu.vector_store %arg9[%swap3A_254], %broadcast_in_dim3A_5 {strides = array<i32>} : memref<4096xi32, #tpu.memory_space<vmem>>, vector<16xi32>,
        %mul3A_256 = arith.constant 16 : i32
        %mul3A_257 = arith.muli %scan3A_192, %mul3A_256 : i32
        %add3A_258 = arith.constant 1280 : i32
        %add3A_259 = arith.addi %add3A_258, %mul3A_257 : i32
        %get3A_260 = arith.index_cast %add3A_259 : i32 to index
        %get3A_261 = tpu.vector_load %arg9[%get3A_260] {strides = array<i32>} : memref<4096xi32, #tpu.memory_space<vmem>>, vector<16xi32>,
        %add3A_262 = arith.addi %add3A_249, %get3A_261 : vector<16xi32>
        %mul3A_263 = arith.constant 16 : i32
        %mul3A_264 = arith.muli %scan3A_192, %mul3A_263 : i32
        %add3A_265 = arith.constant 1280 : i32
        %add3A_266 = arith.addi %add3A_265, %mul3A_264 : i32
        %swap3A_267 = arith.index_cast %add3A_266 : i32 to index
        %swap3A_268 = tpu.vector_load %arg9[%swap3A_267] {strides = array<i32>} : memref<4096xi32, #tpu.memory_space<vmem>>, vector<16xi32>,
        tpu.vector_store %arg9[%swap3A_267], %broadcast_in_dim3A_5 {strides = array<i32>} : memref<4096xi32, #tpu.memory_space<vmem>>, vector<16xi32>,
        %mul3A_269 = arith.constant 16 : i32
        %mul3A_270 = arith.muli %scan3A_192, %mul3A_269 : i32
        %add3A_271 = arith.constant 1536 : i32
        %add3A_272 = arith.addi %add3A_271, %mul3A_270 : i32
        %get3A_273 = arith.index_cast %add3A_272 : i32 to index
        %get3A_274 = tpu.vector_load %arg9[%get3A_273] {strides = array<i32>} : memref<4096xi32, #tpu.memory_space<vmem>>, vector<16xi32>,
        %add3A_275 = arith.addi %add3A_262, %get3A_274 : vector<16xi32>
        %mul3A_276 = arith.constant 16 : i32
        %mul3A_277 = arith.muli %scan3A_192, %mul3A_276 : i32
        %add3A_278 = arith.constant 1536 : i32
        %add3A_279 = arith.addi %add3A_278, %mul3A_277 : i32
        %swap3A_280 = arith.index_cast %add3A_279 : i32 to index
        %swap3A_281 = tpu.vector_load %arg9[%swap3A_280] {strides = array<i32>} : memref<4096xi32, #tpu.memory_space<vmem>>, vector<16xi32>,
        tpu.vector_store %arg9[%swap3A_280], %broadcast_in_dim3A_5 {strides = array<i32>} : memref<4096xi32, #tpu.memory_space<vmem>>, vector<16xi32>,
        %mul3A_282 = arith.constant 16 : i32
        %mul3A_283 = arith.muli %scan3A_192, %mul3A_282 : i32
        %add3A_284 = arith.constant 1792 : i32
        %add3A_285 = arith.addi %add3A_284, %mul3A_283 : i32
        %get3A_286 = arith.index_cast %add3A_285 : i32 to index
        %get3A_287 = tpu.vector_load %arg9[%get3A_286] {strides = array<i32>} : memref<4096xi32, #tpu.memory_space<vmem>>, vector<16xi32>,
        %add3A_288 = arith.addi %add3A_275, %get3A_287 : vector<16xi32>
        %mul3A_289 = arith.constant 16 : i32
        %mul3A_290 = arith.muli %scan3A_192, %mul3A_289 : i32
        %add3A_291 = arith.constant 1792 : i32
        %add3A_292 = arith.addi %add3A_291, %mul3A_290 : i32
        %swap3A_293 = arith.index_cast %add3A_292 : i32 to index
        %swap3A_294 = tpu.vector_load %arg9[%swap3A_293] {strides = array<i32>} : memref<4096xi32, #tpu.memory_space<vmem>>, vector<16xi32>,
        tpu.vector_store %arg9[%swap3A_293], %broadcast_in_dim3A_5 {strides = array<i32>} : memref<4096xi32, #tpu.memory_space<vmem>>, vector<16xi32>,
        %mul3A_295 = arith.constant 16 : i32
        %mul3A_296 = arith.muli %scan3A_192, %mul3A_295 : i32
        %add3A_297 = arith.constant 2048 : i32
        %add3A_298 = arith.addi %add3A_297, %mul3A_296 : i32
        %get3A_299 = arith.index_cast %add3A_298 : i32 to index
        %get3A_300 = tpu.vector_load %arg9[%get3A_299] {strides = array<i32>} : memref<4096xi32, #tpu.memory_space<vmem>>, vector<16xi32>,
        %add3A_301 = arith.addi %add3A_288, %get3A_300 : vector<16xi32>
        %mul3A_302 = arith.constant 16 : i32
        %mul3A_303 = arith.muli %scan3A_192, %mul3A_302 : i32
        %add3A_304 = arith.constant 2048 : i32
        %add3A_305 = arith.addi %add3A_304, %mul3A_303 : i32
        %swap3A_306 = arith.index_cast %add3A_305 : i32 to index
        %swap3A_307 = tpu.vector_load %arg9[%swap3A_306] {strides = array<i32>} : memref<4096xi32, #tpu.memory_space<vmem>>, vector<16xi32>,
        tpu.vector_store %arg9[%swap3A_306], %broadcast_in_dim3A_5 {strides = array<i32>} : memref<4096xi32, #tpu.memory_space<vmem>>, vector<16xi32>,
        %mul3A_308 = arith.constant 16 : i32
        %mul3A_309 = arith.muli %scan3A_192, %mul3A_308 : i32
        %add3A_310 = arith.constant 2304 : i32
        %add3A_311 = arith.addi %add3A_310, %mul3A_309 : i32
        %get3A_312 = arith.index_cast %add3A_311 : i32 to index
        %get3A_313 = tpu.vector_load %arg9[%get3A_312] {strides = array<i32>} : memref<4096xi32, #tpu.memory_space<vmem>>, vector<16xi32>,
        %add3A_314 = arith.addi %add3A_301, %get3A_313 : vector<16xi32>
        %mul3A_315 = arith.constant 16 : i32
        %mul3A_316 = arith.muli %scan3A_192, %mul3A_315 : i32
        %add3A_317 = arith.constant 2304 : i32
        %add3A_318 = arith.addi %add3A_317, %mul3A_316 : i32
        %swap3A_319 = arith.index_cast %add3A_318 : i32 to index
        %swap3A_320 = tpu.vector_load %arg9[%swap3A_319] {strides = array<i32>} : memref<4096xi32, #tpu.memory_space<vmem>>, vector<16xi32>,
        tpu.vector_store %arg9[%swap3A_319], %broadcast_in_dim3A_5 {strides = array<i32>} : memref<4096xi32, #tpu.memory_space<vmem>>, vector<16xi32>,
        %mul3A_321 = arith.constant 16 : i32
        %mul3A_322 = arith.muli %scan3A_192, %mul3A_321 : i32
        %add3A_323 = arith.constant 2560 : i32
        %add3A_324 = arith.addi %add3A_323, %mul3A_322 : i32
        %get3A_325 = arith.index_cast %add3A_324 : i32 to index
        %get3A_326 = tpu.vector_load %arg9[%get3A_325] {strides = array<i32>} : memref<4096xi32, #tpu.memory_space<vmem>>, vector<16xi32>,
        %add3A_327 = arith.addi %add3A_314, %get3A_326 : vector<16xi32>
        %mul3A_328 = arith.constant 16 : i32
        %mul3A_329 = arith.muli %scan3A_192, %mul3A_328 : i32
        %add3A_330 = arith.constant 2560 : i32
        %add3A_331 = arith.addi %add3A_330, %mul3A_329 : i32
        %swap3A_332 = arith.index_cast %add3A_331 : i32 to index
        %swap3A_333 = tpu.vector_load %arg9[%swap3A_332] {strides = array<i32>} : memref<4096xi32, #tpu.memory_space<vmem>>, vector<16xi32>,
        tpu.vector_store %arg9[%swap3A_332], %broadcast_in_dim3A_5 {strides = array<i32>} : memref<4096xi32, #tpu.memory_space<vmem>>, vector<16xi32>,
        %mul3A_334 = arith.constant 16 : i32
        %mul3A_335 = arith.muli %scan3A_192, %mul3A_334 : i32
        %add3A_336 = arith.constant 2816 : i32
        %add3A_337 = arith.addi %add3A_336, %mul3A_335 : i32
        %get3A_338 = arith.index_cast %add3A_337 : i32 to index
        %get3A_339 = tpu.vector_load %arg9[%get3A_338] {strides = array<i32>} : memref<4096xi32, #tpu.memory_space<vmem>>, vector<16xi32>,
        %add3A_340 = arith.addi %add3A_327, %get3A_339 : vector<16xi32>
        %mul3A_341 = arith.constant 16 : i32
        %mul3A_342 = arith.muli %scan3A_192, %mul3A_341 : i32
        %add3A_343 = arith.constant 2816 : i32
        %add3A_344 = arith.addi %add3A_343, %mul3A_342 : i32
        %swap3A_345 = arith.index_cast %add3A_344 : i32 to index
        %swap3A_346 = tpu.vector_load %arg9[%swap3A_345] {strides = array<i32>} : memref<4096xi32, #tpu.memory_space<vmem>>, vector<16xi32>,
        tpu.vector_store %arg9[%swap3A_345], %broadcast_in_dim3A_5 {strides = array<i32>} : memref<4096xi32, #tpu.memory_space<vmem>>, vector<16xi32>,
        %mul3A_347 = arith.constant 16 : i32
        %mul3A_348 = arith.muli %scan3A_192, %mul3A_347 : i32
        %add3A_349 = arith.constant 3072 : i32
        %add3A_350 = arith.addi %add3A_349, %mul3A_348 : i32
        %get3A_351 = arith.index_cast %add3A_350 : i32 to index
        %get3A_352 = tpu.vector_load %arg9[%get3A_351] {strides = array<i32>} : memref<4096xi32, #tpu.memory_space<vmem>>, vector<16xi32>,
        %add3A_353 = arith.addi %add3A_340, %get3A_352 : vector<16xi32>
        %mul3A_354 = arith.constant 16 : i32
        %mul3A_355 = arith.muli %scan3A_192, %mul3A_354 : i32
        %add3A_356 = arith.constant 3072 : i32
        %add3A_357 = arith.addi %add3A_356, %mul3A_355 : i32
        %swap3A_358 = arith.index_cast %add3A_357 : i32 to index
        %swap3A_359 = tpu.vector_load %arg9[%swap3A_358] {strides = array<i32>} : memref<4096xi32, #tpu.memory_space<vmem>>, vector<16xi32>,
        tpu.vector_store %arg9[%swap3A_358], %broadcast_in_dim3A_5 {strides = array<i32>} : memref<4096xi32, #tpu.memory_space<vmem>>, vector<16xi32>,
        %mul3A_360 = arith.constant 16 : i32
        %mul3A_361 = arith.muli %scan3A_192, %mul3A_360 : i32
        %add3A_362 = arith.constant 3328 : i32
        %add3A_363 = arith.addi %add3A_362, %mul3A_361 : i32
        %get3A_364 = arith.index_cast %add3A_363 : i32 to index
        %get3A_365 = tpu.vector_load %arg9[%get3A_364] {strides = array<i32>} : memref<4096xi32, #tpu.memory_space<vmem>>, vector<16xi32>,
        %add3A_366 = arith.addi %add3A_353, %get3A_365 : vector<16xi32>
        %mul3A_367 = arith.constant 16 : i32
        %mul3A_368 = arith.muli %scan3A_192, %mul3A_367 : i32
        %add3A_369 = arith.constant 3328 : i32
        %add3A_370 = arith.addi %add3A_369, %mul3A_368 : i32
        %swap3A_371 = arith.index_cast %add3A_370 : i32 to index
        %swap3A_372 = tpu.vector_load %arg9[%swap3A_371] {strides = array<i32>} : memref<4096xi32, #tpu.memory_space<vmem>>, vector<16xi32>,
        tpu.vector_store %arg9[%swap3A_371], %broadcast_in_dim3A_5 {strides = array<i32>} : memref<4096xi32, #tpu.memory_space<vmem>>, vector<16xi32>,
        %mul3A_373 = arith.constant 16 : i32
        %mul3A_374 = arith.muli %scan3A_192, %mul3A_373 : i32
        %add3A_375 = arith.constant 3584 : i32
        %add3A_376 = arith.addi %add3A_375, %mul3A_374 : i32
        %get3A_377 = arith.index_cast %add3A_376 : i32 to index
        %get3A_378 = tpu.vector_load %arg9[%get3A_377] {strides = array<i32>} : memref<4096xi32, #tpu.memory_space<vmem>>, vector<16xi32>,
        %add3A_379 = arith.addi %add3A_366, %get3A_378 : vector<16xi32>
        %mul3A_380 = arith.constant 16 : i32
        %mul3A_381 = arith.muli %scan3A_192, %mul3A_380 : i32
        %add3A_382 = arith.constant 3584 : i32
        %add3A_383 = arith.addi %add3A_382, %mul3A_381 : i32
        %swap3A_384 = arith.index_cast %add3A_383 : i32 to index
        %swap3A_385 = tpu.vector_load %arg9[%swap3A_384] {strides = array<i32>} : memref<4096xi32, #tpu.memory_space<vmem>>, vector<16xi32>,
        tpu.vector_store %arg9[%swap3A_384], %broadcast_in_dim3A_5 {strides = array<i32>} : memref<4096xi32, #tpu.memory_space<vmem>>, vector<16xi32>,
        %mul3A_386 = arith.constant 16 : i32
        %mul3A_387 = arith.muli %scan3A_192, %mul3A_386 : i32
        %add3A_388 = arith.constant 3840 : i32
        %add3A_389 = arith.addi %add3A_388, %mul3A_387 : i32
        %get3A_390 = arith.index_cast %add3A_389 : i32 to index
        %get3A_391 = tpu.vector_load %arg9[%get3A_390] {strides = array<i32>} : memref<4096xi32, #tpu.memory_space<vmem>>, vector<16xi32>,
        %add3A_392 = arith.addi %add3A_379, %get3A_391 : vector<16xi32>
        %mul3A_393 = arith.constant 16 : i32
        %mul3A_394 = arith.muli %scan3A_192, %mul3A_393 : i32
        %add3A_395 = arith.constant 3840 : i32
        %add3A_396 = arith.addi %add3A_395, %mul3A_394 : i32
        %swap3A_397 = arith.index_cast %add3A_396 : i32 to index
        %swap3A_398 = tpu.vector_load %arg9[%swap3A_397] {strides = array<i32>} : memref<4096xi32, #tpu.memory_space<vmem>>, vector<16xi32>,
        tpu.vector_store %arg9[%swap3A_397], %broadcast_in_dim3A_5 {strides = array<i32>} : memref<4096xi32, #tpu.memory_space<vmem>>, vector<16xi32>,
        %broadcast_in_dim3A_399 = arith.constant true
        %broadcast_in_dim3A_400 = vector.broadcast %broadcast_in_dim3A_399 : i1 to vector<16xi1>
        %masked_cumsum3A = tpu.scan <sum>, %add3A_392 masked %broadcast_in_dim3A_400 : vector<16xi32>, vector<16xi1> -> vector<16xi32>
        %add3A_401 = arith.addi %masked_cumsum3A, %scan3A_193 : vector<16xi32>
        %gt3A_402 = arith.cmpi sgt, %add3A_401, %broadcast_in_dim3A_100 : vector<16xi32>
        %broadcast_in_dim3A_403 = arith.constant 15 : i32
        %broadcast_in_dim3A_404 = vector.broadcast %broadcast_in_dim3A_403 : i32 to vector<16xi32>
        %lt3A_405 = arith.constant 0 : i32
        %lt3A_406 = vector.broadcast %lt3A_405 : i32 to vector<16xi32>
        %lt3A_407 = arith.cmpi slt, %broadcast_in_dim3A_404, %lt3A_406 : vector<16xi32>
        %add3A_408 = arith.constant 16 : i32
        %add3A_409 = vector.broadcast %add3A_408 : i32 to vector<16xi32>
        %add3A_410 = arith.addi %broadcast_in_dim3A_404, %add3A_409 : vector<16xi32>
        %select_n3A_411 = arith.select %lt3A_407, %add3A_410, %broadcast_in_dim3A_404 : vector<16xi1>, vector<16xi32>
        %broadcast_in_dim3A_412 = vector.shape_cast %select_n3A_411 : vector<16xi32> to vector<16x1xi32>
        %gather3A = vector.shape_cast %broadcast_in_dim3A_412 : vector<16x1xi32> to vector<16xi32>
        %gather3A_413 = tpu.dynamic_gather %add3A_401[%gather3A] in [0] : vector<16xi32>, vector<16xi32> -> vector<16xi32>
        %all_reduce_ffs3A = tpu.all_reduce %gt3A_402 {dim = 0 : i64, kind = #tpu.reduction_kind<find_first_set>} : vector<16xi1> -> vector<16xi32>
        %lt3A_414 = arith.constant 0 : i32
        %lt3A_415 = vector.broadcast %lt3A_414 : i32 to vector<16xi32>
        %lt3A_416 = arith.cmpi slt, %scan3A_194, %lt3A_415 : vector<16xi32>
        %gt3A_417 = arith.cmpi sgt, %gather3A_413, %broadcast_in_dim3A_100 : vector<16xi32>
        %and3A_418 = arith.andi %lt3A_416, %gt3A_417 : vector<16xi1>
        %select_n3A_419 = arith.select %and3A_418, %all_reduce_ffs3A, %broadcast_in_dim3A_5 : vector<16xi1>, vector<16xi32>
        %lt3A_420 = arith.constant 0 : i32
        %lt3A_421 = vector.broadcast %lt3A_420 : i32 to vector<16xi32>
        %lt3A_422 = arith.cmpi slt, %select_n3A_419, %lt3A_421 : vector<16xi32>
        %add3A_423 = arith.constant 16 : i32
        %add3A_424 = vector.broadcast %add3A_423 : i32 to vector<16xi32>
        %add3A_425 = arith.addi %select_n3A_419, %add3A_424 : vector<16xi32>
        %select_n3A_426 = arith.select %lt3A_422, %add3A_425, %select_n3A_419 : vector<16xi1>, vector<16xi32>
        %broadcast_in_dim3A_427 = vector.shape_cast %select_n3A_426 : vector<16xi32> to vector<16x1xi32>
        %gather3A_428 = vector.shape_cast %broadcast_in_dim3A_427 : vector<16x1xi32> to vector<16xi32>
        %gather3A_429 = tpu.dynamic_gather %add3A_392[%gather3A_428] in [0] : vector<16xi32>, vector<16xi32> -> vector<16xi32>
        %lt3A_430 = arith.constant 0 : i32
        %lt3A_431 = vector.broadcast %lt3A_430 : i32 to vector<16xi32>
        %lt3A_432 = arith.cmpi slt, %select_n3A_419, %lt3A_431 : vector<16xi32>
        %add3A_433 = arith.constant 16 : i32
        %add3A_434 = vector.broadcast %add3A_433 : i32 to vector<16xi32>
        %add3A_435 = arith.addi %select_n3A_419, %add3A_434 : vector<16xi32>
        %select_n3A_436 = arith.select %lt3A_432, %add3A_435, %select_n3A_419 : vector<16xi1>, vector<16xi32>
        %broadcast_in_dim3A_437 = vector.shape_cast %select_n3A_436 : vector<16xi32> to vector<16x1xi32>
        %gather3A_438 = vector.shape_cast %broadcast_in_dim3A_437 : vector<16x1xi32> to vector<16xi32>
        %gather3A_439 = tpu.dynamic_gather %masked_cumsum3A[%gather3A_438] in [0] : vector<16xi32>, vector<16xi32> -> vector<16xi32>
        %add3A_440 = arith.addi %scan3A_193, %gather3A_439 : vector<16xi32>
        %sub3A_441 = arith.subi %add3A_440, %gather3A_429 : vector<16xi32>
        %mul3A_442 = arith.constant 16 : i32
        %mul3A_443 = arith.muli %scan3A_192, %mul3A_442 : i32
        %broadcast_in_dim3A_444 = vector.broadcast %mul3A_443 : i32 to vector<16xi32>
        %add3A_445 = arith.addi %broadcast_in_dim3A_444, %all_reduce_ffs3A : vector<16xi32>
        %select_n3A_446 = arith.select %and3A_418, %add3A_445, %scan3A_194 : vector<16xi1>, vector<16xi32>
        %select_n3A_447 = arith.select %and3A_418, %gather3A_429, %scan3A_195 : vector<16xi1>, vector<16xi32>
        %select_n3A_448 = arith.select %and3A_418, %sub3A_441, %scan3A_196 : vector<16xi1>, vector<16xi32>
        scf.yield %gather3A_413, %select_n3A_446, %select_n3A_447, %select_n3A_448 : vector<16xi32>, vector<16xi32>, vector<16xi32>, vector<16xi32>
      }
      %scan3A_108 = arith.constant 16 : i32
      %slice3A = vector.extract_strided_slice %scan3A_107#1 {offsets = [0], sizes = [1], strides = [1]} : vector<16xi32> to vector<1xi32>
      %squeeze3A = vector.extract %slice3A[0] : i32 from vector<1xi32>
      %slice3A_109 = vector.extract_strided_slice %scan3A_107#2 {offsets = [0], sizes = [1], strides = [1]} : vector<16xi32> to vector<1xi32>
      %squeeze3A_110 = vector.extract %slice3A_109[0] : i32 from vector<1xi32>
      %slice3A_111 = vector.extract_strided_slice %scan3A_107#3 {offsets = [0], sizes = [1], strides = [1]} : vector<16xi32> to vector<1xi32>
      %squeeze3A_112 = vector.extract %slice3A_111[0] : i32 from vector<1xi32>
      %sub3A_113 = arith.constant 8192 : i32
      %sub3A_114 = arith.subi %sub3A_113, %squeeze3A_112 : i32
      %sub3A_115 = arith.subi %sub3A_114, %squeeze3A_110 : i32
      %sub3A_116 = arith.constant 164 : i32
      %sub3A_117 = arith.subi %sub3A_116, %sub3A_115 : i32
      %broadcast_in_dim3A_118 = vector.broadcast %squeeze3A : i32 to vector<16xi32>
      %parallel_loop3A_119 = arith.constant 0 : i32
      %parallel_loop3A_120 = arith.constant 512 : i32
      %parallel_loop3A_121 = arith.constant 1 : i32
      scf.for %parallel_loop3A_192 = %parallel_loop3A_119 to %parallel_loop3A_120 step %parallel_loop3A_121  : i32 {
        %parallel_loop3A_193 = arith.constant 16 : i32
        %parallel_loop3A_194 = arith.muli %parallel_loop3A_192, %parallel_loop3A_193 : i32
        %parallel_loop3A_195 = arith.index_cast %parallel_loop3A_194 : i32 to index
        %parallel_loop3A_196 = tpu.vector_load %arg8[%parallel_loop3A_195] {strides = array<i32>} : memref<8192xi32, #tpu.memory_space<vmem>>, vector<16xi32>,
        %parallel_loop3A_197 = arith.constant 16 : i32
        %parallel_loop3A_198 = vector.broadcast %parallel_loop3A_197 : i32 to vector<16xi32>
        %parallel_loop3A_199 = arith.shrui %parallel_loop3A_196, %parallel_loop3A_198 : vector<16xi32>
        %parallel_loop3A_200 = arith.constant 24 : i32
        %parallel_loop3A_201 = vector.broadcast %parallel_loop3A_200 : i32 to vector<16xi32>
        %parallel_loop3A_202 = arith.shrui %parallel_loop3A_196, %parallel_loop3A_201 : vector<16xi32>
        %parallel_loop3A_203 = arith.cmpi eq, %parallel_loop3A_202, %broadcast_in_dim3A_118 : vector<16xi32>
        %parallel_loop3A_204 = arith.constant 255 : i32
        %parallel_loop3A_205 = vector.broadcast %parallel_loop3A_204 : i32 to vector<16xi32>
        %parallel_loop3A_206 = arith.andi %parallel_loop3A_199, %parallel_loop3A_205 : vector<16xi32>
        %parallel_loop3A_207 = arith.ori %shift_left3A, %parallel_loop3A_206 : vector<16xi32>
        tpu.vector_store_idx %arg9[%parallel_loop3A_207], %broadcast_in_dim3A_3 masked %parallel_loop3A_203 {add = true} : memref<4096xi32, #tpu.memory_space<vmem>>[vector<16xi32>], vector<16xi32>, vector<16xi1>
      } {sc.loop_unroll_factor = 8 : i64, sc.parallel_access}
      %sub3A_122 = arith.subi %squeeze3A_110, %sub3A_117 : i32
      %broadcast_in_dim3A_123 = vector.broadcast %sub3A_122 : i32 to vector<16xi32>
      %broadcast_in_dim3A_124 = arith.constant -1 : i32
      %broadcast_in_dim3A_125 = vector.broadcast %broadcast_in_dim3A_124 : i32 to vector<16xi32>
      %scan3A_126 = arith.constant 0 : i32
      %scan3A_127 = arith.constant 16 : i32
      %scan3A_128 = arith.addi %scan3A_126, %scan3A_127 : i32
      %scan3A_129 = arith.constant 1 : i32
      %scan3A_130:4 = scf.for %scan3A_192 = %scan3A_126 to %scan3A_128 step %scan3A_129 iter_args(%scan3A_193 = %broadcast_in_dim3A_5, %scan3A_194 = %broadcast_in_dim3A_125, %scan3A_195 = %broadcast_in_dim3A_5, %scan3A_196 = %broadcast_in_dim3A_5) -> (vector<16xi32>, vector<16xi32>, vector<16xi32>, vector<16xi32>)  : i32 {
        %mul3A_197 = arith.constant 16 : i32
        %mul3A_198 = arith.muli %scan3A_192, %mul3A_197 : i32
        %get3A_199 = arith.index_cast %mul3A_198 : i32 to index
        %get3A_200 = tpu.vector_load %arg9[%get3A_199] {strides = array<i32>} : memref<4096xi32, #tpu.memory_space<vmem>>, vector<16xi32>,
        %mul3A_201 = arith.constant 16 : i32
        %mul3A_202 = arith.muli %scan3A_192, %mul3A_201 : i32
        %swap3A = arith.index_cast %mul3A_202 : i32 to index
        %swap3A_203 = tpu.vector_load %arg9[%swap3A] {strides = array<i32>} : memref<4096xi32, #tpu.memory_space<vmem>>, vector<16xi32>,
        tpu.vector_store %arg9[%swap3A], %broadcast_in_dim3A_5 {strides = array<i32>} : memref<4096xi32, #tpu.memory_space<vmem>>, vector<16xi32>,
        %mul3A_204 = arith.constant 16 : i32
        %mul3A_205 = arith.muli %scan3A_192, %mul3A_204 : i32
        %add3A_206 = arith.constant 256 : i32
        %add3A_207 = arith.addi %add3A_206, %mul3A_205 : i32
        %get3A_208 = arith.index_cast %add3A_207 : i32 to index
        %get3A_209 = tpu.vector_load %arg9[%get3A_208] {strides = array<i32>} : memref<4096xi32, #tpu.memory_space<vmem>>, vector<16xi32>,
        %add3A_210 = arith.addi %get3A_200, %get3A_209 : vector<16xi32>
        %mul3A_211 = arith.constant 16 : i32
        %mul3A_212 = arith.muli %scan3A_192, %mul3A_211 : i32
        %add3A_213 = arith.constant 256 : i32
        %add3A_214 = arith.addi %add3A_213, %mul3A_212 : i32
        %swap3A_215 = arith.index_cast %add3A_214 : i32 to index
        %swap3A_216 = tpu.vector_load %arg9[%swap3A_215] {strides = array<i32>} : memref<4096xi32, #tpu.memory_space<vmem>>, vector<16xi32>,
        tpu.vector_store %arg9[%swap3A_215], %broadcast_in_dim3A_5 {strides = array<i32>} : memref<4096xi32, #tpu.memory_space<vmem>>, vector<16xi32>,
        %mul3A_217 = arith.constant 16 : i32
        %mul3A_218 = arith.muli %scan3A_192, %mul3A_217 : i32
        %add3A_219 = arith.constant 512 : i32
        %add3A_220 = arith.addi %add3A_219, %mul3A_218 : i32
        %get3A_221 = arith.index_cast %add3A_220 : i32 to index
        %get3A_222 = tpu.vector_load %arg9[%get3A_221] {strides = array<i32>} : memref<4096xi32, #tpu.memory_space<vmem>>, vector<16xi32>,
        %add3A_223 = arith.addi %add3A_210, %get3A_222 : vector<16xi32>
        %mul3A_224 = arith.constant 16 : i32
        %mul3A_225 = arith.muli %scan3A_192, %mul3A_224 : i32
        %add3A_226 = arith.constant 512 : i32
        %add3A_227 = arith.addi %add3A_226, %mul3A_225 : i32
        %swap3A_228 = arith.index_cast %add3A_227 : i32 to index
        %swap3A_229 = tpu.vector_load %arg9[%swap3A_228] {strides = array<i32>} : memref<4096xi32, #tpu.memory_space<vmem>>, vector<16xi32>,
        tpu.vector_store %arg9[%swap3A_228], %broadcast_in_dim3A_5 {strides = array<i32>} : memref<4096xi32, #tpu.memory_space<vmem>>, vector<16xi32>,
        %mul3A_230 = arith.constant 16 : i32
        %mul3A_231 = arith.muli %scan3A_192, %mul3A_230 : i32
        %add3A_232 = arith.constant 768 : i32
        %add3A_233 = arith.addi %add3A_232, %mul3A_231 : i32
        %get3A_234 = arith.index_cast %add3A_233 : i32 to index
        %get3A_235 = tpu.vector_load %arg9[%get3A_234] {strides = array<i32>} : memref<4096xi32, #tpu.memory_space<vmem>>, vector<16xi32>,
        %add3A_236 = arith.addi %add3A_223, %get3A_235 : vector<16xi32>
        %mul3A_237 = arith.constant 16 : i32
        %mul3A_238 = arith.muli %scan3A_192, %mul3A_237 : i32
        %add3A_239 = arith.constant 768 : i32
        %add3A_240 = arith.addi %add3A_239, %mul3A_238 : i32
        %swap3A_241 = arith.index_cast %add3A_240 : i32 to index
        %swap3A_242 = tpu.vector_load %arg9[%swap3A_241] {strides = array<i32>} : memref<4096xi32, #tpu.memory_space<vmem>>, vector<16xi32>,
        tpu.vector_store %arg9[%swap3A_241], %broadcast_in_dim3A_5 {strides = array<i32>} : memref<4096xi32, #tpu.memory_space<vmem>>, vector<16xi32>,
        %mul3A_243 = arith.constant 16 : i32
        %mul3A_244 = arith.muli %scan3A_192, %mul3A_243 : i32
        %add3A_245 = arith.constant 1024 : i32
        %add3A_246 = arith.addi %add3A_245, %mul3A_244 : i32
        %get3A_247 = arith.index_cast %add3A_246 : i32 to index
        %get3A_248 = tpu.vector_load %arg9[%get3A_247] {strides = array<i32>} : memref<4096xi32, #tpu.memory_space<vmem>>, vector<16xi32>,
        %add3A_249 = arith.addi %add3A_236, %get3A_248 : vector<16xi32>
        %mul3A_250 = arith.constant 16 : i32
        %mul3A_251 = arith.muli %scan3A_192, %mul3A_250 : i32
        %add3A_252 = arith.constant 1024 : i32
        %add3A_253 = arith.addi %add3A_252, %mul3A_251 : i32
        %swap3A_254 = arith.index_cast %add3A_253 : i32 to index
        %swap3A_255 = tpu.vector_load %arg9[%swap3A_254] {strides = array<i32>} : memref<4096xi32, #tpu.memory_space<vmem>>, vector<16xi32>,
        tpu.vector_store %arg9[%swap3A_254], %broadcast_in_dim3A_5 {strides = array<i32>} : memref<4096xi32, #tpu.memory_space<vmem>>, vector<16xi32>,
        %mul3A_256 = arith.constant 16 : i32
        %mul3A_257 = arith.muli %scan3A_192, %mul3A_256 : i32
        %add3A_258 = arith.constant 1280 : i32
        %add3A_259 = arith.addi %add3A_258, %mul3A_257 : i32
        %get3A_260 = arith.index_cast %add3A_259 : i32 to index
        %get3A_261 = tpu.vector_load %arg9[%get3A_260] {strides = array<i32>} : memref<4096xi32, #tpu.memory_space<vmem>>, vector<16xi32>,
        %add3A_262 = arith.addi %add3A_249, %get3A_261 : vector<16xi32>
        %mul3A_263 = arith.constant 16 : i32
        %mul3A_264 = arith.muli %scan3A_192, %mul3A_263 : i32
        %add3A_265 = arith.constant 1280 : i32
        %add3A_266 = arith.addi %add3A_265, %mul3A_264 : i32
        %swap3A_267 = arith.index_cast %add3A_266 : i32 to index
        %swap3A_268 = tpu.vector_load %arg9[%swap3A_267] {strides = array<i32>} : memref<4096xi32, #tpu.memory_space<vmem>>, vector<16xi32>,
        tpu.vector_store %arg9[%swap3A_267], %broadcast_in_dim3A_5 {strides = array<i32>} : memref<4096xi32, #tpu.memory_space<vmem>>, vector<16xi32>,
        %mul3A_269 = arith.constant 16 : i32
        %mul3A_270 = arith.muli %scan3A_192, %mul3A_269 : i32
        %add3A_271 = arith.constant 1536 : i32
        %add3A_272 = arith.addi %add3A_271, %mul3A_270 : i32
        %get3A_273 = arith.index_cast %add3A_272 : i32 to index
        %get3A_274 = tpu.vector_load %arg9[%get3A_273] {strides = array<i32>} : memref<4096xi32, #tpu.memory_space<vmem>>, vector<16xi32>,
        %add3A_275 = arith.addi %add3A_262, %get3A_274 : vector<16xi32>
        %mul3A_276 = arith.constant 16 : i32
        %mul3A_277 = arith.muli %scan3A_192, %mul3A_276 : i32
        %add3A_278 = arith.constant 1536 : i32
        %add3A_279 = arith.addi %add3A_278, %mul3A_277 : i32
        %swap3A_280 = arith.index_cast %add3A_279 : i32 to index
        %swap3A_281 = tpu.vector_load %arg9[%swap3A_280] {strides = array<i32>} : memref<4096xi32, #tpu.memory_space<vmem>>, vector<16xi32>,
        tpu.vector_store %arg9[%swap3A_280], %broadcast_in_dim3A_5 {strides = array<i32>} : memref<4096xi32, #tpu.memory_space<vmem>>, vector<16xi32>,
        %mul3A_282 = arith.constant 16 : i32
        %mul3A_283 = arith.muli %scan3A_192, %mul3A_282 : i32
        %add3A_284 = arith.constant 1792 : i32
        %add3A_285 = arith.addi %add3A_284, %mul3A_283 : i32
        %get3A_286 = arith.index_cast %add3A_285 : i32 to index
        %get3A_287 = tpu.vector_load %arg9[%get3A_286] {strides = array<i32>} : memref<4096xi32, #tpu.memory_space<vmem>>, vector<16xi32>,
        %add3A_288 = arith.addi %add3A_275, %get3A_287 : vector<16xi32>
        %mul3A_289 = arith.constant 16 : i32
        %mul3A_290 = arith.muli %scan3A_192, %mul3A_289 : i32
        %add3A_291 = arith.constant 1792 : i32
        %add3A_292 = arith.addi %add3A_291, %mul3A_290 : i32
        %swap3A_293 = arith.index_cast %add3A_292 : i32 to index
        %swap3A_294 = tpu.vector_load %arg9[%swap3A_293] {strides = array<i32>} : memref<4096xi32, #tpu.memory_space<vmem>>, vector<16xi32>,
        tpu.vector_store %arg9[%swap3A_293], %broadcast_in_dim3A_5 {strides = array<i32>} : memref<4096xi32, #tpu.memory_space<vmem>>, vector<16xi32>,
        %mul3A_295 = arith.constant 16 : i32
        %mul3A_296 = arith.muli %scan3A_192, %mul3A_295 : i32
        %add3A_297 = arith.constant 2048 : i32
        %add3A_298 = arith.addi %add3A_297, %mul3A_296 : i32
        %get3A_299 = arith.index_cast %add3A_298 : i32 to index
        %get3A_300 = tpu.vector_load %arg9[%get3A_299] {strides = array<i32>} : memref<4096xi32, #tpu.memory_space<vmem>>, vector<16xi32>,
        %add3A_301 = arith.addi %add3A_288, %get3A_300 : vector<16xi32>
        %mul3A_302 = arith.constant 16 : i32
        %mul3A_303 = arith.muli %scan3A_192, %mul3A_302 : i32
        %add3A_304 = arith.constant 2048 : i32
        %add3A_305 = arith.addi %add3A_304, %mul3A_303 : i32
        %swap3A_306 = arith.index_cast %add3A_305 : i32 to index
        %swap3A_307 = tpu.vector_load %arg9[%swap3A_306] {strides = array<i32>} : memref<4096xi32, #tpu.memory_space<vmem>>, vector<16xi32>,
        tpu.vector_store %arg9[%swap3A_306], %broadcast_in_dim3A_5 {strides = array<i32>} : memref<4096xi32, #tpu.memory_space<vmem>>, vector<16xi32>,
        %mul3A_308 = arith.constant 16 : i32
        %mul3A_309 = arith.muli %scan3A_192, %mul3A_308 : i32
        %add3A_310 = arith.constant 2304 : i32
        %add3A_311 = arith.addi %add3A_310, %mul3A_309 : i32
        %get3A_312 = arith.index_cast %add3A_311 : i32 to index
        %get3A_313 = tpu.vector_load %arg9[%get3A_312] {strides = array<i32>} : memref<4096xi32, #tpu.memory_space<vmem>>, vector<16xi32>,
        %add3A_314 = arith.addi %add3A_301, %get3A_313 : vector<16xi32>
        %mul3A_315 = arith.constant 16 : i32
        %mul3A_316 = arith.muli %scan3A_192, %mul3A_315 : i32
        %add3A_317 = arith.constant 2304 : i32
        %add3A_318 = arith.addi %add3A_317, %mul3A_316 : i32
        %swap3A_319 = arith.index_cast %add3A_318 : i32 to index
        %swap3A_320 = tpu.vector_load %arg9[%swap3A_319] {strides = array<i32>} : memref<4096xi32, #tpu.memory_space<vmem>>, vector<16xi32>,
        tpu.vector_store %arg9[%swap3A_319], %broadcast_in_dim3A_5 {strides = array<i32>} : memref<4096xi32, #tpu.memory_space<vmem>>, vector<16xi32>,
        %mul3A_321 = arith.constant 16 : i32
        %mul3A_322 = arith.muli %scan3A_192, %mul3A_321 : i32
        %add3A_323 = arith.constant 2560 : i32
        %add3A_324 = arith.addi %add3A_323, %mul3A_322 : i32
        %get3A_325 = arith.index_cast %add3A_324 : i32 to index
        %get3A_326 = tpu.vector_load %arg9[%get3A_325] {strides = array<i32>} : memref<4096xi32, #tpu.memory_space<vmem>>, vector<16xi32>,
        %add3A_327 = arith.addi %add3A_314, %get3A_326 : vector<16xi32>
        %mul3A_328 = arith.constant 16 : i32
        %mul3A_329 = arith.muli %scan3A_192, %mul3A_328 : i32
        %add3A_330 = arith.constant 2560 : i32
        %add3A_331 = arith.addi %add3A_330, %mul3A_329 : i32
        %swap3A_332 = arith.index_cast %add3A_331 : i32 to index
        %swap3A_333 = tpu.vector_load %arg9[%swap3A_332] {strides = array<i32>} : memref<4096xi32, #tpu.memory_space<vmem>>, vector<16xi32>,
        tpu.vector_store %arg9[%swap3A_332], %broadcast_in_dim3A_5 {strides = array<i32>} : memref<4096xi32, #tpu.memory_space<vmem>>, vector<16xi32>,
        %mul3A_334 = arith.constant 16 : i32
        %mul3A_335 = arith.muli %scan3A_192, %mul3A_334 : i32
        %add3A_336 = arith.constant 2816 : i32
        %add3A_337 = arith.addi %add3A_336, %mul3A_335 : i32
        %get3A_338 = arith.index_cast %add3A_337 : i32 to index
        %get3A_339 = tpu.vector_load %arg9[%get3A_338] {strides = array<i32>} : memref<4096xi32, #tpu.memory_space<vmem>>, vector<16xi32>,
        %add3A_340 = arith.addi %add3A_327, %get3A_339 : vector<16xi32>
        %mul3A_341 = arith.constant 16 : i32
        %mul3A_342 = arith.muli %scan3A_192, %mul3A_341 : i32
        %add3A_343 = arith.constant 2816 : i32
        %add3A_344 = arith.addi %add3A_343, %mul3A_342 : i32
        %swap3A_345 = arith.index_cast %add3A_344 : i32 to index
        %swap3A_346 = tpu.vector_load %arg9[%swap3A_345] {strides = array<i32>} : memref<4096xi32, #tpu.memory_space<vmem>>, vector<16xi32>,
        tpu.vector_store %arg9[%swap3A_345], %broadcast_in_dim3A_5 {strides = array<i32>} : memref<4096xi32, #tpu.memory_space<vmem>>, vector<16xi32>,
        %mul3A_347 = arith.constant 16 : i32
        %mul3A_348 = arith.muli %scan3A_192, %mul3A_347 : i32
        %add3A_349 = arith.constant 3072 : i32
        %add3A_350 = arith.addi %add3A_349, %mul3A_348 : i32
        %get3A_351 = arith.index_cast %add3A_350 : i32 to index
        %get3A_352 = tpu.vector_load %arg9[%get3A_351] {strides = array<i32>} : memref<4096xi32, #tpu.memory_space<vmem>>, vector<16xi32>,
        %add3A_353 = arith.addi %add3A_340, %get3A_352 : vector<16xi32>
        %mul3A_354 = arith.constant 16 : i32
        %mul3A_355 = arith.muli %scan3A_192, %mul3A_354 : i32
        %add3A_356 = arith.constant 3072 : i32
        %add3A_357 = arith.addi %add3A_356, %mul3A_355 : i32
        %swap3A_358 = arith.index_cast %add3A_357 : i32 to index
        %swap3A_359 = tpu.vector_load %arg9[%swap3A_358] {strides = array<i32>} : memref<4096xi32, #tpu.memory_space<vmem>>, vector<16xi32>,
        tpu.vector_store %arg9[%swap3A_358], %broadcast_in_dim3A_5 {strides = array<i32>} : memref<4096xi32, #tpu.memory_space<vmem>>, vector<16xi32>,
        %mul3A_360 = arith.constant 16 : i32
        %mul3A_361 = arith.muli %scan3A_192, %mul3A_360 : i32
        %add3A_362 = arith.constant 3328 : i32
        %add3A_363 = arith.addi %add3A_362, %mul3A_361 : i32
        %get3A_364 = arith.index_cast %add3A_363 : i32 to index
        %get3A_365 = tpu.vector_load %arg9[%get3A_364] {strides = array<i32>} : memref<4096xi32, #tpu.memory_space<vmem>>, vector<16xi32>,
        %add3A_366 = arith.addi %add3A_353, %get3A_365 : vector<16xi32>
        %mul3A_367 = arith.constant 16 : i32
        %mul3A_368 = arith.muli %scan3A_192, %mul3A_367 : i32
        %add3A_369 = arith.constant 3328 : i32
        %add3A_370 = arith.addi %add3A_369, %mul3A_368 : i32
        %swap3A_371 = arith.index_cast %add3A_370 : i32 to index
        %swap3A_372 = tpu.vector_load %arg9[%swap3A_371] {strides = array<i32>} : memref<4096xi32, #tpu.memory_space<vmem>>, vector<16xi32>,
        tpu.vector_store %arg9[%swap3A_371], %broadcast_in_dim3A_5 {strides = array<i32>} : memref<4096xi32, #tpu.memory_space<vmem>>, vector<16xi32>,
        %mul3A_373 = arith.constant 16 : i32
        %mul3A_374 = arith.muli %scan3A_192, %mul3A_373 : i32
        %add3A_375 = arith.constant 3584 : i32
        %add3A_376 = arith.addi %add3A_375, %mul3A_374 : i32
        %get3A_377 = arith.index_cast %add3A_376 : i32 to index
        %get3A_378 = tpu.vector_load %arg9[%get3A_377] {strides = array<i32>} : memref<4096xi32, #tpu.memory_space<vmem>>, vector<16xi32>,
        %add3A_379 = arith.addi %add3A_366, %get3A_378 : vector<16xi32>
        %mul3A_380 = arith.constant 16 : i32
        %mul3A_381 = arith.muli %scan3A_192, %mul3A_380 : i32
        %add3A_382 = arith.constant 3584 : i32
        %add3A_383 = arith.addi %add3A_382, %mul3A_381 : i32
        %swap3A_384 = arith.index_cast %add3A_383 : i32 to index
        %swap3A_385 = tpu.vector_load %arg9[%swap3A_384] {strides = array<i32>} : memref<4096xi32, #tpu.memory_space<vmem>>, vector<16xi32>,
        tpu.vector_store %arg9[%swap3A_384], %broadcast_in_dim3A_5 {strides = array<i32>} : memref<4096xi32, #tpu.memory_space<vmem>>, vector<16xi32>,
        %mul3A_386 = arith.constant 16 : i32
        %mul3A_387 = arith.muli %scan3A_192, %mul3A_386 : i32
        %add3A_388 = arith.constant 3840 : i32
        %add3A_389 = arith.addi %add3A_388, %mul3A_387 : i32
        %get3A_390 = arith.index_cast %add3A_389 : i32 to index
        %get3A_391 = tpu.vector_load %arg9[%get3A_390] {strides = array<i32>} : memref<4096xi32, #tpu.memory_space<vmem>>, vector<16xi32>,
        %add3A_392 = arith.addi %add3A_379, %get3A_391 : vector<16xi32>
        %mul3A_393 = arith.constant 16 : i32
        %mul3A_394 = arith.muli %scan3A_192, %mul3A_393 : i32
        %add3A_395 = arith.constant 3840 : i32
        %add3A_396 = arith.addi %add3A_395, %mul3A_394 : i32
        %swap3A_397 = arith.index_cast %add3A_396 : i32 to index
        %swap3A_398 = tpu.vector_load %arg9[%swap3A_397] {strides = array<i32>} : memref<4096xi32, #tpu.memory_space<vmem>>, vector<16xi32>,
        tpu.vector_store %arg9[%swap3A_397], %broadcast_in_dim3A_5 {strides = array<i32>} : memref<4096xi32, #tpu.memory_space<vmem>>, vector<16xi32>,
        %broadcast_in_dim3A_399 = arith.constant true
        %broadcast_in_dim3A_400 = vector.broadcast %broadcast_in_dim3A_399 : i1 to vector<16xi1>
        %masked_cumsum3A = tpu.scan <sum>, %add3A_392 masked %broadcast_in_dim3A_400 : vector<16xi32>, vector<16xi1> -> vector<16xi32>
        %add3A_401 = arith.addi %masked_cumsum3A, %scan3A_193 : vector<16xi32>
        %gt3A_402 = arith.cmpi sgt, %add3A_401, %broadcast_in_dim3A_123 : vector<16xi32>
        %broadcast_in_dim3A_403 = arith.constant 15 : i32
        %broadcast_in_dim3A_404 = vector.broadcast %broadcast_in_dim3A_403 : i32 to vector<16xi32>
        %lt3A_405 = arith.constant 0 : i32
        %lt3A_406 = vector.broadcast %lt3A_405 : i32 to vector<16xi32>
        %lt3A_407 = arith.cmpi slt, %broadcast_in_dim3A_404, %lt3A_406 : vector<16xi32>
        %add3A_408 = arith.constant 16 : i32
        %add3A_409 = vector.broadcast %add3A_408 : i32 to vector<16xi32>
        %add3A_410 = arith.addi %broadcast_in_dim3A_404, %add3A_409 : vector<16xi32>
        %select_n3A_411 = arith.select %lt3A_407, %add3A_410, %broadcast_in_dim3A_404 : vector<16xi1>, vector<16xi32>
        %broadcast_in_dim3A_412 = vector.shape_cast %select_n3A_411 : vector<16xi32> to vector<16x1xi32>
        %gather3A = vector.shape_cast %broadcast_in_dim3A_412 : vector<16x1xi32> to vector<16xi32>
        %gather3A_413 = tpu.dynamic_gather %add3A_401[%gather3A] in [0] : vector<16xi32>, vector<16xi32> -> vector<16xi32>
        %all_reduce_ffs3A = tpu.all_reduce %gt3A_402 {dim = 0 : i64, kind = #tpu.reduction_kind<find_first_set>} : vector<16xi1> -> vector<16xi32>
        %lt3A_414 = arith.constant 0 : i32
        %lt3A_415 = vector.broadcast %lt3A_414 : i32 to vector<16xi32>
        %lt3A_416 = arith.cmpi slt, %scan3A_194, %lt3A_415 : vector<16xi32>
        %gt3A_417 = arith.cmpi sgt, %gather3A_413, %broadcast_in_dim3A_123 : vector<16xi32>
        %and3A_418 = arith.andi %lt3A_416, %gt3A_417 : vector<16xi1>
        %select_n3A_419 = arith.select %and3A_418, %all_reduce_ffs3A, %broadcast_in_dim3A_5 : vector<16xi1>, vector<16xi32>
        %lt3A_420 = arith.constant 0 : i32
        %lt3A_421 = vector.broadcast %lt3A_420 : i32 to vector<16xi32>
        %lt3A_422 = arith.cmpi slt, %select_n3A_419, %lt3A_421 : vector<16xi32>
        %add3A_423 = arith.constant 16 : i32
        %add3A_424 = vector.broadcast %add3A_423 : i32 to vector<16xi32>
        %add3A_425 = arith.addi %select_n3A_419, %add3A_424 : vector<16xi32>
        %select_n3A_426 = arith.select %lt3A_422, %add3A_425, %select_n3A_419 : vector<16xi1>, vector<16xi32>
        %broadcast_in_dim3A_427 = vector.shape_cast %select_n3A_426 : vector<16xi32> to vector<16x1xi32>
        %gather3A_428 = vector.shape_cast %broadcast_in_dim3A_427 : vector<16x1xi32> to vector<16xi32>
        %gather3A_429 = tpu.dynamic_gather %add3A_392[%gather3A_428] in [0] : vector<16xi32>, vector<16xi32> -> vector<16xi32>
        %lt3A_430 = arith.constant 0 : i32
        %lt3A_431 = vector.broadcast %lt3A_430 : i32 to vector<16xi32>
        %lt3A_432 = arith.cmpi slt, %select_n3A_419, %lt3A_431 : vector<16xi32>
        %add3A_433 = arith.constant 16 : i32
        %add3A_434 = vector.broadcast %add3A_433 : i32 to vector<16xi32>
        %add3A_435 = arith.addi %select_n3A_419, %add3A_434 : vector<16xi32>
        %select_n3A_436 = arith.select %lt3A_432, %add3A_435, %select_n3A_419 : vector<16xi1>, vector<16xi32>
        %broadcast_in_dim3A_437 = vector.shape_cast %select_n3A_436 : vector<16xi32> to vector<16x1xi32>
        %gather3A_438 = vector.shape_cast %broadcast_in_dim3A_437 : vector<16x1xi32> to vector<16xi32>
        %gather3A_439 = tpu.dynamic_gather %masked_cumsum3A[%gather3A_438] in [0] : vector<16xi32>, vector<16xi32> -> vector<16xi32>
        %add3A_440 = arith.addi %scan3A_193, %gather3A_439 : vector<16xi32>
        %sub3A_441 = arith.subi %add3A_440, %gather3A_429 : vector<16xi32>
        %mul3A_442 = arith.constant 16 : i32
        %mul3A_443 = arith.muli %scan3A_192, %mul3A_442 : i32
        %broadcast_in_dim3A_444 = vector.broadcast %mul3A_443 : i32 to vector<16xi32>
        %add3A_445 = arith.addi %broadcast_in_dim3A_444, %all_reduce_ffs3A : vector<16xi32>
        %select_n3A_446 = arith.select %and3A_418, %add3A_445, %scan3A_194 : vector<16xi1>, vector<16xi32>
        %select_n3A_447 = arith.select %and3A_418, %gather3A_429, %scan3A_195 : vector<16xi1>, vector<16xi32>
        %select_n3A_448 = arith.select %and3A_418, %sub3A_441, %scan3A_196 : vector<16xi1>, vector<16xi32>
        scf.yield %gather3A_413, %select_n3A_446, %select_n3A_447, %select_n3A_448 : vector<16xi32>, vector<16xi32>, vector<16xi32>, vector<16xi32>
      }
      %scan3A_131 = arith.constant 16 : i32
      %slice3A_132 = vector.extract_strided_slice %scan3A_130#1 {offsets = [0], sizes = [1], strides = [1]} : vector<16xi32> to vector<1xi32>
      %squeeze3A_133 = vector.extract %slice3A_132[0] : i32 from vector<1xi32>
      %slice3A_134 = vector.extract_strided_slice %scan3A_130#2 {offsets = [0], sizes = [1], strides = [1]} : vector<16xi32> to vector<1xi32>
      %squeeze3A_135 = vector.extract %slice3A_134[0] : i32 from vector<1xi32>
      %slice3A_136 = vector.extract_strided_slice %scan3A_130#3 {offsets = [0], sizes = [1], strides = [1]} : vector<16xi32> to vector<1xi32>
      %squeeze3A_137 = vector.extract %slice3A_136[0] : i32 from vector<1xi32>
      %sub3A_138 = arith.subi %squeeze3A_110, %squeeze3A_137 : i32
      %sub3A_139 = arith.subi %sub3A_138, %squeeze3A_135 : i32
      %sub3A_140 = arith.subi %sub3A_117, %sub3A_139 : i32
      %shift_left3A_141 = arith.constant 8 : i32
      %shift_left3A_142 = arith.shli %squeeze3A, %shift_left3A_141 : i32
      %or3A = arith.ori %shift_left3A_142, %squeeze3A_133 : i32
      %broadcast_in_dim3A_143 = vector.broadcast %or3A : i32 to vector<16xi32>
      %parallel_loop3A_144 = arith.constant 0 : i32
      %parallel_loop3A_145 = arith.constant 512 : i32
      %parallel_loop3A_146 = arith.constant 1 : i32
      scf.for %parallel_loop3A_192 = %parallel_loop3A_144 to %parallel_loop3A_145 step %parallel_loop3A_146  : i32 {
        %parallel_loop3A_193 = arith.constant 16 : i32
        %parallel_loop3A_194 = arith.muli %parallel_loop3A_192, %parallel_loop3A_193 : i32
        %parallel_loop3A_195 = arith.index_cast %parallel_loop3A_194 : i32 to index
        %parallel_loop3A_196 = tpu.vector_load %arg8[%parallel_loop3A_195] {strides = array<i32>} : memref<8192xi32, #tpu.memory_space<vmem>>, vector<16xi32>,
        %parallel_loop3A_197 = arith.constant 8 : i32
        %parallel_loop3A_198 = vector.broadcast %parallel_loop3A_197 : i32 to vector<16xi32>
        %parallel_loop3A_199 = arith.shrui %parallel_loop3A_196, %parallel_loop3A_198 : vector<16xi32>
        %parallel_loop3A_200 = arith.constant 16 : i32
        %parallel_loop3A_201 = vector.broadcast %parallel_loop3A_200 : i32 to vector<16xi32>
        %parallel_loop3A_202 = arith.shrui %parallel_loop3A_196, %parallel_loop3A_201 : vector<16xi32>
        %parallel_loop3A_203 = arith.cmpi eq, %parallel_loop3A_202, %broadcast_in_dim3A_143 : vector<16xi32>
        %parallel_loop3A_204 = arith.constant 255 : i32
        %parallel_loop3A_205 = vector.broadcast %parallel_loop3A_204 : i32 to vector<16xi32>
        %parallel_loop3A_206 = arith.andi %parallel_loop3A_199, %parallel_loop3A_205 : vector<16xi32>
        %parallel_loop3A_207 = arith.ori %shift_left3A, %parallel_loop3A_206 : vector<16xi32>
        tpu.vector_store_idx %arg9[%parallel_loop3A_207], %broadcast_in_dim3A_3 masked %parallel_loop3A_203 {add = true} : memref<4096xi32, #tpu.memory_space<vmem>>[vector<16xi32>], vector<16xi32>, vector<16xi1>
      } {sc.loop_unroll_factor = 8 : i64, sc.parallel_access}
      %sub3A_147 = arith.subi %squeeze3A_135, %sub3A_140 : i32
      %broadcast_in_dim3A_148 = vector.broadcast %sub3A_147 : i32 to vector<16xi32>
      %broadcast_in_dim3A_149 = arith.constant -1 : i32
      %broadcast_in_dim3A_150 = vector.broadcast %broadcast_in_dim3A_149 : i32 to vector<16xi32>
      %scan3A_151 = arith.constant 0 : i32
      %scan3A_152 = arith.constant 16 : i32
      %scan3A_153 = arith.addi %scan3A_151, %scan3A_152 : i32
      %scan3A_154 = arith.constant 1 : i32
      %scan3A_155:4 = scf.for %scan3A_192 = %scan3A_151 to %scan3A_153 step %scan3A_154 iter_args(%scan3A_193 = %broadcast_in_dim3A_5, %scan3A_194 = %broadcast_in_dim3A_150, %scan3A_195 = %broadcast_in_dim3A_5, %scan3A_196 = %broadcast_in_dim3A_5) -> (vector<16xi32>, vector<16xi32>, vector<16xi32>, vector<16xi32>)  : i32 {
        %mul3A_197 = arith.constant 16 : i32
        %mul3A_198 = arith.muli %scan3A_192, %mul3A_197 : i32
        %get3A_199 = arith.index_cast %mul3A_198 : i32 to index
        %get3A_200 = tpu.vector_load %arg9[%get3A_199] {strides = array<i32>} : memref<4096xi32, #tpu.memory_space<vmem>>, vector<16xi32>,
        %mul3A_201 = arith.constant 16 : i32
        %mul3A_202 = arith.muli %scan3A_192, %mul3A_201 : i32
        %swap3A = arith.index_cast %mul3A_202 : i32 to index
        %swap3A_203 = tpu.vector_load %arg9[%swap3A] {strides = array<i32>} : memref<4096xi32, #tpu.memory_space<vmem>>, vector<16xi32>,
        tpu.vector_store %arg9[%swap3A], %broadcast_in_dim3A_5 {strides = array<i32>} : memref<4096xi32, #tpu.memory_space<vmem>>, vector<16xi32>,
        %mul3A_204 = arith.constant 16 : i32
        %mul3A_205 = arith.muli %scan3A_192, %mul3A_204 : i32
        %add3A_206 = arith.constant 256 : i32
        %add3A_207 = arith.addi %add3A_206, %mul3A_205 : i32
        %get3A_208 = arith.index_cast %add3A_207 : i32 to index
        %get3A_209 = tpu.vector_load %arg9[%get3A_208] {strides = array<i32>} : memref<4096xi32, #tpu.memory_space<vmem>>, vector<16xi32>,
        %add3A_210 = arith.addi %get3A_200, %get3A_209 : vector<16xi32>
        %mul3A_211 = arith.constant 16 : i32
        %mul3A_212 = arith.muli %scan3A_192, %mul3A_211 : i32
        %add3A_213 = arith.constant 256 : i32
        %add3A_214 = arith.addi %add3A_213, %mul3A_212 : i32
        %swap3A_215 = arith.index_cast %add3A_214 : i32 to index
        %swap3A_216 = tpu.vector_load %arg9[%swap3A_215] {strides = array<i32>} : memref<4096xi32, #tpu.memory_space<vmem>>, vector<16xi32>,
        tpu.vector_store %arg9[%swap3A_215], %broadcast_in_dim3A_5 {strides = array<i32>} : memref<4096xi32, #tpu.memory_space<vmem>>, vector<16xi32>,
        %mul3A_217 = arith.constant 16 : i32
        %mul3A_218 = arith.muli %scan3A_192, %mul3A_217 : i32
        %add3A_219 = arith.constant 512 : i32
        %add3A_220 = arith.addi %add3A_219, %mul3A_218 : i32
        %get3A_221 = arith.index_cast %add3A_220 : i32 to index
        %get3A_222 = tpu.vector_load %arg9[%get3A_221] {strides = array<i32>} : memref<4096xi32, #tpu.memory_space<vmem>>, vector<16xi32>,
        %add3A_223 = arith.addi %add3A_210, %get3A_222 : vector<16xi32>
        %mul3A_224 = arith.constant 16 : i32
        %mul3A_225 = arith.muli %scan3A_192, %mul3A_224 : i32
        %add3A_226 = arith.constant 512 : i32
        %add3A_227 = arith.addi %add3A_226, %mul3A_225 : i32
        %swap3A_228 = arith.index_cast %add3A_227 : i32 to index
        %swap3A_229 = tpu.vector_load %arg9[%swap3A_228] {strides = array<i32>} : memref<4096xi32, #tpu.memory_space<vmem>>, vector<16xi32>,
        tpu.vector_store %arg9[%swap3A_228], %broadcast_in_dim3A_5 {strides = array<i32>} : memref<4096xi32, #tpu.memory_space<vmem>>, vector<16xi32>,
        %mul3A_230 = arith.constant 16 : i32
        %mul3A_231 = arith.muli %scan3A_192, %mul3A_230 : i32
        %add3A_232 = arith.constant 768 : i32
        %add3A_233 = arith.addi %add3A_232, %mul3A_231 : i32
        %get3A_234 = arith.index_cast %add3A_233 : i32 to index
        %get3A_235 = tpu.vector_load %arg9[%get3A_234] {strides = array<i32>} : memref<4096xi32, #tpu.memory_space<vmem>>, vector<16xi32>,
        %add3A_236 = arith.addi %add3A_223, %get3A_235 : vector<16xi32>
        %mul3A_237 = arith.constant 16 : i32
        %mul3A_238 = arith.muli %scan3A_192, %mul3A_237 : i32
        %add3A_239 = arith.constant 768 : i32
        %add3A_240 = arith.addi %add3A_239, %mul3A_238 : i32
        %swap3A_241 = arith.index_cast %add3A_240 : i32 to index
        %swap3A_242 = tpu.vector_load %arg9[%swap3A_241] {strides = array<i32>} : memref<4096xi32, #tpu.memory_space<vmem>>, vector<16xi32>,
        tpu.vector_store %arg9[%swap3A_241], %broadcast_in_dim3A_5 {strides = array<i32>} : memref<4096xi32, #tpu.memory_space<vmem>>, vector<16xi32>,
        %mul3A_243 = arith.constant 16 : i32
        %mul3A_244 = arith.muli %scan3A_192, %mul3A_243 : i32
        %add3A_245 = arith.constant 1024 : i32
        %add3A_246 = arith.addi %add3A_245, %mul3A_244 : i32
        %get3A_247 = arith.index_cast %add3A_246 : i32 to index
        %get3A_248 = tpu.vector_load %arg9[%get3A_247] {strides = array<i32>} : memref<4096xi32, #tpu.memory_space<vmem>>, vector<16xi32>,
        %add3A_249 = arith.addi %add3A_236, %get3A_248 : vector<16xi32>
        %mul3A_250 = arith.constant 16 : i32
        %mul3A_251 = arith.muli %scan3A_192, %mul3A_250 : i32
        %add3A_252 = arith.constant 1024 : i32
        %add3A_253 = arith.addi %add3A_252, %mul3A_251 : i32
        %swap3A_254 = arith.index_cast %add3A_253 : i32 to index
        %swap3A_255 = tpu.vector_load %arg9[%swap3A_254] {strides = array<i32>} : memref<4096xi32, #tpu.memory_space<vmem>>, vector<16xi32>,
        tpu.vector_store %arg9[%swap3A_254], %broadcast_in_dim3A_5 {strides = array<i32>} : memref<4096xi32, #tpu.memory_space<vmem>>, vector<16xi32>,
        %mul3A_256 = arith.constant 16 : i32
        %mul3A_257 = arith.muli %scan3A_192, %mul3A_256 : i32
        %add3A_258 = arith.constant 1280 : i32
        %add3A_259 = arith.addi %add3A_258, %mul3A_257 : i32
        %get3A_260 = arith.index_cast %add3A_259 : i32 to index
        %get3A_261 = tpu.vector_load %arg9[%get3A_260] {strides = array<i32>} : memref<4096xi32, #tpu.memory_space<vmem>>, vector<16xi32>,
        %add3A_262 = arith.addi %add3A_249, %get3A_261 : vector<16xi32>
        %mul3A_263 = arith.constant 16 : i32
        %mul3A_264 = arith.muli %scan3A_192, %mul3A_263 : i32
        %add3A_265 = arith.constant 1280 : i32
        %add3A_266 = arith.addi %add3A_265, %mul3A_264 : i32
        %swap3A_267 = arith.index_cast %add3A_266 : i32 to index
        %swap3A_268 = tpu.vector_load %arg9[%swap3A_267] {strides = array<i32>} : memref<4096xi32, #tpu.memory_space<vmem>>, vector<16xi32>,
        tpu.vector_store %arg9[%swap3A_267], %broadcast_in_dim3A_5 {strides = array<i32>} : memref<4096xi32, #tpu.memory_space<vmem>>, vector<16xi32>,
        %mul3A_269 = arith.constant 16 : i32
        %mul3A_270 = arith.muli %scan3A_192, %mul3A_269 : i32
        %add3A_271 = arith.constant 1536 : i32
        %add3A_272 = arith.addi %add3A_271, %mul3A_270 : i32
        %get3A_273 = arith.index_cast %add3A_272 : i32 to index
        %get3A_274 = tpu.vector_load %arg9[%get3A_273] {strides = array<i32>} : memref<4096xi32, #tpu.memory_space<vmem>>, vector<16xi32>,
        %add3A_275 = arith.addi %add3A_262, %get3A_274 : vector<16xi32>
        %mul3A_276 = arith.constant 16 : i32
        %mul3A_277 = arith.muli %scan3A_192, %mul3A_276 : i32
        %add3A_278 = arith.constant 1536 : i32
        %add3A_279 = arith.addi %add3A_278, %mul3A_277 : i32
        %swap3A_280 = arith.index_cast %add3A_279 : i32 to index
        %swap3A_281 = tpu.vector_load %arg9[%swap3A_280] {strides = array<i32>} : memref<4096xi32, #tpu.memory_space<vmem>>, vector<16xi32>,
        tpu.vector_store %arg9[%swap3A_280], %broadcast_in_dim3A_5 {strides = array<i32>} : memref<4096xi32, #tpu.memory_space<vmem>>, vector<16xi32>,
        %mul3A_282 = arith.constant 16 : i32
        %mul3A_283 = arith.muli %scan3A_192, %mul3A_282 : i32
        %add3A_284 = arith.constant 1792 : i32
        %add3A_285 = arith.addi %add3A_284, %mul3A_283 : i32
        %get3A_286 = arith.index_cast %add3A_285 : i32 to index
        %get3A_287 = tpu.vector_load %arg9[%get3A_286] {strides = array<i32>} : memref<4096xi32, #tpu.memory_space<vmem>>, vector<16xi32>,
        %add3A_288 = arith.addi %add3A_275, %get3A_287 : vector<16xi32>
        %mul3A_289 = arith.constant 16 : i32
        %mul3A_290 = arith.muli %scan3A_192, %mul3A_289 : i32
        %add3A_291 = arith.constant 1792 : i32
        %add3A_292 = arith.addi %add3A_291, %mul3A_290 : i32
        %swap3A_293 = arith.index_cast %add3A_292 : i32 to index
        %swap3A_294 = tpu.vector_load %arg9[%swap3A_293] {strides = array<i32>} : memref<4096xi32, #tpu.memory_space<vmem>>, vector<16xi32>,
        tpu.vector_store %arg9[%swap3A_293], %broadcast_in_dim3A_5 {strides = array<i32>} : memref<4096xi32, #tpu.memory_space<vmem>>, vector<16xi32>,
        %mul3A_295 = arith.constant 16 : i32
        %mul3A_296 = arith.muli %scan3A_192, %mul3A_295 : i32
        %add3A_297 = arith.constant 2048 : i32
        %add3A_298 = arith.addi %add3A_297, %mul3A_296 : i32
        %get3A_299 = arith.index_cast %add3A_298 : i32 to index
        %get3A_300 = tpu.vector_load %arg9[%get3A_299] {strides = array<i32>} : memref<4096xi32, #tpu.memory_space<vmem>>, vector<16xi32>,
        %add3A_301 = arith.addi %add3A_288, %get3A_300 : vector<16xi32>
        %mul3A_302 = arith.constant 16 : i32
        %mul3A_303 = arith.muli %scan3A_192, %mul3A_302 : i32
        %add3A_304 = arith.constant 2048 : i32
        %add3A_305 = arith.addi %add3A_304, %mul3A_303 : i32
        %swap3A_306 = arith.index_cast %add3A_305 : i32 to index
        %swap3A_307 = tpu.vector_load %arg9[%swap3A_306] {strides = array<i32>} : memref<4096xi32, #tpu.memory_space<vmem>>, vector<16xi32>,
        tpu.vector_store %arg9[%swap3A_306], %broadcast_in_dim3A_5 {strides = array<i32>} : memref<4096xi32, #tpu.memory_space<vmem>>, vector<16xi32>,
        %mul3A_308 = arith.constant 16 : i32
        %mul3A_309 = arith.muli %scan3A_192, %mul3A_308 : i32
        %add3A_310 = arith.constant 2304 : i32
        %add3A_311 = arith.addi %add3A_310, %mul3A_309 : i32
        %get3A_312 = arith.index_cast %add3A_311 : i32 to index
        %get3A_313 = tpu.vector_load %arg9[%get3A_312] {strides = array<i32>} : memref<4096xi32, #tpu.memory_space<vmem>>, vector<16xi32>,
        %add3A_314 = arith.addi %add3A_301, %get3A_313 : vector<16xi32>
        %mul3A_315 = arith.constant 16 : i32
        %mul3A_316 = arith.muli %scan3A_192, %mul3A_315 : i32
        %add3A_317 = arith.constant 2304 : i32
        %add3A_318 = arith.addi %add3A_317, %mul3A_316 : i32
        %swap3A_319 = arith.index_cast %add3A_318 : i32 to index
        %swap3A_320 = tpu.vector_load %arg9[%swap3A_319] {strides = array<i32>} : memref<4096xi32, #tpu.memory_space<vmem>>, vector<16xi32>,
        tpu.vector_store %arg9[%swap3A_319], %broadcast_in_dim3A_5 {strides = array<i32>} : memref<4096xi32, #tpu.memory_space<vmem>>, vector<16xi32>,
        %mul3A_321 = arith.constant 16 : i32
        %mul3A_322 = arith.muli %scan3A_192, %mul3A_321 : i32
        %add3A_323 = arith.constant 2560 : i32
        %add3A_324 = arith.addi %add3A_323, %mul3A_322 : i32
        %get3A_325 = arith.index_cast %add3A_324 : i32 to index
        %get3A_326 = tpu.vector_load %arg9[%get3A_325] {strides = array<i32>} : memref<4096xi32, #tpu.memory_space<vmem>>, vector<16xi32>,
        %add3A_327 = arith.addi %add3A_314, %get3A_326 : vector<16xi32>
        %mul3A_328 = arith.constant 16 : i32
        %mul3A_329 = arith.muli %scan3A_192, %mul3A_328 : i32
        %add3A_330 = arith.constant 2560 : i32
        %add3A_331 = arith.addi %add3A_330, %mul3A_329 : i32
        %swap3A_332 = arith.index_cast %add3A_331 : i32 to index
        %swap3A_333 = tpu.vector_load %arg9[%swap3A_332] {strides = array<i32>} : memref<4096xi32, #tpu.memory_space<vmem>>, vector<16xi32>,
        tpu.vector_store %arg9[%swap3A_332], %broadcast_in_dim3A_5 {strides = array<i32>} : memref<4096xi32, #tpu.memory_space<vmem>>, vector<16xi32>,
        %mul3A_334 = arith.constant 16 : i32
        %mul3A_335 = arith.muli %scan3A_192, %mul3A_334 : i32
        %add3A_336 = arith.constant 2816 : i32
        %add3A_337 = arith.addi %add3A_336, %mul3A_335 : i32
        %get3A_338 = arith.index_cast %add3A_337 : i32 to index
        %get3A_339 = tpu.vector_load %arg9[%get3A_338] {strides = array<i32>} : memref<4096xi32, #tpu.memory_space<vmem>>, vector<16xi32>,
        %add3A_340 = arith.addi %add3A_327, %get3A_339 : vector<16xi32>
        %mul3A_341 = arith.constant 16 : i32
        %mul3A_342 = arith.muli %scan3A_192, %mul3A_341 : i32
        %add3A_343 = arith.constant 2816 : i32
        %add3A_344 = arith.addi %add3A_343, %mul3A_342 : i32
        %swap3A_345 = arith.index_cast %add3A_344 : i32 to index
        %swap3A_346 = tpu.vector_load %arg9[%swap3A_345] {strides = array<i32>} : memref<4096xi32, #tpu.memory_space<vmem>>, vector<16xi32>,
        tpu.vector_store %arg9[%swap3A_345], %broadcast_in_dim3A_5 {strides = array<i32>} : memref<4096xi32, #tpu.memory_space<vmem>>, vector<16xi32>,
        %mul3A_347 = arith.constant 16 : i32
        %mul3A_348 = arith.muli %scan3A_192, %mul3A_347 : i32
        %add3A_349 = arith.constant 3072 : i32
        %add3A_350 = arith.addi %add3A_349, %mul3A_348 : i32
        %get3A_351 = arith.index_cast %add3A_350 : i32 to index
        %get3A_352 = tpu.vector_load %arg9[%get3A_351] {strides = array<i32>} : memref<4096xi32, #tpu.memory_space<vmem>>, vector<16xi32>,
        %add3A_353 = arith.addi %add3A_340, %get3A_352 : vector<16xi32>
        %mul3A_354 = arith.constant 16 : i32
        %mul3A_355 = arith.muli %scan3A_192, %mul3A_354 : i32
        %add3A_356 = arith.constant 3072 : i32
        %add3A_357 = arith.addi %add3A_356, %mul3A_355 : i32
        %swap3A_358 = arith.index_cast %add3A_357 : i32 to index
        %swap3A_359 = tpu.vector_load %arg9[%swap3A_358] {strides = array<i32>} : memref<4096xi32, #tpu.memory_space<vmem>>, vector<16xi32>,
        tpu.vector_store %arg9[%swap3A_358], %broadcast_in_dim3A_5 {strides = array<i32>} : memref<4096xi32, #tpu.memory_space<vmem>>, vector<16xi32>,
        %mul3A_360 = arith.constant 16 : i32
        %mul3A_361 = arith.muli %scan3A_192, %mul3A_360 : i32
        %add3A_362 = arith.constant 3328 : i32
        %add3A_363 = arith.addi %add3A_362, %mul3A_361 : i32
        %get3A_364 = arith.index_cast %add3A_363 : i32 to index
        %get3A_365 = tpu.vector_load %arg9[%get3A_364] {strides = array<i32>} : memref<4096xi32, #tpu.memory_space<vmem>>, vector<16xi32>,
        %add3A_366 = arith.addi %add3A_353, %get3A_365 : vector<16xi32>
        %mul3A_367 = arith.constant 16 : i32
        %mul3A_368 = arith.muli %scan3A_192, %mul3A_367 : i32
        %add3A_369 = arith.constant 3328 : i32
        %add3A_370 = arith.addi %add3A_369, %mul3A_368 : i32
        %swap3A_371 = arith.index_cast %add3A_370 : i32 to index
        %swap3A_372 = tpu.vector_load %arg9[%swap3A_371] {strides = array<i32>} : memref<4096xi32, #tpu.memory_space<vmem>>, vector<16xi32>,
        tpu.vector_store %arg9[%swap3A_371], %broadcast_in_dim3A_5 {strides = array<i32>} : memref<4096xi32, #tpu.memory_space<vmem>>, vector<16xi32>,
        %mul3A_373 = arith.constant 16 : i32
        %mul3A_374 = arith.muli %scan3A_192, %mul3A_373 : i32
        %add3A_375 = arith.constant 3584 : i32
        %add3A_376 = arith.addi %add3A_375, %mul3A_374 : i32
        %get3A_377 = arith.index_cast %add3A_376 : i32 to index
        %get3A_378 = tpu.vector_load %arg9[%get3A_377] {strides = array<i32>} : memref<4096xi32, #tpu.memory_space<vmem>>, vector<16xi32>,
        %add3A_379 = arith.addi %add3A_366, %get3A_378 : vector<16xi32>
        %mul3A_380 = arith.constant 16 : i32
        %mul3A_381 = arith.muli %scan3A_192, %mul3A_380 : i32
        %add3A_382 = arith.constant 3584 : i32
        %add3A_383 = arith.addi %add3A_382, %mul3A_381 : i32
        %swap3A_384 = arith.index_cast %add3A_383 : i32 to index
        %swap3A_385 = tpu.vector_load %arg9[%swap3A_384] {strides = array<i32>} : memref<4096xi32, #tpu.memory_space<vmem>>, vector<16xi32>,
        tpu.vector_store %arg9[%swap3A_384], %broadcast_in_dim3A_5 {strides = array<i32>} : memref<4096xi32, #tpu.memory_space<vmem>>, vector<16xi32>,
        %mul3A_386 = arith.constant 16 : i32
        %mul3A_387 = arith.muli %scan3A_192, %mul3A_386 : i32
        %add3A_388 = arith.constant 3840 : i32
        %add3A_389 = arith.addi %add3A_388, %mul3A_387 : i32
        %get3A_390 = arith.index_cast %add3A_389 : i32 to index
        %get3A_391 = tpu.vector_load %arg9[%get3A_390] {strides = array<i32>} : memref<4096xi32, #tpu.memory_space<vmem>>, vector<16xi32>,
        %add3A_392 = arith.addi %add3A_379, %get3A_391 : vector<16xi32>
        %mul3A_393 = arith.constant 16 : i32
        %mul3A_394 = arith.muli %scan3A_192, %mul3A_393 : i32
        %add3A_395 = arith.constant 3840 : i32
        %add3A_396 = arith.addi %add3A_395, %mul3A_394 : i32
        %swap3A_397 = arith.index_cast %add3A_396 : i32 to index
        %swap3A_398 = tpu.vector_load %arg9[%swap3A_397] {strides = array<i32>} : memref<4096xi32, #tpu.memory_space<vmem>>, vector<16xi32>,
        tpu.vector_store %arg9[%swap3A_397], %broadcast_in_dim3A_5 {strides = array<i32>} : memref<4096xi32, #tpu.memory_space<vmem>>, vector<16xi32>,
        %broadcast_in_dim3A_399 = arith.constant true
        %broadcast_in_dim3A_400 = vector.broadcast %broadcast_in_dim3A_399 : i1 to vector<16xi1>
        %masked_cumsum3A = tpu.scan <sum>, %add3A_392 masked %broadcast_in_dim3A_400 : vector<16xi32>, vector<16xi1> -> vector<16xi32>
        %add3A_401 = arith.addi %masked_cumsum3A, %scan3A_193 : vector<16xi32>
        %gt3A_402 = arith.cmpi sgt, %add3A_401, %broadcast_in_dim3A_148 : vector<16xi32>
        %broadcast_in_dim3A_403 = arith.constant 15 : i32
        %broadcast_in_dim3A_404 = vector.broadcast %broadcast_in_dim3A_403 : i32 to vector<16xi32>
        %lt3A_405 = arith.constant 0 : i32
        %lt3A_406 = vector.broadcast %lt3A_405 : i32 to vector<16xi32>
        %lt3A_407 = arith.cmpi slt, %broadcast_in_dim3A_404, %lt3A_406 : vector<16xi32>
        %add3A_408 = arith.constant 16 : i32
        %add3A_409 = vector.broadcast %add3A_408 : i32 to vector<16xi32>
        %add3A_410 = arith.addi %broadcast_in_dim3A_404, %add3A_409 : vector<16xi32>
        %select_n3A_411 = arith.select %lt3A_407, %add3A_410, %broadcast_in_dim3A_404 : vector<16xi1>, vector<16xi32>
        %broadcast_in_dim3A_412 = vector.shape_cast %select_n3A_411 : vector<16xi32> to vector<16x1xi32>
        %gather3A = vector.shape_cast %broadcast_in_dim3A_412 : vector<16x1xi32> to vector<16xi32>
        %gather3A_413 = tpu.dynamic_gather %add3A_401[%gather3A] in [0] : vector<16xi32>, vector<16xi32> -> vector<16xi32>
        %all_reduce_ffs3A = tpu.all_reduce %gt3A_402 {dim = 0 : i64, kind = #tpu.reduction_kind<find_first_set>} : vector<16xi1> -> vector<16xi32>
        %lt3A_414 = arith.constant 0 : i32
        %lt3A_415 = vector.broadcast %lt3A_414 : i32 to vector<16xi32>
        %lt3A_416 = arith.cmpi slt, %scan3A_194, %lt3A_415 : vector<16xi32>
        %gt3A_417 = arith.cmpi sgt, %gather3A_413, %broadcast_in_dim3A_148 : vector<16xi32>
        %and3A_418 = arith.andi %lt3A_416, %gt3A_417 : vector<16xi1>
        %select_n3A_419 = arith.select %and3A_418, %all_reduce_ffs3A, %broadcast_in_dim3A_5 : vector<16xi1>, vector<16xi32>
        %lt3A_420 = arith.constant 0 : i32
        %lt3A_421 = vector.broadcast %lt3A_420 : i32 to vector<16xi32>
        %lt3A_422 = arith.cmpi slt, %select_n3A_419, %lt3A_421 : vector<16xi32>
        %add3A_423 = arith.constant 16 : i32
        %add3A_424 = vector.broadcast %add3A_423 : i32 to vector<16xi32>
        %add3A_425 = arith.addi %select_n3A_419, %add3A_424 : vector<16xi32>
        %select_n3A_426 = arith.select %lt3A_422, %add3A_425, %select_n3A_419 : vector<16xi1>, vector<16xi32>
        %broadcast_in_dim3A_427 = vector.shape_cast %select_n3A_426 : vector<16xi32> to vector<16x1xi32>
        %gather3A_428 = vector.shape_cast %broadcast_in_dim3A_427 : vector<16x1xi32> to vector<16xi32>
        %gather3A_429 = tpu.dynamic_gather %add3A_392[%gather3A_428] in [0] : vector<16xi32>, vector<16xi32> -> vector<16xi32>
        %lt3A_430 = arith.constant 0 : i32
        %lt3A_431 = vector.broadcast %lt3A_430 : i32 to vector<16xi32>
        %lt3A_432 = arith.cmpi slt, %select_n3A_419, %lt3A_431 : vector<16xi32>
        %add3A_433 = arith.constant 16 : i32
        %add3A_434 = vector.broadcast %add3A_433 : i32 to vector<16xi32>
        %add3A_435 = arith.addi %select_n3A_419, %add3A_434 : vector<16xi32>
        %select_n3A_436 = arith.select %lt3A_432, %add3A_435, %select_n3A_419 : vector<16xi1>, vector<16xi32>
        %broadcast_in_dim3A_437 = vector.shape_cast %select_n3A_436 : vector<16xi32> to vector<16x1xi32>
        %gather3A_438 = vector.shape_cast %broadcast_in_dim3A_437 : vector<16x1xi32> to vector<16xi32>
        %gather3A_439 = tpu.dynamic_gather %masked_cumsum3A[%gather3A_438] in [0] : vector<16xi32>, vector<16xi32> -> vector<16xi32>
        %add3A_440 = arith.addi %scan3A_193, %gather3A_439 : vector<16xi32>
        %sub3A_441 = arith.subi %add3A_440, %gather3A_429 : vector<16xi32>
        %mul3A_442 = arith.constant 16 : i32
        %mul3A_443 = arith.muli %scan3A_192, %mul3A_442 : i32
        %broadcast_in_dim3A_444 = vector.broadcast %mul3A_443 : i32 to vector<16xi32>
        %add3A_445 = arith.addi %broadcast_in_dim3A_444, %all_reduce_ffs3A : vector<16xi32>
        %select_n3A_446 = arith.select %and3A_418, %add3A_445, %scan3A_194 : vector<16xi1>, vector<16xi32>
        %select_n3A_447 = arith.select %and3A_418, %gather3A_429, %scan3A_195 : vector<16xi1>, vector<16xi32>
        %select_n3A_448 = arith.select %and3A_418, %sub3A_441, %scan3A_196 : vector<16xi1>, vector<16xi32>
        scf.yield %gather3A_413, %select_n3A_446, %select_n3A_447, %select_n3A_448 : vector<16xi32>, vector<16xi32>, vector<16xi32>, vector<16xi32>
      }
      %scan3A_156 = arith.constant 16 : i32
      %slice3A_157 = vector.extract_strided_slice %scan3A_155#1 {offsets = [0], sizes = [1], strides = [1]} : vector<16xi32> to vector<1xi32>
      %squeeze3A_158 = vector.extract %slice3A_157[0] : i32 from vector<1xi32>
      %slice3A_159 = vector.extract_strided_slice %scan3A_155#2 {offsets = [0], sizes = [1], strides = [1]} : vector<16xi32> to vector<1xi32>
      %squeeze3A_160 = vector.extract %slice3A_159[0] : i32 from vector<1xi32>
      %slice3A_161 = vector.extract_strided_slice %scan3A_155#3 {offsets = [0], sizes = [1], strides = [1]} : vector<16xi32> to vector<1xi32>
      %squeeze3A_162 = vector.extract %slice3A_161[0] : i32 from vector<1xi32>
      %sub3A_163 = arith.subi %squeeze3A_135, %squeeze3A_162 : i32
      %sub3A_164 = arith.subi %sub3A_163, %squeeze3A_160 : i32
      %sub3A_165 = arith.subi %sub3A_140, %sub3A_164 : i32
      %shift_left3A_166 = arith.constant 8 : i32
      %shift_left3A_167 = arith.shli %or3A, %shift_left3A_166 : i32
      %or3A_168 = arith.ori %shift_left3A_167, %squeeze3A_158 : i32
      %eq3A_169 = arith.constant 1 : i32
      %eq3A_170 = arith.cmpi eq, %squeeze3A_160, %eq3A_169 : i32
      %convert_element_type3A_171 = arith.extui %eq3A_170 : i1 to i32
      %cond3A_172 = arith.constant 0 : i32
      %cond3A_173 = arith.cmpi ne, %convert_element_type3A_171, %cond3A_172 : i32
      %cond3A_174:3 = scf.if %cond3A_173 -> (i32, i32, i32) {
        %shift_left3A_192 = arith.constant 8 : i32
        %shift_left3A_193 = arith.shli %or3A_168, %shift_left3A_192 : i32
        %cond3A_194 = arith.constant 1 : i32
        %cond3A_195 = arith.constant 1 : i32
        scf.yield %shift_left3A_193, %cond3A_194, %cond3A_195 : i32, i32, i32
      } else {
        %broadcast_in_dim3A_192 = vector.broadcast %or3A_168 : i32 to vector<16xi32>
        %parallel_loop3A_193 = arith.constant 0 : i32
        %parallel_loop3A_194 = arith.constant 512 : i32
        %parallel_loop3A_195 = arith.constant 1 : i32
        scf.for %parallel_loop3A_218 = %parallel_loop3A_193 to %parallel_loop3A_194 step %parallel_loop3A_195  : i32 {
          %parallel_loop3A_219 = arith.constant 16 : i32
          %parallel_loop3A_220 = arith.muli %parallel_loop3A_218, %parallel_loop3A_219 : i32
          %parallel_loop3A_221 = arith.index_cast %parallel_loop3A_220 : i32 to index
          %parallel_loop3A_222 = tpu.vector_load %arg8[%parallel_loop3A_221] {strides = array<i32>} : memref<8192xi32, #tpu.memory_space<vmem>>, vector<16xi32>,
          %parallel_loop3A_223 = arith.constant 0 : i32
          %parallel_loop3A_224 = vector.broadcast %parallel_loop3A_223 : i32 to vector<16xi32>
          %parallel_loop3A_225 = arith.shrui %parallel_loop3A_222, %parallel_loop3A_224 : vector<16xi32>
          %parallel_loop3A_226 = arith.constant 8 : i32
          %parallel_loop3A_227 = vector.broadcast %parallel_loop3A_226 : i32 to vector<16xi32>
          %parallel_loop3A_228 = arith.shrui %parallel_loop3A_222, %parallel_loop3A_227 : vector<16xi32>
          %parallel_loop3A_229 = arith.cmpi eq, %parallel_loop3A_228, %broadcast_in_dim3A_192 : vector<16xi32>
          %parallel_loop3A_230 = arith.constant 255 : i32
          %parallel_loop3A_231 = vector.broadcast %parallel_loop3A_230 : i32 to vector<16xi32>
          %parallel_loop3A_232 = arith.andi %parallel_loop3A_225, %parallel_loop3A_231 : vector<16xi32>
          %parallel_loop3A_233 = arith.ori %shift_left3A, %parallel_loop3A_232 : vector<16xi32>
          tpu.vector_store_idx %arg9[%parallel_loop3A_233], %broadcast_in_dim3A_3 masked %parallel_loop3A_229 {add = true} : memref<4096xi32, #tpu.memory_space<vmem>>[vector<16xi32>], vector<16xi32>, vector<16xi1>
        } {sc.loop_unroll_factor = 8 : i64, sc.parallel_access}
        %sub3A_196 = arith.subi %squeeze3A_160, %sub3A_165 : i32
        %broadcast_in_dim3A_197 = vector.broadcast %sub3A_196 : i32 to vector<16xi32>
        %broadcast_in_dim3A_198 = arith.constant -1 : i32
        %broadcast_in_dim3A_199 = vector.broadcast %broadcast_in_dim3A_198 : i32 to vector<16xi32>
        %scan3A_200 = arith.constant 0 : i32
        %scan3A_201 = arith.constant 16 : i32
        %scan3A_202 = arith.addi %scan3A_200, %scan3A_201 : i32
        %scan3A_203 = arith.constant 1 : i32
        %scan3A_204:4 = scf.for %scan3A_218 = %scan3A_200 to %scan3A_202 step %scan3A_203 iter_args(%scan3A_219 = %broadcast_in_dim3A_5, %scan3A_220 = %broadcast_in_dim3A_199, %scan3A_221 = %broadcast_in_dim3A_5, %scan3A_222 = %broadcast_in_dim3A_5) -> (vector<16xi32>, vector<16xi32>, vector<16xi32>, vector<16xi32>)  : i32 {
          %mul3A_223 = arith.constant 16 : i32
          %mul3A_224 = arith.muli %scan3A_218, %mul3A_223 : i32
          %get3A_225 = arith.index_cast %mul3A_224 : i32 to index
          %get3A_226 = tpu.vector_load %arg9[%get3A_225] {strides = array<i32>} : memref<4096xi32, #tpu.memory_space<vmem>>, vector<16xi32>,
          %mul3A_227 = arith.constant 16 : i32
          %mul3A_228 = arith.muli %scan3A_218, %mul3A_227 : i32
          %swap3A = arith.index_cast %mul3A_228 : i32 to index
          %swap3A_229 = tpu.vector_load %arg9[%swap3A] {strides = array<i32>} : memref<4096xi32, #tpu.memory_space<vmem>>, vector<16xi32>,
          tpu.vector_store %arg9[%swap3A], %broadcast_in_dim3A_5 {strides = array<i32>} : memref<4096xi32, #tpu.memory_space<vmem>>, vector<16xi32>,
          %mul3A_230 = arith.constant 16 : i32
          %mul3A_231 = arith.muli %scan3A_218, %mul3A_230 : i32
          %add3A_232 = arith.constant 256 : i32
          %add3A_233 = arith.addi %add3A_232, %mul3A_231 : i32
          %get3A_234 = arith.index_cast %add3A_233 : i32 to index
          %get3A_235 = tpu.vector_load %arg9[%get3A_234] {strides = array<i32>} : memref<4096xi32, #tpu.memory_space<vmem>>, vector<16xi32>,
          %add3A_236 = arith.addi %get3A_226, %get3A_235 : vector<16xi32>
          %mul3A_237 = arith.constant 16 : i32
          %mul3A_238 = arith.muli %scan3A_218, %mul3A_237 : i32
          %add3A_239 = arith.constant 256 : i32
          %add3A_240 = arith.addi %add3A_239, %mul3A_238 : i32
          %swap3A_241 = arith.index_cast %add3A_240 : i32 to index
          %swap3A_242 = tpu.vector_load %arg9[%swap3A_241] {strides = array<i32>} : memref<4096xi32, #tpu.memory_space<vmem>>, vector<16xi32>,
          tpu.vector_store %arg9[%swap3A_241], %broadcast_in_dim3A_5 {strides = array<i32>} : memref<4096xi32, #tpu.memory_space<vmem>>, vector<16xi32>,
          %mul3A_243 = arith.constant 16 : i32
          %mul3A_244 = arith.muli %scan3A_218, %mul3A_243 : i32
          %add3A_245 = arith.constant 512 : i32
          %add3A_246 = arith.addi %add3A_245, %mul3A_244 : i32
          %get3A_247 = arith.index_cast %add3A_246 : i32 to index
          %get3A_248 = tpu.vector_load %arg9[%get3A_247] {strides = array<i32>} : memref<4096xi32, #tpu.memory_space<vmem>>, vector<16xi32>,
          %add3A_249 = arith.addi %add3A_236, %get3A_248 : vector<16xi32>
          %mul3A_250 = arith.constant 16 : i32
          %mul3A_251 = arith.muli %scan3A_218, %mul3A_250 : i32
          %add3A_252 = arith.constant 512 : i32
          %add3A_253 = arith.addi %add3A_252, %mul3A_251 : i32
          %swap3A_254 = arith.index_cast %add3A_253 : i32 to index
          %swap3A_255 = tpu.vector_load %arg9[%swap3A_254] {strides = array<i32>} : memref<4096xi32, #tpu.memory_space<vmem>>, vector<16xi32>,
          tpu.vector_store %arg9[%swap3A_254], %broadcast_in_dim3A_5 {strides = array<i32>} : memref<4096xi32, #tpu.memory_space<vmem>>, vector<16xi32>,
          %mul3A_256 = arith.constant 16 : i32
          %mul3A_257 = arith.muli %scan3A_218, %mul3A_256 : i32
          %add3A_258 = arith.constant 768 : i32
          %add3A_259 = arith.addi %add3A_258, %mul3A_257 : i32
          %get3A_260 = arith.index_cast %add3A_259 : i32 to index
          %get3A_261 = tpu.vector_load %arg9[%get3A_260] {strides = array<i32>} : memref<4096xi32, #tpu.memory_space<vmem>>, vector<16xi32>,
          %add3A_262 = arith.addi %add3A_249, %get3A_261 : vector<16xi32>
          %mul3A_263 = arith.constant 16 : i32
          %mul3A_264 = arith.muli %scan3A_218, %mul3A_263 : i32
          %add3A_265 = arith.constant 768 : i32
          %add3A_266 = arith.addi %add3A_265, %mul3A_264 : i32
          %swap3A_267 = arith.index_cast %add3A_266 : i32 to index
          %swap3A_268 = tpu.vector_load %arg9[%swap3A_267] {strides = array<i32>} : memref<4096xi32, #tpu.memory_space<vmem>>, vector<16xi32>,
          tpu.vector_store %arg9[%swap3A_267], %broadcast_in_dim3A_5 {strides = array<i32>} : memref<4096xi32, #tpu.memory_space<vmem>>, vector<16xi32>,
          %mul3A_269 = arith.constant 16 : i32
          %mul3A_270 = arith.muli %scan3A_218, %mul3A_269 : i32
          %add3A_271 = arith.constant 1024 : i32
          %add3A_272 = arith.addi %add3A_271, %mul3A_270 : i32
          %get3A_273 = arith.index_cast %add3A_272 : i32 to index
          %get3A_274 = tpu.vector_load %arg9[%get3A_273] {strides = array<i32>} : memref<4096xi32, #tpu.memory_space<vmem>>, vector<16xi32>,
          %add3A_275 = arith.addi %add3A_262, %get3A_274 : vector<16xi32>
          %mul3A_276 = arith.constant 16 : i32
          %mul3A_277 = arith.muli %scan3A_218, %mul3A_276 : i32
          %add3A_278 = arith.constant 1024 : i32
          %add3A_279 = arith.addi %add3A_278, %mul3A_277 : i32
          %swap3A_280 = arith.index_cast %add3A_279 : i32 to index
          %swap3A_281 = tpu.vector_load %arg9[%swap3A_280] {strides = array<i32>} : memref<4096xi32, #tpu.memory_space<vmem>>, vector<16xi32>,
          tpu.vector_store %arg9[%swap3A_280], %broadcast_in_dim3A_5 {strides = array<i32>} : memref<4096xi32, #tpu.memory_space<vmem>>, vector<16xi32>,
          %mul3A_282 = arith.constant 16 : i32
          %mul3A_283 = arith.muli %scan3A_218, %mul3A_282 : i32
          %add3A_284 = arith.constant 1280 : i32
          %add3A_285 = arith.addi %add3A_284, %mul3A_283 : i32
          %get3A_286 = arith.index_cast %add3A_285 : i32 to index
          %get3A_287 = tpu.vector_load %arg9[%get3A_286] {strides = array<i32>} : memref<4096xi32, #tpu.memory_space<vmem>>, vector<16xi32>,
          %add3A_288 = arith.addi %add3A_275, %get3A_287 : vector<16xi32>
          %mul3A_289 = arith.constant 16 : i32
          %mul3A_290 = arith.muli %scan3A_218, %mul3A_289 : i32
          %add3A_291 = arith.constant 1280 : i32
          %add3A_292 = arith.addi %add3A_291, %mul3A_290 : i32
          %swap3A_293 = arith.index_cast %add3A_292 : i32 to index
          %swap3A_294 = tpu.vector_load %arg9[%swap3A_293] {strides = array<i32>} : memref<4096xi32, #tpu.memory_space<vmem>>, vector<16xi32>,
          tpu.vector_store %arg9[%swap3A_293], %broadcast_in_dim3A_5 {strides = array<i32>} : memref<4096xi32, #tpu.memory_space<vmem>>, vector<16xi32>,
          %mul3A_295 = arith.constant 16 : i32
          %mul3A_296 = arith.muli %scan3A_218, %mul3A_295 : i32
          %add3A_297 = arith.constant 1536 : i32
          %add3A_298 = arith.addi %add3A_297, %mul3A_296 : i32
          %get3A_299 = arith.index_cast %add3A_298 : i32 to index
          %get3A_300 = tpu.vector_load %arg9[%get3A_299] {strides = array<i32>} : memref<4096xi32, #tpu.memory_space<vmem>>, vector<16xi32>,
          %add3A_301 = arith.addi %add3A_288, %get3A_300 : vector<16xi32>
          %mul3A_302 = arith.constant 16 : i32
          %mul3A_303 = arith.muli %scan3A_218, %mul3A_302 : i32
          %add3A_304 = arith.constant 1536 : i32
          %add3A_305 = arith.addi %add3A_304, %mul3A_303 : i32
          %swap3A_306 = arith.index_cast %add3A_305 : i32 to index
          %swap3A_307 = tpu.vector_load %arg9[%swap3A_306] {strides = array<i32>} : memref<4096xi32, #tpu.memory_space<vmem>>, vector<16xi32>,
          tpu.vector_store %arg9[%swap3A_306], %broadcast_in_dim3A_5 {strides = array<i32>} : memref<4096xi32, #tpu.memory_space<vmem>>, vector<16xi32>,
          %mul3A_308 = arith.constant 16 : i32
          %mul3A_309 = arith.muli %scan3A_218, %mul3A_308 : i32
          %add3A_310 = arith.constant 1792 : i32
          %add3A_311 = arith.addi %add3A_310, %mul3A_309 : i32
          %get3A_312 = arith.index_cast %add3A_311 : i32 to index
          %get3A_313 = tpu.vector_load %arg9[%get3A_312] {strides = array<i32>} : memref<4096xi32, #tpu.memory_space<vmem>>, vector<16xi32>,
          %add3A_314 = arith.addi %add3A_301, %get3A_313 : vector<16xi32>
          %mul3A_315 = arith.constant 16 : i32
          %mul3A_316 = arith.muli %scan3A_218, %mul3A_315 : i32
          %add3A_317 = arith.constant 1792 : i32
          %add3A_318 = arith.addi %add3A_317, %mul3A_316 : i32
          %swap3A_319 = arith.index_cast %add3A_318 : i32 to index
          %swap3A_320 = tpu.vector_load %arg9[%swap3A_319] {strides = array<i32>} : memref<4096xi32, #tpu.memory_space<vmem>>, vector<16xi32>,
          tpu.vector_store %arg9[%swap3A_319], %broadcast_in_dim3A_5 {strides = array<i32>} : memref<4096xi32, #tpu.memory_space<vmem>>, vector<16xi32>,
          %mul3A_321 = arith.constant 16 : i32
          %mul3A_322 = arith.muli %scan3A_218, %mul3A_321 : i32
          %add3A_323 = arith.constant 2048 : i32
          %add3A_324 = arith.addi %add3A_323, %mul3A_322 : i32
          %get3A_325 = arith.index_cast %add3A_324 : i32 to index
          %get3A_326 = tpu.vector_load %arg9[%get3A_325] {strides = array<i32>} : memref<4096xi32, #tpu.memory_space<vmem>>, vector<16xi32>,
          %add3A_327 = arith.addi %add3A_314, %get3A_326 : vector<16xi32>
          %mul3A_328 = arith.constant 16 : i32
          %mul3A_329 = arith.muli %scan3A_218, %mul3A_328 : i32
          %add3A_330 = arith.constant 2048 : i32
          %add3A_331 = arith.addi %add3A_330, %mul3A_329 : i32
          %swap3A_332 = arith.index_cast %add3A_331 : i32 to index
          %swap3A_333 = tpu.vector_load %arg9[%swap3A_332] {strides = array<i32>} : memref<4096xi32, #tpu.memory_space<vmem>>, vector<16xi32>,
          tpu.vector_store %arg9[%swap3A_332], %broadcast_in_dim3A_5 {strides = array<i32>} : memref<4096xi32, #tpu.memory_space<vmem>>, vector<16xi32>,
          %mul3A_334 = arith.constant 16 : i32
          %mul3A_335 = arith.muli %scan3A_218, %mul3A_334 : i32
          %add3A_336 = arith.constant 2304 : i32
          %add3A_337 = arith.addi %add3A_336, %mul3A_335 : i32
          %get3A_338 = arith.index_cast %add3A_337 : i32 to index
          %get3A_339 = tpu.vector_load %arg9[%get3A_338] {strides = array<i32>} : memref<4096xi32, #tpu.memory_space<vmem>>, vector<16xi32>,
          %add3A_340 = arith.addi %add3A_327, %get3A_339 : vector<16xi32>
          %mul3A_341 = arith.constant 16 : i32
          %mul3A_342 = arith.muli %scan3A_218, %mul3A_341 : i32
          %add3A_343 = arith.constant 2304 : i32
          %add3A_344 = arith.addi %add3A_343, %mul3A_342 : i32
          %swap3A_345 = arith.index_cast %add3A_344 : i32 to index
          %swap3A_346 = tpu.vector_load %arg9[%swap3A_345] {strides = array<i32>} : memref<4096xi32, #tpu.memory_space<vmem>>, vector<16xi32>,
          tpu.vector_store %arg9[%swap3A_345], %broadcast_in_dim3A_5 {strides = array<i32>} : memref<4096xi32, #tpu.memory_space<vmem>>, vector<16xi32>,
          %mul3A_347 = arith.constant 16 : i32
          %mul3A_348 = arith.muli %scan3A_218, %mul3A_347 : i32
          %add3A_349 = arith.constant 2560 : i32
          %add3A_350 = arith.addi %add3A_349, %mul3A_348 : i32
          %get3A_351 = arith.index_cast %add3A_350 : i32 to index
          %get3A_352 = tpu.vector_load %arg9[%get3A_351] {strides = array<i32>} : memref<4096xi32, #tpu.memory_space<vmem>>, vector<16xi32>,
          %add3A_353 = arith.addi %add3A_340, %get3A_352 : vector<16xi32>
          %mul3A_354 = arith.constant 16 : i32
          %mul3A_355 = arith.muli %scan3A_218, %mul3A_354 : i32
          %add3A_356 = arith.constant 2560 : i32
          %add3A_357 = arith.addi %add3A_356, %mul3A_355 : i32
          %swap3A_358 = arith.index_cast %add3A_357 : i32 to index
          %swap3A_359 = tpu.vector_load %arg9[%swap3A_358] {strides = array<i32>} : memref<4096xi32, #tpu.memory_space<vmem>>, vector<16xi32>,
          tpu.vector_store %arg9[%swap3A_358], %broadcast_in_dim3A_5 {strides = array<i32>} : memref<4096xi32, #tpu.memory_space<vmem>>, vector<16xi32>,
          %mul3A_360 = arith.constant 16 : i32
          %mul3A_361 = arith.muli %scan3A_218, %mul3A_360 : i32
          %add3A_362 = arith.constant 2816 : i32
          %add3A_363 = arith.addi %add3A_362, %mul3A_361 : i32
          %get3A_364 = arith.index_cast %add3A_363 : i32 to index
          %get3A_365 = tpu.vector_load %arg9[%get3A_364] {strides = array<i32>} : memref<4096xi32, #tpu.memory_space<vmem>>, vector<16xi32>,
          %add3A_366 = arith.addi %add3A_353, %get3A_365 : vector<16xi32>
          %mul3A_367 = arith.constant 16 : i32
          %mul3A_368 = arith.muli %scan3A_218, %mul3A_367 : i32
          %add3A_369 = arith.constant 2816 : i32
          %add3A_370 = arith.addi %add3A_369, %mul3A_368 : i32
          %swap3A_371 = arith.index_cast %add3A_370 : i32 to index
          %swap3A_372 = tpu.vector_load %arg9[%swap3A_371] {strides = array<i32>} : memref<4096xi32, #tpu.memory_space<vmem>>, vector<16xi32>,
          tpu.vector_store %arg9[%swap3A_371], %broadcast_in_dim3A_5 {strides = array<i32>} : memref<4096xi32, #tpu.memory_space<vmem>>, vector<16xi32>,
          %mul3A_373 = arith.constant 16 : i32
          %mul3A_374 = arith.muli %scan3A_218, %mul3A_373 : i32
          %add3A_375 = arith.constant 3072 : i32
          %add3A_376 = arith.addi %add3A_375, %mul3A_374 : i32
          %get3A_377 = arith.index_cast %add3A_376 : i32 to index
          %get3A_378 = tpu.vector_load %arg9[%get3A_377] {strides = array<i32>} : memref<4096xi32, #tpu.memory_space<vmem>>, vector<16xi32>,
          %add3A_379 = arith.addi %add3A_366, %get3A_378 : vector<16xi32>
          %mul3A_380 = arith.constant 16 : i32
          %mul3A_381 = arith.muli %scan3A_218, %mul3A_380 : i32
          %add3A_382 = arith.constant 3072 : i32
          %add3A_383 = arith.addi %add3A_382, %mul3A_381 : i32
          %swap3A_384 = arith.index_cast %add3A_383 : i32 to index
          %swap3A_385 = tpu.vector_load %arg9[%swap3A_384] {strides = array<i32>} : memref<4096xi32, #tpu.memory_space<vmem>>, vector<16xi32>,
          tpu.vector_store %arg9[%swap3A_384], %broadcast_in_dim3A_5 {strides = array<i32>} : memref<4096xi32, #tpu.memory_space<vmem>>, vector<16xi32>,
          %mul3A_386 = arith.constant 16 : i32
          %mul3A_387 = arith.muli %scan3A_218, %mul3A_386 : i32
          %add3A_388 = arith.constant 3328 : i32
          %add3A_389 = arith.addi %add3A_388, %mul3A_387 : i32
          %get3A_390 = arith.index_cast %add3A_389 : i32 to index
          %get3A_391 = tpu.vector_load %arg9[%get3A_390] {strides = array<i32>} : memref<4096xi32, #tpu.memory_space<vmem>>, vector<16xi32>,
          %add3A_392 = arith.addi %add3A_379, %get3A_391 : vector<16xi32>
          %mul3A_393 = arith.constant 16 : i32
          %mul3A_394 = arith.muli %scan3A_218, %mul3A_393 : i32
          %add3A_395 = arith.constant 3328 : i32
          %add3A_396 = arith.addi %add3A_395, %mul3A_394 : i32
          %swap3A_397 = arith.index_cast %add3A_396 : i32 to index
          %swap3A_398 = tpu.vector_load %arg9[%swap3A_397] {strides = array<i32>} : memref<4096xi32, #tpu.memory_space<vmem>>, vector<16xi32>,
          tpu.vector_store %arg9[%swap3A_397], %broadcast_in_dim3A_5 {strides = array<i32>} : memref<4096xi32, #tpu.memory_space<vmem>>, vector<16xi32>,
          %mul3A_399 = arith.constant 16 : i32
          %mul3A_400 = arith.muli %scan3A_218, %mul3A_399 : i32
          %add3A_401 = arith.constant 3584 : i32
          %add3A_402 = arith.addi %add3A_401, %mul3A_400 : i32
          %get3A_403 = arith.index_cast %add3A_402 : i32 to index
          %get3A_404 = tpu.vector_load %arg9[%get3A_403] {strides = array<i32>} : memref<4096xi32, #tpu.memory_space<vmem>>, vector<16xi32>,
          %add3A_405 = arith.addi %add3A_392, %get3A_404 : vector<16xi32>
          %mul3A_406 = arith.constant 16 : i32
          %mul3A_407 = arith.muli %scan3A_218, %mul3A_406 : i32
          %add3A_408 = arith.constant 3584 : i32
          %add3A_409 = arith.addi %add3A_408, %mul3A_407 : i32
          %swap3A_410 = arith.index_cast %add3A_409 : i32 to index
          %swap3A_411 = tpu.vector_load %arg9[%swap3A_410] {strides = array<i32>} : memref<4096xi32, #tpu.memory_space<vmem>>, vector<16xi32>,
          tpu.vector_store %arg9[%swap3A_410], %broadcast_in_dim3A_5 {strides = array<i32>} : memref<4096xi32, #tpu.memory_space<vmem>>, vector<16xi32>,
          %mul3A_412 = arith.constant 16 : i32
          %mul3A_413 = arith.muli %scan3A_218, %mul3A_412 : i32
          %add3A_414 = arith.constant 3840 : i32
          %add3A_415 = arith.addi %add3A_414, %mul3A_413 : i32
          %get3A_416 = arith.index_cast %add3A_415 : i32 to index
          %get3A_417 = tpu.vector_load %arg9[%get3A_416] {strides = array<i32>} : memref<4096xi32, #tpu.memory_space<vmem>>, vector<16xi32>,
          %add3A_418 = arith.addi %add3A_405, %get3A_417 : vector<16xi32>
          %mul3A_419 = arith.constant 16 : i32
          %mul3A_420 = arith.muli %scan3A_218, %mul3A_419 : i32
          %add3A_421 = arith.constant 3840 : i32
          %add3A_422 = arith.addi %add3A_421, %mul3A_420 : i32
          %swap3A_423 = arith.index_cast %add3A_422 : i32 to index
          %swap3A_424 = tpu.vector_load %arg9[%swap3A_423] {strides = array<i32>} : memref<4096xi32, #tpu.memory_space<vmem>>, vector<16xi32>,
          tpu.vector_store %arg9[%swap3A_423], %broadcast_in_dim3A_5 {strides = array<i32>} : memref<4096xi32, #tpu.memory_space<vmem>>, vector<16xi32>,
          %broadcast_in_dim3A_425 = arith.constant true
          %broadcast_in_dim3A_426 = vector.broadcast %broadcast_in_dim3A_425 : i1 to vector<16xi1>
          %masked_cumsum3A = tpu.scan <sum>, %add3A_418 masked %broadcast_in_dim3A_426 : vector<16xi32>, vector<16xi1> -> vector<16xi32>
          %add3A_427 = arith.addi %masked_cumsum3A, %scan3A_219 : vector<16xi32>
          %gt3A_428 = arith.cmpi sgt, %add3A_427, %broadcast_in_dim3A_197 : vector<16xi32>
          %broadcast_in_dim3A_429 = arith.constant 15 : i32
          %broadcast_in_dim3A_430 = vector.broadcast %broadcast_in_dim3A_429 : i32 to vector<16xi32>
          %lt3A_431 = arith.constant 0 : i32
          %lt3A_432 = vector.broadcast %lt3A_431 : i32 to vector<16xi32>
          %lt3A_433 = arith.cmpi slt, %broadcast_in_dim3A_430, %lt3A_432 : vector<16xi32>
          %add3A_434 = arith.constant 16 : i32
          %add3A_435 = vector.broadcast %add3A_434 : i32 to vector<16xi32>
          %add3A_436 = arith.addi %broadcast_in_dim3A_430, %add3A_435 : vector<16xi32>
          %select_n3A_437 = arith.select %lt3A_433, %add3A_436, %broadcast_in_dim3A_430 : vector<16xi1>, vector<16xi32>
          %broadcast_in_dim3A_438 = vector.shape_cast %select_n3A_437 : vector<16xi32> to vector<16x1xi32>
          %gather3A = vector.shape_cast %broadcast_in_dim3A_438 : vector<16x1xi32> to vector<16xi32>
          %gather3A_439 = tpu.dynamic_gather %add3A_427[%gather3A] in [0] : vector<16xi32>, vector<16xi32> -> vector<16xi32>
          %all_reduce_ffs3A = tpu.all_reduce %gt3A_428 {dim = 0 : i64, kind = #tpu.reduction_kind<find_first_set>} : vector<16xi1> -> vector<16xi32>
          %lt3A_440 = arith.constant 0 : i32
          %lt3A_441 = vector.broadcast %lt3A_440 : i32 to vector<16xi32>
          %lt3A_442 = arith.cmpi slt, %scan3A_220, %lt3A_441 : vector<16xi32>
          %gt3A_443 = arith.cmpi sgt, %gather3A_439, %broadcast_in_dim3A_197 : vector<16xi32>
          %and3A_444 = arith.andi %lt3A_442, %gt3A_443 : vector<16xi1>
          %select_n3A_445 = arith.select %and3A_444, %all_reduce_ffs3A, %broadcast_in_dim3A_5 : vector<16xi1>, vector<16xi32>
          %lt3A_446 = arith.constant 0 : i32
          %lt3A_447 = vector.broadcast %lt3A_446 : i32 to vector<16xi32>
          %lt3A_448 = arith.cmpi slt, %select_n3A_445, %lt3A_447 : vector<16xi32>
          %add3A_449 = arith.constant 16 : i32
          %add3A_450 = vector.broadcast %add3A_449 : i32 to vector<16xi32>
          %add3A_451 = arith.addi %select_n3A_445, %add3A_450 : vector<16xi32>
          %select_n3A_452 = arith.select %lt3A_448, %add3A_451, %select_n3A_445 : vector<16xi1>, vector<16xi32>
          %broadcast_in_dim3A_453 = vector.shape_cast %select_n3A_452 : vector<16xi32> to vector<16x1xi32>
          %gather3A_454 = vector.shape_cast %broadcast_in_dim3A_453 : vector<16x1xi32> to vector<16xi32>
          %gather3A_455 = tpu.dynamic_gather %add3A_418[%gather3A_454] in [0] : vector<16xi32>, vector<16xi32> -> vector<16xi32>
          %lt3A_456 = arith.constant 0 : i32
          %lt3A_457 = vector.broadcast %lt3A_456 : i32 to vector<16xi32>
          %lt3A_458 = arith.cmpi slt, %select_n3A_445, %lt3A_457 : vector<16xi32>
          %add3A_459 = arith.constant 16 : i32
          %add3A_460 = vector.broadcast %add3A_459 : i32 to vector<16xi32>
          %add3A_461 = arith.addi %select_n3A_445, %add3A_460 : vector<16xi32>
          %select_n3A_462 = arith.select %lt3A_458, %add3A_461, %select_n3A_445 : vector<16xi1>, vector<16xi32>
          %broadcast_in_dim3A_463 = vector.shape_cast %select_n3A_462 : vector<16xi32> to vector<16x1xi32>
          %gather3A_464 = vector.shape_cast %broadcast_in_dim3A_463 : vector<16x1xi32> to vector<16xi32>
          %gather3A_465 = tpu.dynamic_gather %masked_cumsum3A[%gather3A_464] in [0] : vector<16xi32>, vector<16xi32> -> vector<16xi32>
          %add3A_466 = arith.addi %scan3A_219, %gather3A_465 : vector<16xi32>
          %sub3A_467 = arith.subi %add3A_466, %gather3A_455 : vector<16xi32>
          %mul3A_468 = arith.constant 16 : i32
          %mul3A_469 = arith.muli %scan3A_218, %mul3A_468 : i32
          %broadcast_in_dim3A_470 = vector.broadcast %mul3A_469 : i32 to vector<16xi32>
          %add3A_471 = arith.addi %broadcast_in_dim3A_470, %all_reduce_ffs3A : vector<16xi32>
          %select_n3A_472 = arith.select %and3A_444, %add3A_471, %scan3A_220 : vector<16xi1>, vector<16xi32>
          %select_n3A_473 = arith.select %and3A_444, %gather3A_455, %scan3A_221 : vector<16xi1>, vector<16xi32>
          %select_n3A_474 = arith.select %and3A_444, %sub3A_467, %scan3A_222 : vector<16xi1>, vector<16xi32>
          scf.yield %gather3A_439, %select_n3A_472, %select_n3A_473, %select_n3A_474 : vector<16xi32>, vector<16xi32>, vector<16xi32>, vector<16xi32>
        }
        %scan3A_205 = arith.constant 16 : i32
        %slice3A_206 = vector.extract_strided_slice %scan3A_204#1 {offsets = [0], sizes = [1], strides = [1]} : vector<16xi32> to vector<1xi32>
        %squeeze3A_207 = vector.extract %slice3A_206[0] : i32 from vector<1xi32>
        %slice3A_208 = vector.extract_strided_slice %scan3A_204#2 {offsets = [0], sizes = [1], strides = [1]} : vector<16xi32> to vector<1xi32>
        %squeeze3A_209 = vector.extract %slice3A_208[0] : i32 from vector<1xi32>
        %slice3A_210 = vector.extract_strided_slice %scan3A_204#3 {offsets = [0], sizes = [1], strides = [1]} : vector<16xi32> to vector<1xi32>
        %squeeze3A_211 = vector.extract %slice3A_210[0] : i32 from vector<1xi32>
        %sub3A_212 = arith.subi %squeeze3A_160, %squeeze3A_211 : i32
        %sub3A_213 = arith.subi %sub3A_212, %squeeze3A_209 : i32
        %sub3A_214 = arith.subi %sub3A_165, %sub3A_213 : i32
        %shift_left3A_215 = arith.constant 8 : i32
        %shift_left3A_216 = arith.shli %or3A_168, %shift_left3A_215 : i32
        %or3A_217 = arith.ori %shift_left3A_216, %squeeze3A_207 : i32
        scf.yield %or3A_217, %sub3A_214, %squeeze3A_209 : i32, i32, i32
      }
      %xor3A = arith.constant -2147483648 : i32
      %xor3A_175 = arith.xori %cond3A_174#0, %xor3A : i32
      %broadcast_in_dim3A_176 = vector.broadcast %cond3A_174#0 : i32 to vector<16xi32>
      %broadcast_in_dim3A_177 = vector.broadcast %xor3A_175 : i32 to vector<16xi32>
      %gt3A = arith.constant 0 : i32
      %gt3A_178 = arith.cmpi sgt, %scan3A_45, %gt3A : i32
      %convert_element_type3A_179 = arith.extui %gt3A_178 : i1 to i32
      %cond3A_180 = arith.constant 0 : i32
      %cond3A_181 = arith.cmpi ne, %convert_element_type3A_179, %cond3A_180 : i32
      scf.if %cond3A_181 {
        %dma_wait3A_192 = arith.constant 0 : i32
        %dma_wait3A_193 = tpu.memref_slice %arg5[%add3A_48, %dma_wait3A_192] : memref<64x8192xf32, #tpu.memory_space<hbm>> -> memref<1x8192xf32, #tpu.memory_space<hbm>>
        %dma_wait3A_194 = tpu.memref_squeeze %dma_wait3A_193 : memref<1x8192xf32, #tpu.memory_space<hbm>> -> memref<8192xf32, #tpu.memory_space<hbm>>
        %dma_wait3A_195 = arith.constant 0 : i32
        %dma_wait3A_196 = tpu.memref_slice %arg5[%add3A_48, %dma_wait3A_195] : memref<64x8192xf32, #tpu.memory_space<hbm>> -> memref<1x8192xf32, #tpu.memory_space<hbm>>
        %dma_wait3A_197 = tpu.memref_squeeze %dma_wait3A_196 : memref<1x8192xf32, #tpu.memory_space<hbm>> -> memref<8192xf32, #tpu.memory_space<hbm>>
        tpu.wait_dma2 semaphore(%arg14 : memref<!tpu.dma_semaphore, #tpu.memory_space<semaphore_mem>>) src(%arg11 : memref<8192xf32, #tpu.memory_space<vmem>>) dst(%dma_wait3A_197 : memref<8192xf32, #tpu.memory_space<hbm>>)
      } else {
      }
      %eq3A_182 = arith.cmpi eq, %cond3A_174#1, %cond3A_174#2 : i32
      %convert_element_type3A_183 = arith.extui %eq3A_182 : i1 to i32
      %cond3A_184 = arith.constant 0 : i32
      %cond3A_185 = arith.cmpi ne, %convert_element_type3A_183, %cond3A_184 : i32
      scf.if %cond3A_185 {
        %parallel_loop3A_192 = arith.constant 0 : i32
        %parallel_loop3A_193 = arith.constant 512 : i32
        %parallel_loop3A_194 = arith.constant 1 : i32
        scf.for %parallel_loop3A_195 = %parallel_loop3A_192 to %parallel_loop3A_193 step %parallel_loop3A_194  : i32 {
          %parallel_loop3A_196 = arith.constant 16 : i32
          %parallel_loop3A_197 = arith.muli %parallel_loop3A_195, %parallel_loop3A_196 : i32
          %parallel_loop3A_198 = arith.index_cast %parallel_loop3A_197 : i32 to index
          %parallel_loop3A_199 = tpu.vector_load %arg8[%parallel_loop3A_198] {strides = array<i32>} : memref<8192xi32, #tpu.memory_space<vmem>>, vector<16xi32>,
          %parallel_loop3A_200 = arith.addi %mul3A_51, %parallel_loop3A_197 : i32
          %parallel_loop3A_201 = arith.index_cast %parallel_loop3A_200 : i32 to index
          %parallel_loop3A_202 = tpu.vector_load %arg6[%parallel_loop3A_201] {strides = array<i32>} : memref<16384xf32, #tpu.memory_space<vmem>>, vector<16xf32>,
          %parallel_loop3A_203 = arith.xori %parallel_loop3A_199, %broadcast_in_dim3A_87 : vector<16xi32>
          %parallel_loop3A_204 = arith.cmpi sge, %parallel_loop3A_203, %broadcast_in_dim3A_177 : vector<16xi32>
          %parallel_loop3A_205 = arith.constant 0.000000e+00 : f32
          %parallel_loop3A_206 = vector.broadcast %parallel_loop3A_205 : f32 to vector<16xf32>
          %parallel_loop3A_207 = arith.cmpf ogt, %parallel_loop3A_202, %parallel_loop3A_206 : vector<16xf32>
          %parallel_loop3A_208 = arith.andi %parallel_loop3A_204, %parallel_loop3A_207 : vector<16xi1>
          %parallel_loop3A_209 = arith.constant 1.000000e+00 : f32
          %parallel_loop3A_210 = arith.constant 0.000000e+00 : f32
          %parallel_loop3A_211 = vector.broadcast %parallel_loop3A_209 : f32 to vector<16xf32>
          %parallel_loop3A_212 = vector.broadcast %parallel_loop3A_210 : f32 to vector<16xf32>
          %parallel_loop3A_213 = arith.select %parallel_loop3A_208, %parallel_loop3A_211, %parallel_loop3A_212 : vector<16xi1>, vector<16xf32>
          %parallel_loop3A_214 = arith.index_cast %parallel_loop3A_197 : i32 to index
          %parallel_loop3A_215 = tpu.vector_load %arg11[%parallel_loop3A_214] {strides = array<i32>} : memref<8192xf32, #tpu.memory_space<vmem>>, vector<16xf32>,
          tpu.vector_store %arg11[%parallel_loop3A_214], %parallel_loop3A_213 {strides = array<i32>} : memref<8192xf32, #tpu.memory_space<vmem>>, vector<16xf32>,
        } {sc.loop_unroll_factor = 8 : i64, sc.parallel_access}
      } else {
        %broadcast_in_dim3A_192 = vector.broadcast %cond3A_174#1 : i32 to vector<16xi32>
        %scan3A_193 = arith.constant 0 : i32
        %scan3A_194 = arith.constant 0 : i32
        %scan3A_195 = arith.constant 512 : i32
        %scan3A_196 = arith.addi %scan3A_194, %scan3A_195 : i32
        %scan3A_197 = arith.constant 1 : i32
        %scan3A_198 = scf.for %scan3A_200 = %scan3A_194 to %scan3A_196 step %scan3A_197 iter_args(%scan3A_201 = %scan3A_193) -> (i32)  : i32 {
          %mul3A_202 = arith.constant 16 : i32
          %mul3A_203 = arith.muli %scan3A_200, %mul3A_202 : i32
          %get3A_204 = arith.index_cast %mul3A_203 : i32 to index
          %get3A_205 = tpu.vector_load %arg8[%get3A_204] {strides = array<i32>} : memref<8192xi32, #tpu.memory_space<vmem>>, vector<16xi32>,
          %add3A_206 = arith.addi %mul3A_51, %mul3A_203 : i32
          %get3A_207 = arith.index_cast %add3A_206 : i32 to index
          %get3A_208 = tpu.vector_load %arg6[%get3A_207] {strides = array<i32>} : memref<16384xf32, #tpu.memory_space<vmem>>, vector<16xf32>,
          %eq3A_209 = arith.cmpi eq, %get3A_205, %broadcast_in_dim3A_176 : vector<16xi32>
          %xor3A_210 = arith.xori %get3A_205, %broadcast_in_dim3A_87 : vector<16xi32>
          %gt3A_211 = arith.cmpi sgt, %xor3A_210, %broadcast_in_dim3A_177 : vector<16xi32>
          %convert_element_type3A_212 = arith.extui %eq3A_209 : vector<16xi1> to vector<16xi32>
          %broadcast_in_dim3A_213 = arith.constant true
          %broadcast_in_dim3A_214 = vector.broadcast %broadcast_in_dim3A_213 : i1 to vector<16xi1>
          %masked_cumsum3A = tpu.scan <sum>, %convert_element_type3A_212 masked %broadcast_in_dim3A_214 : vector<16xi32>, vector<16xi1> -> vector<16xi32>
          %sub3A_215 = arith.subi %masked_cumsum3A, %convert_element_type3A_212 : vector<16xi32>
          %broadcast_in_dim3A_216 = vector.broadcast %scan3A_201 : i32 to vector<16xi32>
          %add3A_217 = arith.addi %sub3A_215, %broadcast_in_dim3A_216 : vector<16xi32>
          %lt3A_218 = arith.cmpi slt, %add3A_217, %broadcast_in_dim3A_192 : vector<16xi32>
          %and3A_219 = arith.andi %eq3A_209, %lt3A_218 : vector<16xi1>
          %or3A_220 = arith.ori %gt3A_211, %and3A_219 : vector<16xi1>
          %gt3A_221 = arith.constant 0.000000e+00 : f32
          %gt3A_222 = vector.broadcast %gt3A_221 : f32 to vector<16xf32>
          %gt3A_223 = arith.cmpf ogt, %get3A_208, %gt3A_222 : vector<16xf32>
          %and3A_224 = arith.andi %or3A_220, %gt3A_223 : vector<16xi1>
          %jit3A_225 = arith.constant 1.000000e+00 : f32
          %jit3A_226 = arith.constant 0.000000e+00 : f32
          %broadcast_in_dim3A_227 = vector.broadcast %jit3A_225 : f32 to vector<16xf32>
          %broadcast_in_dim3A_228 = vector.broadcast %jit3A_226 : f32 to vector<16xf32>
          %select_n3A_229 = arith.select %and3A_224, %broadcast_in_dim3A_227, %broadcast_in_dim3A_228 : vector<16xi1>, vector<16xf32>
          %swap3A = arith.index_cast %mul3A_203 : i32 to index
          %swap3A_230 = tpu.vector_load %arg11[%swap3A] {strides = array<i32>} : memref<8192xf32, #tpu.memory_space<vmem>>, vector<16xf32>,
          tpu.vector_store %arg11[%swap3A], %select_n3A_229 {strides = array<i32>} : memref<8192xf32, #tpu.memory_space<vmem>>, vector<16xf32>,
          %reduce_sum3A = arith.constant true
          %reduce_sum3A_231 = vector.broadcast %reduce_sum3A : i1 to vector<16xi1>
          %reduce_sum3A_232 = tpu.scan <sum>, %convert_element_type3A_212 masked %reduce_sum3A_231 : vector<16xi32>, vector<16xi1> -> vector<16xi32>
          %reduce_sum3A_233 = vector.extract %reduce_sum3A_232[15] : i32 from vector<16xi32>
          %add3A_234 = arith.addi %scan3A_201, %reduce_sum3A_233 : i32
          scf.yield %add3A_234 : i32
        }
        %scan3A_199 = arith.constant 512 : i32
      }
      %dma_start3A_186 = arith.constant 0 : i32
      %dma_start3A_187 = tpu.memref_slice %arg5[%add3A_48, %dma_start3A_186] : memref<64x8192xf32, #tpu.memory_space<hbm>> -> memref<1x8192xf32, #tpu.memory_space<hbm>>
      %dma_start3A_188 = tpu.memref_squeeze %dma_start3A_187 : memref<1x8192xf32, #tpu.memory_space<hbm>> -> memref<8192xf32, #tpu.memory_space<hbm>>
      %dma_start3A_189 = arith.constant 0 : i32
      %dma_start3A_190 = tpu.memref_slice %arg5[%add3A_48, %dma_start3A_189] : memref<64x8192xf32, #tpu.memory_space<hbm>> -> memref<1x8192xf32, #tpu.memory_space<hbm>>
      %dma_start3A_191 = tpu.memref_squeeze %dma_start3A_190 : memref<1x8192xf32, #tpu.memory_space<hbm>> -> memref<8192xf32, #tpu.memory_space<hbm>>
      tpu.enqueue_dma source(%arg11 : memref<8192xf32, #tpu.memory_space<vmem>>) target(%dma_start3A_191 : memref<8192xf32, #tpu.memory_space<hbm>>) target_semaphore(%arg14 : memref<!tpu.dma_semaphore, #tpu.memory_space<semaphore_mem>>)
    }
    %scan3A_38 = arith.constant 2 : i32
    %dma_wait3A = arith.constant 0 : i32
    %dma_wait3A_39 = arith.constant 0 : i32
    %dma_wait3A_40 = tpu.memref_slice %arg5[%dma_wait3A, %dma_wait3A_39] : memref<64x8192xf32, #tpu.memory_space<hbm>> -> memref<1x8192xf32, #tpu.memory_space<hbm>>
    %dma_wait3A_41 = tpu.memref_squeeze %dma_wait3A_40 : memref<1x8192xf32, #tpu.memory_space<hbm>> -> memref<8192xf32, #tpu.memory_space<hbm>>
    %dma_wait3A_42 = arith.constant 0 : i32
    %dma_wait3A_43 = tpu.memref_slice %arg5[%dma_wait3A, %dma_wait3A_42] : memref<64x8192xf32, #tpu.memory_space<hbm>> -> memref<1x8192xf32, #tpu.memory_space<hbm>>
    %dma_wait3A_44 = tpu.memref_squeeze %dma_wait3A_43 : memref<1x8192xf32, #tpu.memory_space<hbm>> -> memref<8192xf32, #tpu.memory_space<hbm>>
    tpu.wait_dma2 semaphore(%arg14 : memref<!tpu.dma_semaphore, #tpu.memory_space<semaphore_mem>>) src(%arg11 : memref<8192xf32, #tpu.memory_space<vmem>>) dst(%dma_wait3A_44 : memref<8192xf32, #tpu.memory_space<hbm>>)
    return
  }
}

</mosaic_0001>

<sc_bundles>
// kernel: kernel.3.cloned.1.call-start
scs
__scs_entry_jumppad:
0x0: {  	(pc) =	sbr.rel $0x88, $3  }
0x1: {  	(tag) =	ssettag $0x0;
	lr =	simm.s32 $0x1  }
0x2: {  	[smem:$0x3F9E] =	sst lr;
	_ =	strace $0xD0000000  }
0x3: {  	_ = 	snop  }
0x4: {  	_ = 	snop  }
0x5: {  	_ = 	snop  }
0x6: {  	_ = 	snop  }
0x7: {  	_ = 	snop  }
__scs_overlays_trampoline_lowered:
0x8: {  	[smem:$0x3FAD] =	sst s0  }
0x9: {  	[smem:$0x3FAE] =	sst s1  }
0xa: {  	[smem:$0x3FAF] =	sst s2  }
0xb: {  	[smem:$0x3FB0] =	sst s3  }
0xc: {  	[smem:$0x3FB1] =	sst s4  }
0xd: {  	[smem:$0x3FB2] =	sst s5  }
0xe: {  	[smem:$0x3FB3] =	sst s6  }
0xf: {  	[smem:$0x3FB4] =	sst s7  }
0x10: {  	[smem:$0x3FB5] =	sst s8  }
0x11: {  	[smem:$0x3FB6] =	sst s9;
	s0 =	simm.s32 @!p0 $0x0  }
0x12: {  	s1 =	sld [smem:$0x3F9C];
	s0 =	simm.s32 @p0 $0x1  }
0x13: {  	[smem:$0x3FB7] =	sst s0;
	s0 =	simm.s32 @!p1 $0x0  }
0x14: {  	s2 =	sld [smem:$0x3F9B];
	s0 =	simm.s32 @p1 $0x1  }
0x15: {  	[smem:$0x3FB8] =	sst s0;
	s0 =	simm.s32 @!p2 $0x0  }
0x16: {  	s3 =	sld [smem:$0x3FDB];
	s0 =	simm.s32 @p2 $0x1  }
0x17: {  	s4 =	simm.s32 $0x1BF5;
	[smem:$0x3FBA] =	sst s0  }
0x18: {  	s0 =	sld [smem:$0x3F9D];
	_ =	swait.ge [sflag:s4], $0x0  }
0x19: {  	s7 =	sld [smem:$0x3F9E]  }
0x1a: {  	s8 =	sadd.s32 $0xFFFFE003, lr  }
0x1b: {  	s9 =	sadd.s32 $0xFFFFFEF7, lr;
	s5 =	simm.s32 $0xFFFFFFFF;
	p2 =	slt.u32 s8, $0xFFFFF086  }
0x1c: {  	p1 =	slt.u32 s9, $0xF7A;
	s5 =	simm.s32 @!p2 $0x0  }
0x1d: {  	s5 =	simm.s32 @p1 $0x1;
	p0 =	seq.s32 s7, s2  }
0x1e: {  	s7 =	smul.u32 @!p0 $0xF7A, s2;
	p2 =	seq.s32 @!p0 s5, $0x0  }
0x1f: {  	s9 =	smul.u32 $0xF7A, s1;
	s8 =	simm.s32 @!p0 $0x1BF5;
	p2 =	por !p2, p0  }
0x20: {  	[sflag:s8] =	ssyncset.s32 @!p0 $0xFFFFF086;
	s6 =	sadd.s32 @!p0 s3, s7;
	s7 =	simm.s32 @!p0 $0x108  }
0x21: {  	s3 =	sadd.s32 s3, s9;
	s6 =	sadd.s32 @!p0 $0x88, s6;
	s7 =	simm.s32 @p2 $0x1082  }
0x22: {  	[simem:s7], [sflag:s8] =	dma.local @!p0 [hbm:s6], $0xF7A  }
0x23: {  	s9 =	sor.u32 $0xD0000000, s2;
	s6 =	simm.s32 $0x108;
	_ =	swait.ge @!p0 [sflag:s8], $0x0  }
0x24: {  	s3 =	sadd.s32 $0x88, s3;
	s6 =	simm.s32 @!p1 $0x1082;
	[sflag:s4] =	ssyncset.s32 $0xFFFFF086  }
0x25: {  	[simem:s6], [sflag:s4] =	dma.local [hbm:s3], $0xF7A  }
0x26: {  	[smem:$0x3F9E] =	sst s1;
	(tag) =	ssettag s2;
	_ =	strace s9  }
0x27: {  	s1 =	sld [smem:$0x3FAE]  }
0x28: {  	s2 =	sld [smem:$0x3FAF]  }
0x29: {  	s4 =	sld [smem:$0x3FB1]  }
0x2a: {  	p0 =	seq.s32 s5, $0x0;
	s5 =	sld [smem:$0x3FB2]  }
0x2b: {  	s6 =	sld [smem:$0x3FB3]  }
0x2c: {  	s7 =	sld [smem:$0x3FB4]  }
0x2d: {  	s3 =	simm.s32 $0x108;
	s8 =	sld [smem:$0x3FB5]  }
0x2e: {  	s3 =	simm.s32 @!p0 $0x1082;
	s9 =	sld [smem:$0x3FB6]  }
0x2f: {  	lr =	sadd.s32 s0, s3;
	s0 =	sld [smem:$0x3FAD]  }
0x30: {  	s3 =	sld [smem:$0x3FB0]  }
0x31: {  	[smem:$0x3FB9] =	sst s10  }
0x32: {  	s10 =	sld [smem:$0x3FB7];
	_ =	sdelay $0x3  }
0x33: {  	p0 =	seq.s32 s10, $0x1;
	s10 =	sld [smem:$0x3FB9];
	_ =	sdelay $0x3  }
0x34: {  	[smem:$0x3FB9] =	sst s10  }
0x35: {  	s10 =	sld [smem:$0x3FB8];
	_ =	sdelay $0x3  }
0x36: {  	p1 =	seq.s32 s10, $0x1;
	s10 =	sld [smem:$0x3FB9];
	_ =	sdelay $0x3  }
0x37: {  	[smem:$0x3FB9] =	sst s10  }
0x38: {  	s10 =	sld [smem:$0x3FBA]  }
0x39: {  	_ = 	snop;
	(pc) =	sbr.ind lr, $3  }
0x3a: {  	_ = 	snop  }
0x3b: {  	_ = 	snop  }
0x3c: {  	p2 =	seq.s32 s10, $0x1;
	s10 =	sld [smem:$0x3FB9]  }
0x3d: {  	_ =	shalt  }
0x3e: {  	_ =	shalt  }
0x3f: {  	_ =	shalt  }
0x40: {  	_ =	shalt  }
0x41: {  	_ =	shalt  }
0x42: {  	_ =	shalt  }
0x43: {  	_ =	shalt  }
0x44: {  	_ =	shalt  }
0x45: {  	_ =	shalt  }
0x46: {  	_ =	shalt  }
0x47: {  	_ =	shalt  }
0x48: {  	_ =	shalt  }
0x49: {  	_ =	shalt  }
0x4a: {  	_ =	shalt  }
0x4b: {  	_ =	shalt  }
0x4c: {  	_ =	shalt  }
0x4d: {  	_ =	shalt  }
0x4e: {  	_ =	shalt  }
0x4f: {  	_ =	shalt  }
0x50: {  	_ =	shalt  }
0x51: {  	_ =	shalt  }
0x52: {  	_ =	shalt  }
0x53: {  	_ =	shalt  }
0x54: {  	_ =	shalt  }
0x55: {  	_ =	shalt  }
0x56: {  	_ =	shalt  }
0x57: {  	_ =	shalt  }
0x58: {  	_ =	shalt  }
0x59: {  	_ =	shalt  }
0x5a: {  	_ =	shalt  }
0x5b: {  	_ =	shalt  }
0x5c: {  	_ =	shalt  }
0x5d: {  	_ =	shalt  }
0x5e: {  	_ =	shalt  }
0x5f: {  	_ =	shalt  }
0x60: {  	_ =	shalt  }
0x61: {  	_ =	shalt  }
0x62: {  	_ =	shalt  }
0x63: {  	_ =	shalt  }
0x64: {  	_ =	shalt  }
0x65: {  	_ =	shalt  }
0x66: {  	_ =	shalt  }
0x67: {  	_ =	shalt  }
0x68: {  	_ =	shalt  }
0x69: {  	_ =	shalt  }
0x6a: {  	_ =	shalt  }
0x6b: {  	_ =	shalt  }
0x6c: {  	_ =	shalt  }
0x6d: {  	_ =	shalt  }
0x6e: {  	_ =	shalt  }
0x6f: {  	_ =	shalt  }
0x70: {  	_ =	shalt  }
0x71: {  	_ =	shalt  }
0x72: {  	_ =	shalt  }
0x73: {  	_ =	shalt  }
0x74: {  	_ =	shalt  }
0x75: {  	_ =	shalt  }
0x76: {  	_ =	shalt  }
0x77: {  	_ =	shalt  }
0x78: {  	_ =	shalt  }
0x79: {  	_ =	shalt  }
0x7a: {  	_ =	shalt  }
0x7b: {  	_ =	shalt  }
0x7c: {  	_ =	shalt  }
0x7d: {  	_ =	shalt  }
0x7e: {  	_ =	shalt  }
0x7f: {  	_ =	shalt  }
0x80: {  	_ =	shalt  }
0x81: {  	_ =	shalt  }
0x82: {  	_ =	shalt  }
0x83: {  	_ =	shalt  }
0x84: {  	_ =	shalt  }
0x85: {  	_ =	shalt  }
0x86: {  	_ =	shalt  }
0x87: {  	_ =	shalt  }
.Lfunc_end0:
.L_simem_size_0:
called_computation_lowered:
.L_overlay_start_0:
0x88: {  	s2 =	sld [smem:$0x3FD9]  }
0x89: {  	s3 =	sld [smem:$0x3FFE];
	_ =	sdelay $0x1  }
0x8a: {  	s1 =	srdreg.scid  }
0x8b: {  	s0 =	sand.u32 $0x1, s1  }
0x8c: {  	s17 =	sshll.u32 s0, $0xA;
	s2 =	sadd.s32 s3, s2  }
0x8d: {  	s2 =	sadd.s32 s2, s17  }
0x8e: {  	[smem:$0x3FC5] =	sst s2  }
0x8f: {  	_ = 	snop  }
0x90: {  	s2 =	sld [smem:$0x3FC9]  }
0x91: {  	s18 =	sld [smem:$0x3FC8]  }
0x92: {  	s4 =	sld [smem:$0x3FD0];
	(tm) =	ssettm $0x1  }
0x93: {  	s5 =	sld [smem:$0x3FFB];
	_ =	sdelay $0x3  }
0x94: {  	_ =	strace s5  }
0x95: {  	s5 =	sld [smem:$0x3FFC];
	_ =	sdelay $0x3  }
0x96: {  	_ =	strace s5  }
0x97: {  	s5 =	sld [smem:$0x3FFD];
	_ =	sdelay $0x3  }
0x98: {  	_ =	strace s5  }
0x99: {  	_ =	strace $0x8FFFFFFF  }
0x9a: {  	s19 =	sld [smem:$0x3FDB];
	_ =	sdelay $0x1  }
0x9b: {  	s6 =	simm.s32 $_scs_section_size  }
0x9c: {  	s7 =	simm.s32 $_size__tile_overlayer_lowered;
	s8 =	simm.s32 $_tile_overlayer_lowered  }
0x9d: {  	s22 =	simm.s32 $0x1BFF;
	s21 =	sshll.u32 s8, $0x1;
	s5 =	sadd.s32 s6, s19  }
0x9e: {  	s9 =	simm.s32 $0x0;
	s20 =	sshll.u32 s7, $0x1;
	s7 =	sadd.s32 s21, s5  }
0x9f: {  	[timem:s9], [sflag:s22] =	dma.local [hbm:s7], s20  }
0xa0: {  	_ =	swait.ge [sflag:s22], s20  }
0xa1: {  	s6 =	ssub.s32 $0x0, s20;
	[sflag:s22] =	ssyncset.done $0x0  }
0xa2: {  	[sflag:s22] =	ssyncadd.s32 s6;
	_ =	sdelay $0x1  }
0xa3: {  	s23 =	simm.s32 $0x1B8B  }
0xa4: {  	_ =	swait.ge [sflag:s23], $0x1  }
0xa5: {  	[sflag:s23] =	ssyncset.done $0x0  }
0xa6: {  	s25 =	simm.s32 $0x1B8E;
	s24 =	sld [smem:$0x3FFE];
	[sflag:s23] =	ssyncadd.s32 $0xFFFFFFFF  }
0xa7: {  	s26 =	simm.s32 $execute0_lowered;
	[smem:$0x3FD2] =	sst s25  }
0xa8: {  	s7 =	sshll.u32 s26, $0x1;
	_ =	strace $0x80000046;
	[dreg:$0x1] =	wrdreg $0xFFFFFFFF  }
0xa9: {  	s28 =	simm.s32 $_size_execute0_lowered;
	s5 =	sadd.s32 s5, s7;
	[dreg:$0x0] =	wrdreg $0x0  }
0xaa: {  	s7 =	sshll.u32 s28, $0x1;
	[dreg:$0x2] =	wrdreg s5  }
0xab: {  	[dreg:$0x3] =	wrdreg s7  }
0xac: {  	[dreg:$0x4] =	wrdreg $0xC0  }
0xad: {  	_ =	task [dreg:s9], $0x5FFFF  }
0xae: {  	[dreg:$0x1] =	wrdreg $0xFFFFFFFF  }
0xaf: {  	[dreg:$0x0] =	wrdreg $0x60  }
0xb0: {  	[dreg:$0x2] =	wrdreg s2  }
0xb1: {  	[dreg:$0x3] =	wrdreg s18  }
0xb2: {  	[dreg:$0x4] =	wrdreg s24  }
0xb3: {  	[dreg:$0x5] =	wrdreg s4  }
0xb4: {  	[dreg:$0x6] =	wrdreg $0x9  }
0xb5: {  	_ =	task.clear_ibuf [dreg:s9], $0x7FFFF;
	_ =	strace $0x90000046  }
0xb6: {  	s29 =	simm.s32 $0x9;
	_ =	strace $0x80000048  }
0xb7: {  	_ =	swait.ge [sflag:s29], $0x1  }
0xb8: {  	[sflag:s29] =	ssyncadd.s32 $0xFFFFFFFF  }
0xb9: {  	_ =	strace $0x90000048  }
0xba: {  	_ =	sfence  }
0xbb: {  	s30 =	sld [smem:$0x0];
	_ =	sdelay $0x2  }
0xbc: {  	s31 =	sshll.u32 s1, $0xD;
	s1 =	sshrl.u32 s1, $0x2  }
0xbd: {  	s3 =	sand.u32 $0x4000, s31;
	s1 =	sadd.s32 s1, s30  }
0xbe: {  	s0 =	sor.u32 s3, s0;
	s1 =	sshll.u32 s1, $0x11  }
0xbf: {  	s0 =	sor.u32 s1, s0  }
0xc0: {  	s0 =	sadd.s32 $0x8F2B, s0  }
0xc1: {  	[sflag:s0] =	ssyncadd.remote.s32 $0x1  }
0xc2: {  	_ =	sfence.sel $0xFFFF  }
0xc3: {  	[dreg:$0x0] =	wrdreg $0xFFFFFFFF;
	(pc) =	sbr.abs _section_cstart, $3  }
0xc4: {  	[dreg:$0x1] =	wrdreg $0xFFFFFFFF  }
0xc5: {  	_ =	task.clear_ibuf [dreg:s9], $0x2FFFF;
	_ =	strace $0x9FFFFFFF  }
0xc6: {  	(tm) =	ssettm $0x7FFFFFFF  }
0xc7: {  	_ =	shalt  }
tec
execute0_lowered:
.L_overlay_start_1:
0x0: {  	(tag) =	ssettag $0x1  }
0x1: {  	s0 =	rddreg [dreg:$0x0]  }
0x2: {  	s1 =	rddreg [dreg:$0x1]  }
0x3: {  	s4 =	rddreg [dreg:$0x2]  }
0x4: {  	s9 =	rddreg [dreg:$0x3]  }
0x5: {  	s3 =	srdreg.scid;
	s2 =	simm.s32 $0x0;
	s7 =	stileid.u32  }
0x6: {  	s12 =	simm.s32 $0x4;
	s13 =	simm.s32 $0x80;
	s14 =	simm.s32 $0x400  }
0x7: {  	s15 =	simm.s32 $0x4000;
	s16 =	simm.s32 $0x1;
	s17 =	simm.s32 $0x2  }
0x8: {  	s18 =	simm.s32 $0xA000;
	s19 =	simm.s32 $0xB080;
	s20 =	simm.s32 $0x3  }
0x9: {  	s21 =	simm.s32 $0x0;
	s5 =	sand.u32 $0x1, s3;
	[smem:$0x7FF] =	sst s2  }
0xa: {  	s28 =	sshll.u32 s7, $0x2;
	s29 =	sshll.u32 s7, $0xC;
	s6 =	sshll.u32 s5, $0x1  }
0xb: {  	s4 =	sadd.s32 $0x400, s4;
	_ =	strace $0x80000047;
	s3 =	sor.u32 s6, s28  }
.Ltmp0:
0xc: {  	s5 =	ssub.s32 $0x2, s5;
	s30 =	sshll.u32 s3, $0x4;
	(pc) =	sbr.rel .LBB2_1-.Ltmp0, $4  }
0xd: {  	s11 =	sand.u32 $0xE000, s29;
	s8 =	sshrl.u32 s5, $0x1;
	s7 =	sor.u32 s29, s30  }
0xe: {  	v1 =	vlaneseq.u32;
	s9 =	sadd.s32 s9, s11;
	s10 =	ssub.s32 s5, s8;
	s7 =	sand.u32 $0xE060, s7  }
0xf: {  	v0 =	vimm.s32 $0x0;
	v1 =	vmul.u32 $0x100, v1;
	s10 =	smax.u32 s10, $0x1;
	s5 =	sadd.s32 s0, s7;
	s31 =	sor.u32 $0x10, s7  }
0x10: {  	v2 =	vimm.s32 $0x1;
	v3 =	vimm.s32 $0xF;
	v4 =	vimm.f32 $0.0e+00;
	s6 =	sadd.s32 s1, s7;
	s7 =	sadd.s32 s0, s31;
	s8 =	sadd.s32 s1, s31  }
.LBB2_33:
0x11: {  	s21 =	sadd.s32 $0x1, s21  }
0x12: {  	p0 =	sne.s32 s21, s10  }
.Ltmp1:
0x13: {  	_ = 	snop;
	(pc) =	sbr.rel @!p0 .LBB2_34-.Ltmp1, $4  }
0x14: {  	_ = 	snop  }
0x15: {  	_ =	swait.ge [sflag:s20], $0x2000  }
0x16: {  	[sflag:s20] =	ssyncset.done $0x0  }
0x17: {  	[sflag:s20] =	ssyncadd.s32 $0xFFFFE000  }
.LBB2_1:
0x18: {  	s0 =	simm.s32 $0xB000  }
0x19: {  	[tilespmem:s0], [sflag:$0x4] =	stream.linear.gather [hbm4b:s4+s2], $0x80, $0x38;
	[tilespmem:$0xD080] =	vst v63  }
0x1a: {  	_ =	swait.ge [sflag:s12], $0x80  }
0x1b: {  	[sflag:s12] =	ssyncset.done $0x0  }
0x1c: {  	[sflag:s12] =	ssyncadd.s32 $0xFFFFFF80  }
0x1d: {  	s1 =	simm.s32 $0x10;
	s22 =	simm.s32 $0xA000;
	s0 =	sand.u32 $0xF0, s2;
	v5 =	vld [tilespmem:$0xB000];
	[tilespmem:s18+$0x0] =	vst v0  }
.LBB2_2:
0x1e: {  	p0 =	sne.s32 s1, $0xF0;
	[tilespmem:s0+$0xA100] =	vst v0  }
0x1f: {  	[tilespmem:s0+$0xA200] =	vst v0  }
0x20: {  	[tilespmem:s0+$0xA300] =	vst v0  }
0x21: {  	[tilespmem:s0+$0xA400] =	vst v0  }
0x22: {  	[tilespmem:s0+$0xA500] =	vst v0  }
0x23: {  	[tilespmem:s0+$0xA600] =	vst v0  }
0x24: {  	[tilespmem:s0+$0xA700] =	vst v0  }
0x25: {  	[tilespmem:s0+$0xA800] =	vst v0  }
0x26: {  	[tilespmem:s0+$0xA900] =	vst v0  }
0x27: {  	[tilespmem:s0+$0xAA00] =	vst v0  }
0x28: {  	[tilespmem:s0+$0xAB00] =	vst v0  }
.Ltmp2:
0x29: {  	[tilespmem:s0+$0xAC00] =	vst v0;
	(pc) =	sbr.rel @p0 .LBB2_2-.Ltmp2, $4  }
0x2a: {  	[tilespmem:s0+$0xAD00] =	vst v0  }
0x2b: {  	[tilespmem:s0+$0xAE00] =	vst v0  }
0x2c: {  	s22 =	sadd.s32 $0x10, s22;
	[tilespmem:s0+$0xAF00] =	vst v0  }
0x2d: {  	s0 =	sand.u32 $0xF0, s1;
	s1 =	sadd.s32 $0x10, s1;
	[tilespmem:s22+$0x0] =	vst v0  }
0x2e: {  	[tilespmem:s0+$0xA100] =	vst v0  }
0x2f: {  	[tilespmem:s0+$0xA200] =	vst v0  }
0x30: {  	[tilespmem:s0+$0xA300] =	vst v0  }
0x31: {  	[tilespmem:s0+$0xA400] =	vst v0  }
0x32: {  	[tilespmem:s0+$0xA500] =	vst v0  }
0x33: {  	[tilespmem:s0+$0xA600] =	vst v0  }
0x34: {  	[tilespmem:s0+$0xA700] =	vst v0  }
0x35: {  	[tilespmem:s0+$0xA800] =	vst v0  }
0x36: {  	[tilespmem:s0+$0xA900] =	vst v0  }
0x37: {  	[tilespmem:s0+$0xAA00] =	vst v0  }
0x38: {  	[tilespmem:s0+$0xAB00] =	vst v0  }
0x39: {  	[tilespmem:s0+$0xAC00] =	vst v0  }
0x3a: {  	[tilespmem:s0+$0xAD00] =	vst v0  }
.Ltmp3:
0x3b: {  	[tilespmem:s0+$0xAE00] =	vst v0;
	(pc) =	sbr.rel .LBB2_4-.Ltmp3, $4  }
0x3c: {  	[tilespmem:s0+$0xAF00] =	vst v0;
	s0 =	simm.s32 $0x0  }
0x3d: {  	[tilespmem:s0], [sflag:$0x1] =	stream.strided.gather [hbm4b:s5+s13], $0x2000, s14, s13, $0x38;
	[tilespmem:$0xD080] =	vst v63  }
0x3e: {  	p1 =	por $0x0, $0x0;
	p2 =	por $0x1, $0x1  }
0x3f: {  	[tilespmem:s15], [sflag:$0x2] =	stream.strided.gather [hbm4b:s6+s13], $0x2000, s14, s13, $0x38;
	[tilespmem:$0xD080] =	vst v63  }
.LBB2_32:
.Ltmp4:
0x40: {  	(pc) =	sbr.rel @!p0 .LBB2_33-.Ltmp4, $4  }
0x41: {  	_ = 	snop  }
0x42: {  	s0 =	sadd.s32 s22, s9  }
0x43: {  	[hbm4b:s0+s13] =	stream.strided.scatter [tilespmem:s19], [sflag:$0x3], $0x2000, s14, s13, $0x38;
	[tilespmem:$0xD080] =	vst v63  }
0x44: {  	p1 =	por $0x1, $0x1;
	p2 =	por $0x0, $0x0;
	s0 =	simm.s32 $0x1  }
.LBB2_4:
0x45: {  	s23 =	sshll.u32 s0, $0xD  }
0x46: {  	s1 =	sand.u32 $0x3FFFE000, s23  }
0x47: {  	_ =	swait.ge [sflag:s16], $0x2000;
	s1 =	sor.u32 $0x40, s1  }
0x48: {  	s22 =	simm.s32 @p2 $0x80;
	[sflag:s16] =	ssyncset.done $0x0;
	v6 =	vmov s1  }
0x49: {  	s24 =	simm.s32 @p2 $0x400;
	s25 =	simm.s32 @p2 $0x2000;
	[sflag:s16] =	ssyncadd.s32 $0xFFFFE000  }
0x4a: {  	[tilespmem:s25], [sflag:$0x1] =	stream.strided.gather @p2 [hbm4b:s7+s22], $0x2000, s24, s22, $0x38;
	[tilespmem:$0xD080] =	vst v63  }
0x4b: {  	s30 =	simm.s32 $0x0;
	s1 =	simm.s32 @p2 $0x6000  }
0x4c: {  	[tilespmem:s1], [sflag:$0x2] =	stream.strided.gather @p2 [hbm4b:s8+s22], $0x2000, s24, s22, $0x38;
	[tilespmem:$0xD080] =	vst v63  }
0x4d: {  	v11 =	vld.idx.msk [tilespmem:v6+s30+$0xFFFFFFC0 ss:$0x1], $0xffff  }
0x4e: {  	v12 =	vld.idx.msk [tilespmem:v6+s30+$0xFFFFFFD0 ss:$0x1], $0xffff  }
0x4f: {  	v10 =	vld.idx.msk [tilespmem:v6+s30+$0xFFFFFFE0 ss:$0x1], $0xffff  }
0x50: {  	v8 =	vld.idx.msk [tilespmem:v6+s30+$0xFFFFFFF0 ss:$0x1], $0xffff  }
0x51: {  	v7 =	vld.idx.msk [tilespmem:v6+s30+$0x0 ss:$0x1], $0xffff  }
0x52: {  	s31 =	sor.u32 s3, s0;
	v13 =	vimm.f32 $-Inf;
	v9 =	vld.idx.msk [tilespmem:v6+s30+$0x10 ss:$0x1], $0xffff  }
0x53: {  	p0 =	por p2, p2;
	s1 =	sshll.u32 s31, $0x4;
	v13 =	vmax.f32 v13, v11;
	v11 =	vld.idx.msk [tilespmem:v6+s30+$0x20 ss:$0x1], $0xffff  }
0x54: {  	s24 =	simm.s32 $0x400;
	s22 =	sand.u32 $0x70, s1;
	s1 =	simm.s32 $0x80;
	v13 =	vmax.f32 v13, v12;
	v12 =	vld.idx.msk [tilespmem:v6+s30+$0x30 ss:$0x1], $0xffff  }
.LBB2_5:
0x55: {  	p2 =	sne.s32 s24, $0x7E00;
	v14 =	vld.idx.msk [tilespmem:v6+s1+$0xFFFFFFC0 ss:$0x1], $0xffff;
	v10 =	vmax.f32 v13, v10  }
0x56: {  	v13 =	vld.idx.msk [tilespmem:v6+s1+$0xFFFFFFD0 ss:$0x1], $0xffff;
	v8 =	vmax.f32 v10, v8  }
0x57: {  	v10 =	vld.idx.msk [tilespmem:v6+s1+$0xFFFFFFE0 ss:$0x1], $0xffff;
	v7 =	vmax.f32 v8, v7  }
.Ltmp5:
0x58: {  	v8 =	vld.idx.msk [tilespmem:v6+s1+$0xFFFFFFF0 ss:$0x1], $0xffff;
	v9 =	vmax.f32 v7, v9;
	(pc) =	sbr.rel @p2 .LBB2_5-.Ltmp5, $4  }
0x59: {  	v7 =	vld.idx.msk [tilespmem:v6+s1+$0x0 ss:$0x1], $0xffff;
	v11 =	vmax.f32 v9, v11  }
0x5a: {  	v9 =	vld.idx.msk [tilespmem:v6+s1+$0x10 ss:$0x1], $0xffff;
	v11 =	vmax.f32 v11, v12  }
0x5b: {  	v12 =	vmax.f32 v11, v14;
	v11 =	vld.idx.msk [tilespmem:v6+s1+$0x20 ss:$0x1], $0xffff  }
0x5c: {  	v13 =	vmax.f32 v12, v13;
	v12 =	vld.idx.msk [tilespmem:v6+s1+$0x30 ss:$0x1], $0xffff;
	s1 =	sshra.s32 s24, $0x2;
	s24 =	sadd.s32 $0x200, s24  }
0x5d: {  	_ =	sdelay $0x2  }
0x5e: {  	v10 =	vmax.f32 v13, v10  }
0x5f: {  	v13 =	vld.idx.msk [tilespmem:v6+s1+$0xFFFFFFC0 ss:$0x1], $0xffff;
	v8 =	vmax.f32 v10, v8  }
0x60: {  	v10 =	vld.idx.msk [tilespmem:v6+s1+$0xFFFFFFD0 ss:$0x1], $0xffff;
	v7 =	vmax.f32 v8, v7  }
0x61: {  	v8 =	vld.idx.msk [tilespmem:v6+s1+$0xFFFFFFE0 ss:$0x1], $0xffff;
	v7 =	vmax.f32 v7, v9  }
0x62: {  	v9 =	vld.idx.msk [tilespmem:v6+s1+$0xFFFFFFF0 ss:$0x1], $0xffff;
	v7 =	vmax.f32 v7, v11  }
0x63: {  	v11 =	vld.idx.msk [tilespmem:v6+s1+$0x0 ss:$0x1], $0xffff;
	v7 =	vmax.f32 v7, v12  }
0x64: {  	v12 =	vld.idx.msk [tilespmem:v6+s1+$0x10 ss:$0x1], $0xffff;
	v7 =	vmax.f32 v7, v13  }
0x65: {  	v13 =	vld.idx.msk [tilespmem:v6+s1+$0x20 ss:$0x1], $0xffff;
	v7 =	vmax.f32 v7, v10  }
0x66: {  	v6 =	vld.idx.msk [tilespmem:v6+s1+$0x30 ss:$0x1], $0xffff;
	v7 =	vmax.f32 v7, v8  }
0x67: {  	v7 =	vmax.f32 v7, v9  }
0x68: {  	v7 =	vmax.f32 v7, v11  }
0x69: {  	v7 =	vmax.f32 v7, v12  }
0x6a: {  	v7 =	vmax.f32 v7, v13  }
0x6b: {  	v6 =	vmax.f32 v7, v6  }
0x6c: {  	(xrf0) =	vmax.scan.msk.f32 $0xffff, v6;
	_ =	sdelay $0x5  }
0x6d: {  	v6, _, _ =	vpop (xrf0)  }
0x6e: {  	(v2sf) =	vpush v6, $0xF;
	_ =	sdelay $0xe  }
0x6f: {  	s1 =	spop (v2sf)  }
0x70: {  	p2 =	seq.f32 s1, $0.0e+00;
	_ =	sdelay $0x1  }
0x71: {  	s1 =	simm.s32 @p2 $0x3F800000  }
0x72: {  	v6 =	vmov s1  }
0x73: {  	(erf) = vrcp.f32 v6;
	_ =	sdelay $0x8  }
0x74: {  	v6 =	vpop (erf)  }
0x75: {  	s0 =	sshll.u32 s0, $0xF;
	_ =	swait.ge [sflag:s17], $0x2000  }
0x76: {  	s0 =	sshra.s32 s0, $0x2;
	[sflag:s17] =	ssyncset.done $0x0  }
0x77: {  	s24 =	sor.u32 $0x40, s0;
	[sflag:s17] =	ssyncadd.s32 $0xFFFFE000  }
0x78: {  	v7 =	vld [tilespmem:s24+$0x30]  }
0x79: {  	s25 =	sadd.s32 $0x4040, s0;
	v9 =	vld [tilespmem:s24+$0xFFFFFFD0]  }
0x7a: {  	v10 =	vld [tilespmem:s25+$0x30]  }
0x7b: {  	v8 =	vmul.f32 v6, v5;
	v6 =	vld [tilespmem:s24+$0xFFFFFFE0]  }
0x7c: {  	v11 =	vld [tilespmem:s24+$0xFFFFFFF0]  }
0x7d: {  	v12 =	vld [tilespmem:s24+$0x0]  }
0x7e: {  	v14 =	vld [tilespmem:s24+$0x10]  }
0x7f: {  	v15 =	vld [tilespmem:s24+$0x20]  }
0x80: {  	v16 =	vld [tilespmem:s24+$0xFFFFFFC0]  }
0x81: {  	v18 =	vld [tilespmem:s25+$0xFFFFFFC0]  }
0x82: {  	v19 =	vld [tilespmem:s25+$0xFFFFFFD0];
	v13 =	vmul.f32 v7, v8  }
0x83: {  	v21 =	vld [tilespmem:s25+$0xFFFFFFE0];
	v7 =	vmax.f32 v7, $0.0e+00;
	v17 =	vmul.f32 v6, v8;
	v6 =	vmax.f32 v6, $0.0e+00  }
0x84: {  	v24 =	vld [tilespmem:s25+$0xFFFFFFF0];
	v20 =	vmul.f32 v12, v8;
	v12 =	vmax.f32 v12, $0.0e+00;
	v23 =	vmul.f32 v14, v8  }
0x85: {  	v27 =	vld [tilespmem:s25+$0x0];
	v14 =	vmax.f32 v14, $0.0e+00;
	v26 =	vmul.f32 v16, v8;
	v10 =	vadd.f32 v13, v10  }
0x86: {  	v25 =	vmul.f32 v15, v8;
	v15 =	vmax.f32 v15, $0.0e+00;
	v13 =	vmul.f32 v9, v8  }
0x87: {  	v18 =	vadd.f32 v26, v18;
	v7 =	vadd.f32 v10, v7;
	v10 =	vmul.f32 v11, v8  }
0x88: {  	v9 =	vmax.f32 v9, $0.0e+00;
	v17 =	vadd.f32 v17, v21;
	v13 =	vadd.f32 v13, v19  }
0x89: {  	v11 =	vmax.f32 v11, $0.0e+00;
	v19 =	vld [tilespmem:s25+$0x20];
	v22 =	vshra.s32 v7, $0x1F;
	v10 =	vadd.f32 v10, v24  }
0x8a: {  	v9 =	vadd.f32 v13, v9;
	v13 =	vadd.f32 v20, v27;
	v22 =	vor.u32 $0x80000000, v22  }
0x8b: {  	v6 =	vadd.f32 v17, v6;
	v22 =	vxor.u32 v7, v22;
	v7 =	vmax.f32 v16, $0.0e+00  }
0x8c: {  	v17 =	vshra.s32 v9, $0x1F;
	v10 =	vadd.f32 v10, v11;
	v12 =	vadd.f32 v13, v12  }
0x8d: {  	v16 =	vld [tilespmem:s25+$0x10];
	v28 =	vshrl.u32 v22, $0x18;
	v18 =	vadd.f32 v18, v7;
	v7 =	vimm.s32 $0xFFFFFFFF  }
0x8e: {  	v11 =	vadd.f32 v25, v19;
	v19 =	vshra.s32 v6, $0x1F;
	v63 =	vand.u32 $0x80, v28  }
0x8f: {  	v21 =	vand.u32 $0x7F, v28;
	v19 =	vor.u32 $0x80000000, v19;
	v26 =	vor.u32 v1, v63  }
0x90: {  	v20 =	vshra.s32 v18, $0x1F;
	v11 =	vadd.f32 v11, v15;
	v15 =	vor.u32 $0x80000000, v17  }
0x91: {  	s28 =	simm.s32 $0x8040;
	v17 =	vshra.s32 v12, $0x1F;
	v21 =	vor.u32 v21, v26;
	v15 =	vxor.u32 v9, v15  }
0x92: {  	v6 =	vxor.u32 v6, v19;
	v16 =	vadd.f32 v23, v16;
	[tilespmem:s28+$0xFFFFFFD0] =	vst v15;
	v15 =	vshrl.u32 v15, $0x18  }
0x93: {  	[tilespmem:s28+$0x30] =	vst v22;
	v17 =	vor.u32 $0x80000000, v17;
	v22 =	vshra.s32 v11, $0x1F;
	v23 =	vand.u32 $0x80, v15  }
0x94: {  	v13 =	vadd.f32 v16, v14;
	v14 =	vor.u32 $0x80000000, v20;
	v16 =	vshra.s32 v10, $0x1F  }
0x95: {  	s26 =	simm.s32 $0xA000;
	v16 =	vor.u32 $0x80000000, v16;
	v14 =	vxor.u32 v18, v14;
	v18 =	vxor.u32 v12, v17  }
0x96: {  	v20 =	vshra.s32 v13, $0x1F;
	[tilespmem:v21+s26+$0x0] =	vst.idx.add.s32.msk $0xffff, v2;
	v21 =	vor.u32 $0x80000000, v22;
	v10 =	vxor.u32 v10, v16  }
0x97: {  	[tilespmem:s28+$0xFFFFFFE0] =	vst v6;
	v9 =	vshrl.u32 v14, $0x18;
	v16 =	vshrl.u32 v6, $0x18;
	v12 =	vshrl.u32 v18, $0x18  }
0x98: {  	[tilespmem:s28+$0xFFFFFFC0] =	vst v14;
	v20 =	vor.u32 $0x80000000, v20;
	v14 =	vxor.u32 v11, v21;
	v17 =	vand.u32 $0x80, v9  }
0x99: {  	[tilespmem:s28+$0x0] =	vst v18;
	v22 =	vand.u32 $0x80, v16;
	v19 =	vxor.u32 v13, v20;
	v13 =	vshrl.u32 v10, $0x18  }
0x9a: {  	[tilespmem:s28+$0xFFFFFFF0] =	vst v10;
	v10 =	vshrl.u32 v14, $0x18;
	v20 =	vand.u32 $0x80, v12;
	v11 =	vshrl.u32 v19, $0x18  }
0x9b: {  	s31 =	simm.s32 $0x0;
	s30 =	simm.s32 $0xA000;
	s0 =	sadd.s32 $0x80, s24;
	v21 =	vand.u32 $0x80, v13;
	[tilespmem:s28+$0x10] =	vst v19;
	v18 =	vand.u32 $0x80, v10;
	v19 =	vand.u32 $0x80, v11  }
.LBB2_7:
0x9c: {  	v6 =	vld [tilespmem:s0+$0x30];
	s31 =	sadd.s32 $0x8, s31;
	v17 =	vor.u32 v1, v17;
	v23 =	vor.u32 v1, v23;
	v22 =	vor.u32 v1, v22;
	[tilespmem:s28+$0x20] =	vst v14  }
0x9d: {  	v21 =	vor.u32 v1, v21;
	v20 =	vor.u32 v1, v20;
	v19 =	vor.u32 v1, v19;
	s25 =	sadd.s32 $0x80, s25;
	v14 =	vld [tilespmem:s0+$0xFFFFFFD0];
	p2 =	slt.u32 s31, $0x1F8  }
0x9e: {  	v9 =	vand.u32 $0x7F, v9;
	v15 =	vand.u32 $0x7F, v15;
	v18 =	vor.u32 v1, v18;
	v24 =	vld [tilespmem:s25+$0x30]  }
0x9f: {  	v16 =	vand.u32 $0x7F, v16;
	v13 =	vand.u32 $0x7F, v13;
	v12 =	vand.u32 $0x7F, v12;
	v25 =	vld [tilespmem:s0+$0xFFFFFFE0]  }
0xa0: {  	v11 =	vand.u32 $0x7F, v11;
	v10 =	vand.u32 $0x7F, v10;
	v9 =	vor.u32 v9, v17;
	v26 =	vld [tilespmem:s0+$0xFFFFFFF0]  }
0xa1: {  	v15 =	vor.u32 v15, v23;
	v16 =	vor.u32 v16, v22;
	v17 =	vld [tilespmem:s0+$0x0];
	v27 =	vmul.f32 v6, v8  }
0xa2: {  	v13 =	vor.u32 v13, v21;
	v22 =	vmul.f32 v14, v8;
	v14 =	vmax.f32 v14, $0.0e+00;
	v23 =	vld [tilespmem:s0+$0x10]  }
0xa3: {  	v12 =	vor.u32 v12, v20;
	v11 =	vor.u32 v11, v19;
	v21 =	vld [tilespmem:s0+$0x20];
	v24 =	vadd.f32 v27, v24  }
0xa4: {  	v6 =	vmax.f32 v6, $0.0e+00;
	v19 =	vld [tilespmem:s0+$0xFFFFFFC0];
	v20 =	vmul.f32 v25, v8;
	v25 =	vmax.f32 v25, $0.0e+00  }
0xa5: {  	v27 =	vld [tilespmem:s25+$0xFFFFFFC0];
	v28 =	vmul.f32 v26, v8;
	v26 =	vmax.f32 v26, $0.0e+00;
	v6 =	vadd.f32 v24, v6  }
0xa6: {  	v10 =	vor.u32 v10, v18;
	v24 =	vld [tilespmem:s25+$0xFFFFFFD0];
	v29 =	vmul.f32 v17, v8;
	v17 =	vmax.f32 v17, $0.0e+00  }
0xa7: {  	v18 =	vld [tilespmem:s25+$0xFFFFFFE0];
	v30 =	vmul.f32 v23, v8;
	v23 =	vmax.f32 v23, $0.0e+00;
	v31 =	vshra.s32 v6, $0x1F  }
0xa8: {  	v32 =	vld [tilespmem:s25+$0xFFFFFFF0];
	v33 =	vmul.f32 v21, v8;
	v21 =	vmax.f32 v21, $0.0e+00;
	v31 =	vor.u32 $0x80000000, v31  }
0xa9: {  	v34 =	vmul.f32 v19, v8;
	v19 =	vmax.f32 v19, $0.0e+00;
	v35 =	vld [tilespmem:s25+$0x0];
	v31 =	vxor.u32 v6, v31  }
0xaa: {  	v6 =	vimm.s32 $0x0;
	v36 =	vld [tilespmem:s25+$0x10];
	v37 =	vshrl.u32 v31, $0x18  }
0xab: {  	v27 =	vadd.f32 v34, v27;
	v22 =	vadd.f32 v22, v24;
	v24 =	vld [tilespmem:s25+$0x20];
	v34 =	vand.u32 $0x80, v37  }
0xac: {  	v18 =	vadd.f32 v20, v18;
	v20 =	vand.u32 $0x7F, v37;
	v34 =	vor.u32 v1, v34;
	[tilespmem:v15+s30+$0x0] =	vst.idx.add.s32.msk $0xffff, v2  }
0xad: {  	v15 =	vadd.f32 v27, v19;
	v19 =	vadd.f32 v28, v32;
	v20 =	vor.u32 v20, v34  }
0xae: {  	v14 =	vadd.f32 v22, v14;
	v22 =	vadd.f32 v29, v35;
	[tilespmem:v16+s30+$0x0] =	vst.idx.add.s32.msk $0xffff, v2  }
0xaf: {  	v18 =	vadd.f32 v18, v25;
	v16 =	vshra.s32 v15, $0x1F;
	v25 =	vadd.f32 v30, v36;
	[tilespmem:v13+s30+$0x0] =	vst.idx.add.s32.msk $0xffff, v2  }
0xb0: {  	s28 =	sadd.s32 $0x80, s28;
	v13 =	vshra.s32 v14, $0x1F;
	v19 =	vadd.f32 v19, v26;
	v24 =	vadd.f32 v33, v24;
	[tilespmem:v9+s30+$0x0] =	vst.idx.add.s32.msk $0xffff, v2  }
0xb1: {  	v9 =	vshra.s32 v18, $0x1F;
	v17 =	vadd.f32 v22, v17;
	v22 =	vadd.f32 v25, v23;
	[tilespmem:s28+$0x30] =	vst v31  }
0xb2: {  	s29 =	simm.s32 $0x0;
	v16 =	vor.u32 $0x80000000, v16;
	v23 =	vshra.s32 v19, $0x1F;
	v21 =	vadd.f32 v24, v21;
	[tilespmem:v20+s26+$0x0] =	vst.idx.add.s32.msk $0xffff, v2  }
0xb3: {  	v13 =	vor.u32 $0x80000000, v13;
	v20 =	vshra.s32 v17, $0x1F;
	v24 =	vshra.s32 v22, $0x1F;
	[tilespmem:v12+s30+$0x0] =	vst.idx.add.s32.msk $0xffff, v2  }
0xb4: {  	v9 =	vor.u32 $0x80000000, v9;
	v12 =	vor.u32 $0x80000000, v23;
	v23 =	vshra.s32 v21, $0x1F;
	[tilespmem:v11+s30+$0x0] =	vst.idx.add.s32.msk $0xffff, v2  }
0xb5: {  	v11 =	vor.u32 $0x80000000, v20;
	v20 =	vor.u32 $0x80000000, v24;
	v23 =	vor.u32 $0x80000000, v23;
	[tilespmem:v10+s30+$0x0] =	vst.idx.add.s32.msk $0xffff, v2;
	s30 =	smov.u32 s26  }
0xb6: {  	v13 =	vxor.u32 v14, v13;
	v10 =	vxor.u32 v15, v16;
	v16 =	vxor.u32 v18, v9  }
0xb7: {  	v18 =	vxor.u32 v19, v12;
	v19 =	vxor.u32 v17, v11;
	v24 =	vxor.u32 v22, v20;
	[tilespmem:s28+$0xFFFFFFC0] =	vst v10  }
.Ltmp6:
0xb8: {  	v15 =	vshrl.u32 v13, $0x18;
	v9 =	vshrl.u32 v10, $0x18;
	v14 =	vxor.u32 v21, v23;
	[tilespmem:s28+$0xFFFFFFD0] =	vst v13;
	(pc) =	sbr.rel @p2 .LBB2_7-.Ltmp6, $4  }
0xb9: {  	v12 =	vshrl.u32 v19, $0x18;
	v13 =	vshrl.u32 v18, $0x18;
	[tilespmem:s28+$0xFFFFFFE0] =	vst v16;
	v16 =	vshrl.u32 v16, $0x18  }
0xba: {  	v11 =	vshrl.u32 v24, $0x18;
	v17 =	vand.u32 $0x80, v9;
	v10 =	vshrl.u32 v14, $0x18;
	[tilespmem:s28+$0xFFFFFFF0] =	vst v18  }
0xbb: {  	v23 =	vand.u32 $0x80, v15;
	v21 =	vand.u32 $0x80, v13;
	v22 =	vand.u32 $0x80, v16;
	[tilespmem:s28+$0x0] =	vst v19  }
0xbc: {  	s0 =	sadd.s32 $0x80, s0;
	v20 =	vand.u32 $0x80, v12;
	v18 =	vand.u32 $0x80, v10;
	v19 =	vand.u32 $0x80, v11;
	[tilespmem:s28+$0x10] =	vst v24  }
0xbd: {  	v8 =	vor.u32 v1, v23;
	v15 =	vand.u32 $0x7F, v15  }
0xbe: {  	v22 =	vor.u32 v1, v22;
	v16 =	vand.u32 $0x7F, v16;
	v8 =	vor.u32 v15, v8  }
0xbf: {  	v17 =	vor.u32 v1, v17;
	v9 =	vand.u32 $0x7F, v9;
	v16 =	vor.u32 v16, v22  }
0xc0: {  	[tilespmem:s28+$0x20] =	vst v14;
	v14 =	vor.u32 v1, v19;
	v11 =	vand.u32 $0x7F, v11;
	v9 =	vor.u32 v9, v17  }
0xc1: {  	v13 =	vand.u32 $0x7F, v13;
	v15 =	vor.u32 v1, v21;
	v11 =	vor.u32 v11, v14  }
0xc2: {  	v12 =	vand.u32 $0x7F, v12;
	v13 =	vor.u32 v13, v15;
	v15 =	vor.u32 v1, v20  }
0xc3: {  	v10 =	vand.u32 $0x7F, v10;
	v12 =	vor.u32 v12, v15;
	v15 =	vor.u32 v1, v18;
	[tilespmem:v8+s30+$0x0] =	vst.idx.add.s32.msk $0xffff, v2  }
0xc4: {  	v8 =	vor.u32 v10, v15;
	[tilespmem:v16+s30+$0x0] =	vst.idx.add.s32.msk $0xffff, v2  }
0xc5: {  	[tilespmem:v9+s30+$0x0] =	vst.idx.add.s32.msk $0xffff, v2  }
0xc6: {  	[tilespmem:v11+s30+$0x0] =	vst.idx.add.s32.msk $0xffff, v2  }
0xc7: {  	[tilespmem:v13+s30+$0x0] =	vst.idx.add.s32.msk $0xffff, v2  }
0xc8: {  	[tilespmem:v12+s30+$0x0] =	vst.idx.add.s32.msk $0xffff, v2  }
0xc9: {  	[tilespmem:v8+s30+$0x0] =	vst.idx.add.s32.msk $0xffff, v2  }
0xca: {  	s0 =	sand.u32 $0xF0, s29;
	v8 =	vld [tilespmem:s26+$0x0];
	[tilespmem:s26+$0x0] =	vst v0  }
0xcb: {  	v9 =	vld [tilespmem:s0+$0xA100];
	[tilespmem:s0+$0xA100] =	vst v0  }
0xcc: {  	v10 =	vld [tilespmem:s0+$0xA200];
	[tilespmem:s0+$0xA200] =	vst v0  }
0xcd: {  	v11 =	vld [tilespmem:s0+$0xA300];
	[tilespmem:s0+$0xA300] =	vst v0  }
0xce: {  	v12 =	vld [tilespmem:s0+$0xA400];
	[tilespmem:s0+$0xA400] =	vst v0  }
0xcf: {  	v13 =	vld [tilespmem:s0+$0xA500];
	[tilespmem:s0+$0xA500] =	vst v0  }
0xd0: {  	v14 =	vld [tilespmem:s0+$0xA600];
	[tilespmem:s0+$0xA600] =	vst v0  }
0xd1: {  	v15 =	vld [tilespmem:s0+$0xA700];
	[tilespmem:s0+$0xA700] =	vst v0  }
0xd2: {  	v16 =	vld [tilespmem:s0+$0xA800];
	[tilespmem:s0+$0xA800] =	vst v0;
	v8 =	vadd.s32 v8, v9  }
0xd3: {  	v9 =	vld [tilespmem:s0+$0xA900];
	[tilespmem:s0+$0xA900] =	vst v0;
	v8 =	vadd.s32 v10, v8  }
0xd4: {  	v10 =	vld [tilespmem:s0+$0xAA00];
	[tilespmem:s0+$0xAA00] =	vst v0;
	v8 =	vadd.s32 v11, v8  }
0xd5: {  	v11 =	vld [tilespmem:s0+$0xAB00];
	[tilespmem:s0+$0xAB00] =	vst v0;
	v8 =	vadd.s32 v12, v8  }
0xd6: {  	v12 =	vld [tilespmem:s0+$0xAC00];
	[tilespmem:s0+$0xAC00] =	vst v0;
	v8 =	vadd.s32 v13, v8  }
0xd7: {  	v13 =	vld [tilespmem:s0+$0xAD00];
	[tilespmem:s0+$0xAD00] =	vst v0;
	v8 =	vadd.s32 v14, v8  }
0xd8: {  	v14 =	vld [tilespmem:s0+$0xAE00];
	[tilespmem:s0+$0xAE00] =	vst v0;
	v8 =	vadd.s32 v15, v8  }
0xd9: {  	s25 =	simm.s32 $0x10;
	s30 =	simm.s32 $0xA010;
	v15 =	vld [tilespmem:s0+$0xAF00];
	[tilespmem:s0+$0xAF00] =	vst v0;
	v8 =	vadd.s32 v16, v8  }
0xda: {  	s31 =	sand.u32 $0xF0, s25;
	v8 =	vadd.s32 v9, v8;
	v9 =	vld [tilespmem:s30+$0x0];
	[tilespmem:s30+$0x0] =	vst v0  }
0xdb: {  	v8 =	vadd.s32 v10, v8;
	v10 =	vld [tilespmem:s31+$0xA100]  }
0xdc: {  	v17 =	vld [tilespmem:s31+$0xA800];
	v8 =	vadd.s32 v11, v8  }
0xdd: {  	v18 =	vld [tilespmem:s31+$0xAB00];
	v8 =	vadd.s32 v12, v8  }
0xde: {  	v19 =	vld [tilespmem:s31+$0xAC00];
	v8 =	vadd.s32 v13, v8  }
0xdf: {  	v60 =	vld [tilespmem:s31+$0xAD00];
	v8 =	vadd.s32 v14, v8  }
0xe0: {  	v11 =	vld [tilespmem:s31+$0xA200];
	v16 =	vadd.s32 v15, v8  }
0xe1: {  	v12 =	vld [tilespmem:s31+$0xA300];
	(xrf0) =	vadd.scan.msk.s32 $0xffff, v16  }
0xe2: {  	v13 =	vld [tilespmem:s31+$0xA400]  }
0xe3: {  	[tilespmem:s31+$0xA100] =	vst v0;
	v8 =	vld [tilespmem:s31+$0xA500]  }
0xe4: {  	[tilespmem:s31+$0xA800] =	vst v0;
	v14 =	vld [tilespmem:s31+$0xA600];
	v9 =	vadd.s32 v9, v10  }
0xe5: {  	[tilespmem:s31+$0xAB00] =	vst v0;
	v61 =	vld [tilespmem:s31+$0xAE00];
	v9 =	vadd.s32 v11, v9  }
0xe6: {  	[tilespmem:s31+$0xAC00] =	vst v0;
	v15 =	vld [tilespmem:s31+$0xA700];
	v9 =	vadd.s32 v12, v9  }
0xe7: {  	[tilespmem:s31+$0xAD00] =	vst v0;
	v62 =	vld [tilespmem:s31+$0xAF00];
	v9 =	vadd.s32 v13, v9;
	v13, _, _ =	vpop (xrf0)  }
0xe8: {  	[tilespmem:s31+$0xAE00] =	vst v0;
	v10 =	vld [tilespmem:s31+$0xA900];
	v8 =	vadd.s32 v8, v9;
	v9 =	vadd.s32 v6, v13  }
0xe9: {  	[tilespmem:s31+$0xAF00] =	vst v0;
	v11 =	vld [tilespmem:s31+$0xAA00];
	v12 =	vadd.s32 v14, v8;
	v8 =	vperm.xlane v9, v3  }
0xea: {  	vm1 =	vlt.s32 v7, $0x0;
	[tilespmem:s31+$0xA200] =	vst v0;
	vm0 =	vgt.s32 v9, $0x1F5C  }
0xeb: {  	[tilespmem:s31+$0xA300] =	vst v0;
	v9 =	vadd.s32 v15, v12;
	v63 =	vmctz.xlane vm0;
	vm0 =	vgt.s32 v8, $0x1F5C  }
0xec: {  	[tilespmem:s31+$0xA400] =	vst v0;
	v9 =	vadd.s32 v17, v9;
	vm0 =	vmand vm1, vm0  }
0xed: {  	[tilespmem:s31+$0xA600] =	vst v0;
	v9 =	vadd.s32 v10, v9;
	v10 =	vnsel vm0, $0x0, v63  }
0xee: {  	[tilespmem:s31+$0xA500] =	vst v0;
	v9 =	vadd.s32 v11, v9;
	v11 =	vshrl.u32 v10, $0x1B  }
0xef: {  	[tilespmem:s31+$0xA700] =	vst v0;
	v9 =	vadd.s32 v18, v9;
	v11 =	vand.u32 $0x10, v11  }
0xf0: {  	[tilespmem:s31+$0xA900] =	vst v0;
	v9 =	vadd.s32 v19, v9;
	v10 =	vadd.s32 v10, v11  }
0xf1: {  	s26 =	simm.s32 $0x20;
	s0 =	simm.s32 $0xA020;
	[tilespmem:s31+$0xAA00] =	vst v0;
	v9 =	vadd.s32 v60, v9;
	v17 =	vperm.xlane v16, v10  }
0xf2: {  	s28 =	sand.u32 $0xF0, s26;
	v12 =	vld [tilespmem:s0+$0x0];
	[tilespmem:s0+$0x0] =	vst v0;
	v9 =	vadd.s32 v61, v9  }
0xf3: {  	v14 =	vld [tilespmem:s28+$0xA100];
	[tilespmem:s28+$0xA100] =	vst v0;
	v13 =	vperm.xlane v13, v10;
	v10 =	vadd.s32 v62, v9;
	v9 =	vsub.s32 v6, v17  }
0xf4: {  	v15 =	vld [tilespmem:s28+$0xA200];
	[tilespmem:s28+$0xA200] =	vst v0  }
0xf5: {  	v11 =	vadd.s32 s29, v63;
	v16 =	vld [tilespmem:s28+$0xA300];
	[tilespmem:s28+$0xA300] =	vst v0;
	(xrf0) =	vadd.scan.msk.s32 $0xffff, v10  }
0xf6: {  	s1 =	simm.s32 $0x30;
	v11 =	vsel vm0, v11, v7;
	v7 =	vsel vm0, v17, v6;
	v17 =	vld [tilespmem:s28+$0xA400];
	v13 =	vadd.s32 v13, v9;
	v9 =	vmovc v8  }
.LBB2_9:
0xf7: {  	p2 =	sne.s32 s1, $0xF0;
	[tilespmem:s28+$0xA400] =	vst v0;
	v18 =	vld [tilespmem:s28+$0xA500];
	v6 =	vsel vm0, v13, v6;
	s29 =	smov.u32 s1;
	s1 =	sadd.s32 $0x10, s1  }
0xf8: {  	v12 =	vadd.s32 v12, v14;
	[tilespmem:s28+$0xA500] =	vst v0;
	v13 =	vld [tilespmem:s28+$0xA600]  }
0xf9: {  	v12 =	vadd.s32 v15, v12;
	[tilespmem:s28+$0xA600] =	vst v0;
	v14 =	vld [tilespmem:s28+$0xA700]  }
0xfa: {  	v12 =	vadd.s32 v16, v12;
	[tilespmem:s28+$0xA700] =	vst v0;
	v15 =	vld [tilespmem:s28+$0xA800]  }
0xfb: {  	v12 =	vadd.s32 v17, v12;
	[tilespmem:s28+$0xA800] =	vst v0;
	v16 =	vld [tilespmem:s28+$0xA900];
	v17, _, _ =	vpop (xrf0)  }
0xfc: {  	v12 =	vadd.s32 v18, v12;
	[tilespmem:s28+$0xA900] =	vst v0;
	v18 =	vld [tilespmem:s28+$0xAA00];
	v8 =	vadd.s32 v8, v17  }
0xfd: {  	v12 =	vadd.s32 v13, v12;
	[tilespmem:s28+$0xAA00] =	vst v0;
	v13 =	vld [tilespmem:s28+$0xAB00];
	vm0 =	vgt.s32 v8, $0x1F5C;
	v8 =	vperm.xlane v8, v3  }
0xfe: {  	vm1 =	vlt.s32 v11, $0x0;
	v12 =	vadd.s32 v14, v12;
	[tilespmem:s28+$0xAB00] =	vst v0;
	v14 =	vld [tilespmem:s28+$0xAC00]  }
0xff: {  	v19 =	vmctz.xlane vm0;
	v12 =	vadd.s32 v15, v12;
	[tilespmem:s28+$0xAC00] =	vst v0;
	v15 =	vld [tilespmem:s28+$0xAD00];
	vm0 =	vgt.s32 v8, $0x1F5C  }
0x100: {  	v12 =	vadd.s32 v16, v12;
	[tilespmem:s28+$0xAD00] =	vst v0;
	v16 =	vld [tilespmem:s28+$0xAE00];
	vm0 =	vmand vm1, vm0  }
0x101: {  	v12 =	vadd.s32 v18, v12;
	[tilespmem:s28+$0xAE00] =	vst v0;
	v18 =	vld [tilespmem:s28+$0xAF00];
	v20 =	vnsel vm0, $0x0, v19;
	v19 =	vadd.s32 s25, v19;
	s25 =	smov.u32 s26;
	s26 =	smov.u32 s29  }
0x102: {  	s0 =	sadd.s32 $0x10, s0;
	v13 =	vadd.s32 v13, v12;
	[tilespmem:s28+$0xAF00] =	vst v0;
	v21 =	vshrl.u32 v20, $0x1B;
	v11 =	vsel vm0, v19, v11  }
0x103: {  	v12 =	vld [tilespmem:s0+$0x0];
	v13 =	vadd.s32 v14, v13;
	v14 =	vand.u32 $0x10, v21  }
.Ltmp7:
0x104: {  	s28 =	sand.u32 $0xF0, s26;
	[tilespmem:s0+$0x0] =	vst v0;
	v13 =	vadd.s32 v15, v13;
	v15 =	vadd.s32 v20, v14;
	(pc) =	sbr.rel @p2 .LBB2_9-.Ltmp7, $4  }
0x105: {  	v14 =	vld [tilespmem:s28+$0xA100];
	v13 =	vadd.s32 v16, v13;
	v19 =	vperm.xlane v10, v15;
	v20 =	vperm.xlane v17, v15  }
0x106: {  	[tilespmem:s28+$0xA100] =	vst v0;
	v15 =	vld [tilespmem:s28+$0xA200];
	v10 =	vadd.s32 v18, v13  }
0x107: {  	[tilespmem:s28+$0xA200] =	vst v0;
	v16 =	vld [tilespmem:s28+$0xA300];
	(xrf0) =	vadd.scan.msk.s32 $0xffff, v10;
	v13 =	vsub.s32 v9, v19;
	v7 =	vsel vm0, v19, v7;
	v9 =	vmovc v8  }
0x108: {  	[tilespmem:s28+$0xA300] =	vst v0;
	v17 =	vld [tilespmem:s28+$0xA400];
	v13 =	vadd.s32 v20, v13  }
0x109: {  	v18 =	vld [tilespmem:s28+$0xA500]  }
0x10a: {  	v19 =	vld [tilespmem:s28+$0xA600];
	v12 =	vadd.s32 v12, v14  }
0x10b: {  	v20 =	vld [tilespmem:s28+$0xA700];
	v12 =	vadd.s32 v15, v12  }
0x10c: {  	v21 =	vld [tilespmem:s28+$0xA800];
	v12 =	vadd.s32 v16, v12  }
0x10d: {  	v22 =	vld [tilespmem:s28+$0xA900];
	v12 =	vadd.s32 v17, v12  }
0x10e: {  	v23 =	vld [tilespmem:s28+$0xAA00];
	v12 =	vadd.s32 v18, v12  }
0x10f: {  	v14 =	vld [tilespmem:s28+$0xAB00];
	v12 =	vadd.s32 v19, v12  }
0x110: {  	v15 =	vld [tilespmem:s28+$0xAC00];
	v12 =	vadd.s32 v20, v12  }
0x111: {  	v16 =	vld [tilespmem:s28+$0xAD00];
	v12 =	vadd.s32 v21, v12  }
0x112: {  	v17 =	vld [tilespmem:s28+$0xAE00];
	v12 =	vadd.s32 v22, v12  }
0x113: {  	v18 =	vld [tilespmem:s28+$0xAF00];
	v12 =	vadd.s32 v23, v12  }
0x114: {  	v12 =	vadd.s32 v14, v12  }
0x115: {  	v12 =	vadd.s32 v15, v12  }
0x116: {  	v12 =	vadd.s32 v16, v12  }
0x117: {  	v12 =	vadd.s32 v17, v12  }
0x118: {  	v12 =	vadd.s32 v18, v12  }
0x119: {  	(xrf0) =	vadd.scan.msk.s32 $0xffff, v12;
	_ =	sdelay $0x1  }
0x11a: {  	[tilespmem:s28+$0xA400] =	vst v0;
	v14, _, _ =	vpop (xrf0)  }
0x11b: {  	[tilespmem:s28+$0xA500] =	vst v0;
	v8 =	vadd.s32 v8, v14  }
0x11c: {  	[tilespmem:s28+$0xA600] =	vst v0;
	v15 =	vperm.xlane v8, v3  }
0x11d: {  	[tilespmem:s28+$0xA700] =	vst v0;
	vm1 =	vgt.s32 v8, $0x1F5C  }
0x11e: {  	[tilespmem:s28+$0xA800] =	vst v0;
	vm2 =	vlt.s32 v11, $0x0;
	v8 =	vmctz.xlane vm1;
	vm1 =	vgt.s32 v15, $0x1F5C;
	v16, _, _ =	vpop (xrf0)  }
0x11f: {  	[tilespmem:s28+$0xA900] =	vst v0;
	vm1 =	vmand vm2, vm1;
	v17 =	vadd.s32 v15, v16  }
0x120: {  	[tilespmem:s28+$0xAA00] =	vst v0;
	v18 =	vnsel vm1, $0x0, v8;
	v8 =	vadd.s32 s25, v8;
	v19 =	vperm.xlane v17, v3  }
0x121: {  	[tilespmem:s28+$0xAB00] =	vst v0;
	v20 =	vshrl.u32 v18, $0x1B;
	v8 =	vsel vm1, v8, v11;
	vm2 =	vgt.s32 v17, $0x1F5C  }
0x122: {  	[tilespmem:s28+$0xAC00] =	vst v0;
	vm3 =	vlt.s32 v8, $0x0;
	v11 =	vmctz.xlane vm2;
	vm2 =	vgt.s32 v19, $0x1F5C  }
0x123: {  	[tilespmem:s28+$0xAD00] =	vst v0;
	v17 =	vand.u32 $0x10, v20;
	vm2 =	vmand vm3, vm2  }
0x124: {  	[tilespmem:s28+$0xAE00] =	vst v0;
	v17 =	vadd.s32 v18, v17;
	v18 =	vnsel vm2, $0x0, v11  }
0x125: {  	s1 =	simm.s32 $0x8040;
	[tilespmem:s28+$0xAF00] =	vst v0;
	v10 =	vperm.xlane v10, v17;
	v19 =	vshrl.u32 v18, $0x1B  }
0x126: {  	v13 =	vsel vm0, v13, v6;
	v6 =	vand.u32 $0x10, v19;
	v19 =	vld [tilespmem:s1+$0xFFFFFFC0]  }
0x127: {  	v14 =	vperm.xlane v14, v17;
	v9 =	vsub.s32 v9, v10;
	v17 =	vadd.s32 v18, v6;
	v18 =	vld [tilespmem:s1+$0x30]  }
0x128: {  	v7 =	vsel vm1, v10, v7;
	v6 =	vadd.s32 s26, v11;
	v11 =	vld [tilespmem:s1+$0xFFFFFFF0];
	v10 =	vperm.xlane v12, v17  }
0x129: {  	v9 =	vadd.s32 v14, v9;
	v6 =	vsel vm2, v6, v8;
	v12 =	vperm.xlane v16, v17;
	v16 =	vld [tilespmem:s1+$0x20]  }
0x12a: {  	v13 =	vsel vm1, v9, v13;
	v17 =	vld [tilespmem:s1+$0x0];
	v9 =	vbroadcast v6, $0x0;
	v14 =	vsub.s32 v15, v10  }
0x12b: {  	v8 =	vsel vm2, v10, v7;
	v7 =	vadd.s32 v12, v14;
	v12 =	vshrl.u32 v19, $0x18  }
0x12c: {  	v22 =	vld [tilespmem:s1+$0xFFFFFFE0];
	v14 =	vshrl.u32 v19, $0x10;
	v7 =	vsel vm2, v7, v13;
	vm1 =	veq.s32 v12, v9  }
0x12d: {  	v10 =	vld [tilespmem:s1+$0x10];
	v13 =	vshrl.u32 v11, $0x18;
	v15 =	vshrl.u32 v18, $0x18;
	v12 =	vand.u32 $0xFF, v14  }
0x12e: {  	v18 =	vshrl.u32 v18, $0x10;
	v19 =	vshrl.u32 v11, $0x10;
	v14 =	vor.u32 v1, v12  }
0x12f: {  	v12 =	vshrl.u32 v17, $0x18;
	v20 =	vshrl.u32 v16, $0x10;
	vm0 =	veq.s32 v15, v9  }
0x130: {  	v11 =	vand.u32 $0xFF, v18;
	v23 =	vshrl.u32 v16, $0x18;
	v19 =	vand.u32 $0xFF, v19;
	v18 =	vld [tilespmem:s1+$0xFFFFFFD0]  }
0x131: {  	v21 =	vshrl.u32 v17, $0x10;
	v16 =	vshrl.u32 v22, $0x10;
	v17 =	vshrl.u32 v22, $0x18  }
0x132: {  	s0 =	simm.s32 $0x0;
	s1 =	simm.s32 $0x80C0;
	v11 =	vor.u32 v1, v11;
	vm2 =	veq.s32 v23, v9;
	v15 =	vshrl.u32 v10, $0x10  }
.LBB2_11:
0x133: {  	v22 =	vld [tilespmem:s1+$0xFFFFFFC0];
	s0 =	sadd.s32 $0x8, s0;
	v21 =	vand.u32 $0xFF, v21;
	v20 =	vand.u32 $0xFF, v20  }
0x134: {  	vm6 =	veq.s32 v13, v9;
	v23 =	vld [tilespmem:s1+$0x20];
	p2 =	slt.u32 s0, $0x1F8;
	v21 =	vor.u32 v1, v21;
	v13 =	vor.u32 v1, v20  }
0x135: {  	v10 =	vshrl.u32 v10, $0x18;
	[tilespmem:v14+s18+$0x0] =	vst.idx.add.s32.msk vm1, v2;
	v14 =	vshrl.u32 v18, $0x10;
	v18 =	vshrl.u32 v18, $0x18  }
0x136: {  	v20 =	vld [tilespmem:s1+$0x30];
	vm5 =	veq.s32 v18, v9;
	v14 =	vand.u32 $0xFF, v14;
	v18 =	vor.u32 v1, v19  }
0x137: {  	vm3 =	veq.s32 v10, v9;
	v19 =	vld [tilespmem:s1+$0xFFFFFFF0];
	v24 =	vor.u32 v1, v14;
	v14 =	vand.u32 $0xFF, v15  }
0x138: {  	v10 =	vld [tilespmem:s1+$0x10];
	v25 =	vor.u32 v1, v14  }
0x139: {  	v26 =	vld [tilespmem:s1+$0x0]  }
0x13a: {  	vm4 =	veq.s32 v17, v9;
	vm7 =	veq.s32 v12, v9;
	v14 =	vand.u32 $0xFF, v16;
	[tilespmem:v13+s18+$0x0] =	vst.idx.add.s32.msk vm2, v2  }
0x13b: {  	v12 =	vshrl.u32 v22, $0x10;
	v13 =	vshrl.u32 v22, $0x18;
	v22 =	vor.u32 v1, v14;
	[tilespmem:v11+s18+$0x0] =	vst.idx.add.s32.msk vm0, v2  }
0x13c: {  	vm1 =	veq.s32 v13, v9;
	v11 =	vshrl.u32 v20, $0x18;
	v13 =	vshrl.u32 v19, $0x18;
	[tilespmem:v18+s18+$0x0] =	vst.idx.add.s32.msk vm6, v2  }
0x13d: {  	v12 =	vand.u32 $0xFF, v12;
	v15 =	vshrl.u32 v20, $0x10;
	v17 =	vld [tilespmem:s1+$0xFFFFFFE0]  }
.Ltmp8:
0x13e: {  	v14 =	vor.u32 v1, v12;
	v16 =	vshrl.u32 v19, $0x10;
	v18 =	vld [tilespmem:s1+$0xFFFFFFD0];
	v12 =	vshrl.u32 v26, $0x18;
	(pc) =	sbr.rel @p2 .LBB2_11-.Ltmp8, $4  }
0x13f: {  	v20 =	vshrl.u32 v23, $0x10;
	vm0 =	veq.s32 v11, v9;
	v11 =	vand.u32 $0xFF, v15;
	[tilespmem:v24+s18+$0x0] =	vst.idx.add.s32.msk vm5, v2  }
0x140: {  	v23 =	vshrl.u32 v23, $0x18;
	v15 =	vshrl.u32 v10, $0x10;
	v11 =	vor.u32 v1, v11;
	[tilespmem:v21+s18+$0x0] =	vst.idx.add.s32.msk vm7, v2  }
0x141: {  	v19 =	vand.u32 $0xFF, v16;
	v21 =	vshrl.u32 v26, $0x10;
	[tilespmem:v25+s18+$0x0] =	vst.idx.add.s32.msk vm3, v2  }
0x142: {  	vm2 =	veq.s32 v23, v9;
	s1 =	sadd.s32 $0x80, s1;
	v16 =	vshrl.u32 v17, $0x10;
	v17 =	vshrl.u32 v17, $0x18;
	[tilespmem:v22+s18+$0x0] =	vst.idx.add.s32.msk vm4, v2  }
0x143: {  	_ = 	snop  }
0x144: {  	v20 =	vand.u32 $0xFF, v20;
	v21 =	vand.u32 $0xFF, v21;
	vm3 =	veq.s32 v13, v9  }
0x145: {  	v13 =	vshrl.u32 v18, $0x10;
	v18 =	vshrl.u32 v18, $0x18;
	v20 =	vor.u32 v1, v20  }
0x146: {  	vm5 =	veq.s32 v12, v9;
	vm4 =	veq.s32 v18, v9;
	v18 =	vor.u32 v1, v19  }
0x147: {  	v10 =	vshrl.u32 v10, $0x18;
	v13 =	vand.u32 $0xFF, v13;
	v12 =	vor.u32 v1, v21  }
0x148: {  	[tilespmem:v14+s18+$0x0] =	vst.idx.add.s32.msk vm1, v2;
	vm1 =	veq.s32 v10, v9;
	v10 =	vand.u32 $0xFF, v15;
	v13 =	vor.u32 v1, v13  }
0x149: {  	vm6 =	veq.s32 v17, v9;
	[tilespmem:v11+s18+$0x0] =	vst.idx.add.s32.msk vm0, v2;
	v9 =	vand.u32 $0xFF, v16;
	v10 =	vor.u32 v1, v10  }
0x14a: {  	v9 =	vor.u32 v1, v9;
	[tilespmem:v20+s18+$0x0] =	vst.idx.add.s32.msk vm2, v2  }
0x14b: {  	[tilespmem:v18+s18+$0x0] =	vst.idx.add.s32.msk vm3, v2  }
0x14c: {  	[tilespmem:v12+s18+$0x0] =	vst.idx.add.s32.msk vm5, v2  }
0x14d: {  	[tilespmem:v13+s18+$0x0] =	vst.idx.add.s32.msk vm4, v2  }
0x14e: {  	[tilespmem:v10+s18+$0x0] =	vst.idx.add.s32.msk vm1, v2  }
0x14f: {  	s1 =	simm.s32 $0xA000;
	s0 =	simm.s32 $0x0;
	[tilespmem:v9+s18+$0x0] =	vst.idx.add.s32.msk vm6, v2  }
0x150: {  	s11 =	sand.u32 $0xF0, s0;
	v9 =	vld [tilespmem:s1+$0x0];
	[tilespmem:s1+$0x0] =	vst v0  }
0x151: {  	v10 =	vld [tilespmem:s11+$0xA100];
	[tilespmem:s11+$0xA100] =	vst v0  }
0x152: {  	v11 =	vld [tilespmem:s11+$0xA200];
	[tilespmem:s11+$0xA200] =	vst v0  }
0x153: {  	v12 =	vld [tilespmem:s11+$0xA300];
	[tilespmem:s11+$0xA300] =	vst v0  }
0x154: {  	v13 =	vld [tilespmem:s11+$0xA400];
	[tilespmem:s11+$0xA400] =	vst v0  }
0x155: {  	v14 =	vld [tilespmem:s11+$0xA500];
	[tilespmem:s11+$0xA500] =	vst v0  }
0x156: {  	v15 =	vld [tilespmem:s11+$0xA600];
	[tilespmem:s11+$0xA600] =	vst v0  }
0x157: {  	v16 =	vld [tilespmem:s11+$0xA700];
	[tilespmem:s11+$0xA700] =	vst v0;
	v9 =	vadd.s32 v9, v10  }
0x158: {  	v17 =	vld [tilespmem:s11+$0xA800];
	[tilespmem:s11+$0xA800] =	vst v0;
	v9 =	vadd.s32 v11, v9  }
0x159: {  	v10 =	vld [tilespmem:s11+$0xA900];
	[tilespmem:s11+$0xA900] =	vst v0;
	v9 =	vadd.s32 v12, v9  }
0x15a: {  	(v2sf) =	vpush v8, $0x0;
	v11 =	vld [tilespmem:s11+$0xAA00];
	[tilespmem:s11+$0xAA00] =	vst v0;
	v8 =	vadd.s32 v13, v9  }
0x15b: {  	(v2sf) =	vpush v7, $0x0;
	v12 =	vld [tilespmem:s11+$0xAB00];
	[tilespmem:s11+$0xAB00] =	vst v0;
	v7 =	vadd.s32 v14, v8  }
0x15c: {  	v9 =	vld [tilespmem:s11+$0xAC00];
	[tilespmem:s11+$0xAC00] =	vst v0;
	v7 =	vadd.s32 v15, v7  }
0x15d: {  	v13 =	vld [tilespmem:s11+$0xAE00];
	[tilespmem:s11+$0xAE00] =	vst v0;
	v7 =	vadd.s32 v16, v7  }
0x15e: {  	v8 =	vld [tilespmem:s11+$0xAD00];
	[tilespmem:s11+$0xAD00] =	vst v0;
	v7 =	vadd.s32 v17, v7  }
0x15f: {  	s25 =	simm.s32 $0xA010;
	s26 =	simm.s32 $0x10;
	v14 =	vld [tilespmem:s11+$0xAF00];
	[tilespmem:s11+$0xAF00] =	vst v0;
	v7 =	vadd.s32 v10, v7  }
0x160: {  	s31 =	sand.u32 $0xF0, s26;
	v10 =	vld [tilespmem:s25+$0x0];
	[tilespmem:s25+$0x0] =	vst v0;
	v7 =	vadd.s32 v11, v7  }
0x161: {  	v11 =	vld [tilespmem:s31+$0xA100];
	v7 =	vadd.s32 v12, v7  }
0x162: {  	v15 =	vld [tilespmem:s31+$0xA600];
	v7 =	vadd.s32 v9, v7  }
0x163: {  	v16 =	vld [tilespmem:s31+$0xA700];
	v7 =	vadd.s32 v8, v7  }
0x164: {  	v17 =	vld [tilespmem:s31+$0xA800];
	v7 =	vadd.s32 v13, v7  }
0x165: {  	v9 =	vld [tilespmem:s31+$0xA200];
	v13 =	vadd.s32 v14, v7  }
0x166: {  	v8 =	vld [tilespmem:s31+$0xA300];
	(xrf0) =	vadd.scan.msk.s32 $0xffff, v13  }
0x167: {  	[tilespmem:s31+$0xA100] =	vst v0;
	v12 =	vld [tilespmem:s31+$0xA400]  }
0x168: {  	[tilespmem:s31+$0xA600] =	vst v0;
	v14 =	vld [tilespmem:s31+$0xA500]  }
0x169: {  	s28 =	spop (v2sf);
	[tilespmem:s31+$0xA700] =	vst v0;
	v18 =	vld [tilespmem:s31+$0xAB00];
	v7 =	vadd.s32 v10, v11  }
0x16a: {  	s25 =	spop (v2sf);
	[tilespmem:s31+$0xA800] =	vst v0;
	v19 =	vld [tilespmem:s31+$0xAC00];
	v7 =	vadd.s32 v9, v7  }
0x16b: {  	s29 =	sadd.s32 s25, s28;
	[tilespmem:s31+$0xAB00] =	vst v0;
	v20 =	vld [tilespmem:s31+$0xAD00];
	v8 =	vadd.s32 v8, v7  }
0x16c: {  	[tilespmem:s31+$0xAC00] =	vst v0;
	v63 =	vld [tilespmem:s31+$0xAE00];
	s28 =	ssub.s32 s28, s29;
	v7 =	vimm.s32 $0x0;
	v8 =	vadd.s32 v12, v8;
	v12, _, _ =	vpop (xrf0)  }
0x16d: {  	v22 =	vimm.s32 $0xFFFFFFFF;
	[tilespmem:s31+$0xAD00] =	vst v0;
	s28 =	sadd.s32 $0x1F5C, s28;
	v11 =	vld [tilespmem:s31+$0xA900];
	v10 =	vadd.s32 v14, v8;
	v14 =	vadd.s32 v7, v12  }
0x16e: {  	[tilespmem:s31+$0xAE00] =	vst v0;
	v9 =	vld [tilespmem:s31+$0xAA00];
	v8 =	vmov s28;
	v15 =	vadd.s32 v15, v10;
	v10 =	vperm.xlane v14, v3  }
0x16f: {  	vm1 =	vlt.s32 v22, $0x0;
	v23 =	vld [tilespmem:s31+$0xAF00];
	[tilespmem:s31+$0xAF00] =	vst v0;
	vm0 =	vgt.s32 v14, v8  }
0x170: {  	[tilespmem:s31+$0xA400] =	vst v0;
	v14 =	vadd.s32 v16, v15;
	v24 =	vmctz.xlane vm0;
	vm0 =	vgt.s32 v10, v8  }
0x171: {  	[tilespmem:s31+$0xA200] =	vst v0;
	v14 =	vadd.s32 v17, v14;
	vm0 =	vmand vm1, vm0  }
0x172: {  	[tilespmem:s31+$0xA300] =	vst v0;
	v11 =	vadd.s32 v11, v14;
	v14 =	vnsel vm0, $0x0, v24  }
0x173: {  	[tilespmem:s31+$0xA500] =	vst v0;
	v9 =	vadd.s32 v9, v11;
	v11 =	vshrl.u32 v14, $0x1B  }
0x174: {  	[tilespmem:s31+$0xA900] =	vst v0;
	v9 =	vadd.s32 v18, v9;
	v11 =	vand.u32 $0x10, v11  }
0x175: {  	s30 =	simm.s32 $0xA020;
	[tilespmem:s31+$0xAA00] =	vst v0;
	s28 =	simm.s32 $0x20;
	v9 =	vadd.s32 v19, v9;
	v11 =	vadd.s32 v14, v11  }
0x176: {  	s29 =	sand.u32 $0xF0, s28;
	v15 =	vld [tilespmem:s30+$0x0];
	[tilespmem:s30+$0x0] =	vst v0;
	v9 =	vadd.s32 v20, v9;
	v14 =	vperm.xlane v13, v11;
	v11 =	vperm.xlane v12, v11  }
0x177: {  	v16 =	vld [tilespmem:s29+$0xA100];
	[tilespmem:s29+$0xA100] =	vst v0;
	v9 =	vadd.s32 v63, v9  }
0x178: {  	v17 =	vld [tilespmem:s29+$0xA200];
	[tilespmem:s29+$0xA200] =	vst v0;
	v12 =	vadd.s32 v23, v9  }
0x179: {  	v18 =	vld [tilespmem:s29+$0xA300];
	[tilespmem:s29+$0xA300] =	vst v0;
	v13 =	vadd.s32 s0, v24;
	(xrf0) =	vadd.scan.msk.s32 $0xffff, v12;
	v20 =	vsub.s32 v7, v14  }
0x17a: {  	v19 =	vld [tilespmem:s29+$0xA400];
	s0 =	simm.s32 $0x30;
	v13 =	vsel vm0, v13, v22;
	v9 =	vsel vm0, v14, v7;
	v14 =	vadd.s32 v11, v20;
	v11 =	vmovc v10  }
.LBB2_13:
0x17b: {  	p2 =	sne.s32 s0, $0xF0;
	[tilespmem:s29+$0xA400] =	vst v0;
	v20 =	vld [tilespmem:s29+$0xA500];
	v7 =	vsel vm0, v14, v7;
	s1 =	smov.u32 s0;
	s0 =	sadd.s32 $0x10, s0  }
0x17c: {  	v14 =	vadd.s32 v15, v16;
	[tilespmem:s29+$0xA500] =	vst v0;
	v15 =	vld [tilespmem:s29+$0xA600]  }
0x17d: {  	v14 =	vadd.s32 v17, v14;
	[tilespmem:s29+$0xA600] =	vst v0;
	v16 =	vld [tilespmem:s29+$0xA700]  }
0x17e: {  	v14 =	vadd.s32 v18, v14;
	[tilespmem:s29+$0xA700] =	vst v0;
	v17 =	vld [tilespmem:s29+$0xA800]  }
0x17f: {  	v14 =	vadd.s32 v19, v14;
	[tilespmem:s29+$0xA800] =	vst v0;
	v18 =	vld [tilespmem:s29+$0xA900];
	v19, _, _ =	vpop (xrf0)  }
0x180: {  	v14 =	vadd.s32 v20, v14;
	[tilespmem:s29+$0xA900] =	vst v0;
	v20 =	vld [tilespmem:s29+$0xAA00];
	v10 =	vadd.s32 v10, v19  }
0x181: {  	v14 =	vadd.s32 v15, v14;
	[tilespmem:s29+$0xAA00] =	vst v0;
	v15 =	vld [tilespmem:s29+$0xAB00];
	vm0 =	vgt.s32 v10, v8;
	v10 =	vperm.xlane v10, v3  }
0x182: {  	vm1 =	vlt.s32 v13, $0x0;
	v14 =	vadd.s32 v16, v14;
	[tilespmem:s29+$0xAB00] =	vst v0;
	v16 =	vld [tilespmem:s29+$0xAC00]  }
0x183: {  	v21 =	vmctz.xlane vm0;
	v14 =	vadd.s32 v17, v14;
	[tilespmem:s29+$0xAC00] =	vst v0;
	v17 =	vld [tilespmem:s29+$0xAD00];
	vm0 =	vgt.s32 v10, v8  }
0x184: {  	v14 =	vadd.s32 v18, v14;
	[tilespmem:s29+$0xAD00] =	vst v0;
	v18 =	vld [tilespmem:s29+$0xAE00];
	vm0 =	vmand vm1, vm0  }
0x185: {  	v14 =	vadd.s32 v20, v14;
	[tilespmem:s29+$0xAE00] =	vst v0;
	v20 =	vld [tilespmem:s29+$0xAF00];
	v22 =	vnsel vm0, $0x0, v21;
	v21 =	vadd.s32 s26, v21;
	s26 =	smov.u32 s28;
	s28 =	smov.u32 s1  }
0x186: {  	s30 =	sadd.s32 $0x10, s30;
	v14 =	vadd.s32 v15, v14;
	[tilespmem:s29+$0xAF00] =	vst v0;
	v23 =	vshrl.u32 v22, $0x1B;
	v13 =	vsel vm0, v21, v13  }
0x187: {  	v15 =	vld [tilespmem:s30+$0x0];
	v14 =	vadd.s32 v16, v14;
	v16 =	vand.u32 $0x10, v23  }
.Ltmp9:
0x188: {  	s29 =	sand.u32 $0xF0, s28;
	[tilespmem:s30+$0x0] =	vst v0;
	v14 =	vadd.s32 v17, v14;
	v17 =	vadd.s32 v22, v16;
	(pc) =	sbr.rel @p2 .LBB2_13-.Ltmp9, $4  }
0x189: {  	v16 =	vld [tilespmem:s29+$0xA100];
	v14 =	vadd.s32 v18, v14;
	v21 =	vperm.xlane v12, v17;
	v22 =	vperm.xlane v19, v17  }
0x18a: {  	[tilespmem:s29+$0xA100] =	vst v0;
	v17 =	vld [tilespmem:s29+$0xA200];
	v12 =	vadd.s32 v20, v14  }
0x18b: {  	[tilespmem:s29+$0xA200] =	vst v0;
	v18 =	vld [tilespmem:s29+$0xA300];
	(xrf0) =	vadd.scan.msk.s32 $0xffff, v12;
	v14 =	vsub.s32 v11, v21;
	v9 =	vsel vm0, v21, v9;
	v11 =	vmovc v10  }
0x18c: {  	[tilespmem:s29+$0xA300] =	vst v0;
	v19 =	vld [tilespmem:s29+$0xA400];
	v14 =	vadd.s32 v22, v14  }
0x18d: {  	v20 =	vld [tilespmem:s29+$0xA500]  }
0x18e: {  	v21 =	vld [tilespmem:s29+$0xA600];
	v15 =	vadd.s32 v15, v16  }
0x18f: {  	v22 =	vld [tilespmem:s29+$0xA700];
	v15 =	vadd.s32 v17, v15  }
0x190: {  	v23 =	vld [tilespmem:s29+$0xA800];
	v15 =	vadd.s32 v18, v15  }
0x191: {  	v24 =	vld [tilespmem:s29+$0xA900];
	v15 =	vadd.s32 v19, v15  }
0x192: {  	v25 =	vld [tilespmem:s29+$0xAA00];
	v15 =	vadd.s32 v20, v15  }
0x193: {  	v16 =	vld [tilespmem:s29+$0xAB00];
	v15 =	vadd.s32 v21, v15  }
0x194: {  	v17 =	vld [tilespmem:s29+$0xAC00];
	v15 =	vadd.s32 v22, v15  }
0x195: {  	v18 =	vld [tilespmem:s29+$0xAD00];
	v15 =	vadd.s32 v23, v15  }
0x196: {  	v19 =	vld [tilespmem:s29+$0xAE00];
	v15 =	vadd.s32 v24, v15  }
0x197: {  	v20 =	vld [tilespmem:s29+$0xAF00];
	v15 =	vadd.s32 v25, v15  }
0x198: {  	v15 =	vadd.s32 v16, v15  }
0x199: {  	v15 =	vadd.s32 v17, v15  }
0x19a: {  	v15 =	vadd.s32 v18, v15  }
0x19b: {  	v15 =	vadd.s32 v19, v15  }
0x19c: {  	v15 =	vadd.s32 v20, v15  }
0x19d: {  	(xrf0) =	vadd.scan.msk.s32 $0xffff, v15;
	_ =	sdelay $0x1  }
0x19e: {  	v16, _, _ =	vpop (xrf0)  }
0x19f: {  	v10 =	vadd.s32 v10, v16  }
0x1a0: {  	v17 =	vperm.xlane v10, v3  }
0x1a1: {  	vm1 =	vgt.s32 v10, v8  }
0x1a2: {  	vm2 =	vlt.s32 v13, $0x0;
	v10 =	vmctz.xlane vm1;
	vm1 =	vgt.s32 v17, v8;
	v18, _, _ =	vpop (xrf0)  }
0x1a3: {  	vm2 =	vmand vm2, vm1;
	v19 =	vadd.s32 v17, v18  }
0x1a4: {  	v20 =	vadd.s32 s26, v10;
	vm1 =	vgt.s32 v19, v8;
	v19 =	vperm.xlane v19, v3  }
0x1a5: {  	[tilespmem:s29+$0xA400] =	vst v0;
	v13 =	vsel vm2, v20, v13;
	v20 =	vmctz.xlane vm1  }
0x1a6: {  	[tilespmem:s29+$0xA500] =	vst v0;
	vm1 =	vlt.s32 v13, $0x0;
	vm3 =	vgt.s32 v19, v8  }
0x1a7: {  	[tilespmem:s29+$0xA600] =	vst v0;
	vm1 =	vmand vm1, vm3;
	v8 =	vadd.s32 s28, v20  }
0x1a8: {  	[tilespmem:s29+$0xA700] =	vst v0;
	(v2sf) =	vpush v6, $0x0;
	v8 =	vsel vm1, v8, v13  }
0x1a9: {  	[tilespmem:s29+$0xA800] =	vst v0;
	(v2sf) =	vpush v8, $0x0  }
0x1aa: {  	[tilespmem:s29+$0xA900] =	vst v0  }
0x1ab: {  	[tilespmem:s29+$0xAA00] =	vst v0  }
0x1ac: {  	[tilespmem:s29+$0xAB00] =	vst v0  }
0x1ad: {  	[tilespmem:s29+$0xAC00] =	vst v0  }
0x1ae: {  	[tilespmem:s29+$0xAD00] =	vst v0;
	v6 =	vnsel vm2, $0x0, v10  }
0x1af: {  	[tilespmem:s29+$0xAE00] =	vst v0;
	v8 =	vshrl.u32 v6, $0x1B  }
0x1b0: {  	s1 =	simm.s32 $0x8040;
	[tilespmem:s29+$0xAF00] =	vst v0;
	v10 =	vnsel vm1, $0x0, v20;
	v8 =	vand.u32 $0x10, v8  }
0x1b1: {  	v13 =	vld [tilespmem:s1+$0xFFFFFFC0];
	v6 =	vadd.s32 v6, v8;
	v8 =	vshrl.u32 v10, $0x1B  }
0x1b2: {  	v12 =	vperm.xlane v12, v6;
	v8 =	vand.u32 $0x10, v8;
	v6 =	vperm.xlane v16, v6;
	v16 =	vld [tilespmem:s1+$0x20]  }
0x1b3: {  	v21 =	vld [tilespmem:s1+$0xFFFFFFE0];
	v8 =	vadd.s32 v10, v8  }
0x1b4: {  	v7 =	vsel vm0, v14, v7;
	v10 =	vld [tilespmem:s1+$0x30];
	v11 =	vsub.s32 v11, v12;
	v14 =	vperm.xlane v15, v8  }
0x1b5: {  	v9 =	vsel vm2, v12, v9;
	v8 =	vperm.xlane v18, v8;
	v6 =	vadd.s32 v6, v11  }
0x1b6: {  	v15 =	vld [tilespmem:s1+$0xFFFFFFF0];
	v12 =	vshrl.u32 v13, $0x10;
	v7 =	vsel vm2, v6, v7;
	v11 =	vsub.s32 v17, v14  }
0x1b7: {  	s0 =	spop (v2sf);
	v6 =	vsel vm1, v14, v9;
	v17 =	vld [tilespmem:s1+$0x0];
	v11 =	vadd.s32 v8, v11;
	v19 =	vshrl.u32 v16, $0x8  }
0x1b8: {  	s0 =	sshll.u32 s0, $0x8;
	v9 =	vld [tilespmem:s1+$0x10];
	v22 =	vshrl.u32 v16, $0x10;
	v16 =	vshrl.u32 v21, $0x10;
	v7 =	vsel vm1, v11, v7;
	s31 =	spop (v2sf)  }
0x1b9: {  	v11 =	vshrl.u32 v13, $0x8;
	v14 =	vshrl.u32 v10, $0x10;
	v10 =	vshrl.u32 v10, $0x8;
	s26 =	sor.u32 s0, s31  }
0x1ba: {  	v11 =	vand.u32 $0xFF, v11;
	v10 =	vand.u32 $0xFF, v10;
	v8 =	vmov s26  }
0x1bb: {  	v13 =	vor.u32 v1, v11;
	v10 =	vor.u32 v1, v10;
	vm1 =	veq.s32 v12, v8  }
0x1bc: {  	v11 =	vshrl.u32 v17, $0x10;
	v20 =	vshrl.u32 v17, $0x8;
	v17 =	vld [tilespmem:s1+$0xFFFFFFD0];
	v12 =	vshrl.u32 v15, $0x10  }
0x1bd: {  	v15 =	vshrl.u32 v15, $0x8;
	vm0 =	veq.s32 v14, v8;
	v14 =	vshrl.u32 v9, $0x8  }
0x1be: {  	s1 =	simm.s32 $0x80C0;
	s0 =	simm.s32 $0x0;
	vm2 =	veq.s32 v22, v8;
	v18 =	vand.u32 $0xFF, v15;
	v15 =	vshrl.u32 v21, $0x8  }
.LBB2_15:
0x1bf: {  	v21 =	vld [tilespmem:s1+$0xFFFFFFC0];
	s0 =	sadd.s32 $0x8, s0;
	v20 =	vand.u32 $0xFF, v20;
	v19 =	vand.u32 $0xFF, v19  }
0x1c0: {  	vm6 =	veq.s32 v12, v8;
	v22 =	vld [tilespmem:s1+$0x20];
	p2 =	slt.u32 s0, $0x1F8;
	v20 =	vor.u32 v1, v20;
	v12 =	vor.u32 v1, v19  }
0x1c1: {  	v9 =	vshrl.u32 v9, $0x10;
	[tilespmem:v13+s18+$0x0] =	vst.idx.add.s32.msk vm1, v2;
	v13 =	vshrl.u32 v17, $0x8;
	v17 =	vshrl.u32 v17, $0x10  }
0x1c2: {  	v19 =	vld [tilespmem:s1+$0x30];
	vm5 =	veq.s32 v17, v8;
	v13 =	vand.u32 $0xFF, v13;
	v17 =	vor.u32 v1, v18  }
0x1c3: {  	vm3 =	veq.s32 v9, v8;
	v18 =	vld [tilespmem:s1+$0xFFFFFFF0];
	v23 =	vor.u32 v1, v13;
	v13 =	vand.u32 $0xFF, v14  }
0x1c4: {  	v9 =	vld [tilespmem:s1+$0x10];
	v24 =	vor.u32 v1, v13  }
0x1c5: {  	v25 =	vld [tilespmem:s1+$0x0]  }
0x1c6: {  	vm4 =	veq.s32 v16, v8;
	vm7 =	veq.s32 v11, v8;
	v13 =	vand.u32 $0xFF, v15;
	[tilespmem:v12+s18+$0x0] =	vst.idx.add.s32.msk vm2, v2  }
0x1c7: {  	v11 =	vshrl.u32 v21, $0x8;
	v12 =	vshrl.u32 v21, $0x10;
	v21 =	vor.u32 v1, v13;
	[tilespmem:v10+s18+$0x0] =	vst.idx.add.s32.msk vm0, v2  }
0x1c8: {  	vm1 =	veq.s32 v12, v8;
	v10 =	vshrl.u32 v19, $0x10;
	v12 =	vshrl.u32 v18, $0x10;
	[tilespmem:v17+s18+$0x0] =	vst.idx.add.s32.msk vm6, v2  }
0x1c9: {  	v11 =	vand.u32 $0xFF, v11;
	v14 =	vshrl.u32 v19, $0x8;
	v16 =	vld [tilespmem:s1+$0xFFFFFFE0]  }
.Ltmp10:
0x1ca: {  	v13 =	vor.u32 v1, v11;
	v15 =	vshrl.u32 v18, $0x8;
	v17 =	vld [tilespmem:s1+$0xFFFFFFD0];
	v11 =	vshrl.u32 v25, $0x10;
	(pc) =	sbr.rel @p2 .LBB2_15-.Ltmp10, $4  }
0x1cb: {  	v19 =	vshrl.u32 v22, $0x8;
	vm0 =	veq.s32 v10, v8;
	v10 =	vand.u32 $0xFF, v14;
	[tilespmem:v23+s18+$0x0] =	vst.idx.add.s32.msk vm5, v2  }
0x1cc: {  	v22 =	vshrl.u32 v22, $0x10;
	v14 =	vshrl.u32 v9, $0x8;
	v10 =	vor.u32 v1, v10;
	[tilespmem:v20+s18+$0x0] =	vst.idx.add.s32.msk vm7, v2  }
0x1cd: {  	v18 =	vand.u32 $0xFF, v15;
	v20 =	vshrl.u32 v25, $0x8;
	[tilespmem:v24+s18+$0x0] =	vst.idx.add.s32.msk vm3, v2  }
0x1ce: {  	vm2 =	veq.s32 v22, v8;
	s1 =	sadd.s32 $0x80, s1;
	v15 =	vshrl.u32 v16, $0x8;
	v16 =	vshrl.u32 v16, $0x10;
	[tilespmem:v21+s18+$0x0] =	vst.idx.add.s32.msk vm4, v2  }
0x1cf: {  	_ = 	snop  }
0x1d0: {  	v19 =	vand.u32 $0xFF, v19;
	v20 =	vand.u32 $0xFF, v20;
	vm3 =	veq.s32 v12, v8  }
0x1d1: {  	v12 =	vshrl.u32 v17, $0x8;
	v17 =	vshrl.u32 v17, $0x10;
	v19 =	vor.u32 v1, v19  }
0x1d2: {  	vm5 =	veq.s32 v11, v8;
	vm4 =	veq.s32 v17, v8;
	v17 =	vor.u32 v1, v18  }
0x1d3: {  	v9 =	vshrl.u32 v9, $0x10;
	v12 =	vand.u32 $0xFF, v12;
	v11 =	vor.u32 v1, v20  }
0x1d4: {  	[tilespmem:v13+s18+$0x0] =	vst.idx.add.s32.msk vm1, v2;
	vm1 =	veq.s32 v9, v8;
	v9 =	vand.u32 $0xFF, v14;
	v12 =	vor.u32 v1, v12  }
0x1d5: {  	vm6 =	veq.s32 v16, v8;
	[tilespmem:v10+s18+$0x0] =	vst.idx.add.s32.msk vm0, v2;
	v8 =	vand.u32 $0xFF, v15;
	v9 =	vor.u32 v1, v9  }
0x1d6: {  	v8 =	vor.u32 v1, v8;
	[tilespmem:v19+s18+$0x0] =	vst.idx.add.s32.msk vm2, v2  }
0x1d7: {  	[tilespmem:v17+s18+$0x0] =	vst.idx.add.s32.msk vm3, v2  }
0x1d8: {  	[tilespmem:v11+s18+$0x0] =	vst.idx.add.s32.msk vm5, v2  }
0x1d9: {  	[tilespmem:v12+s18+$0x0] =	vst.idx.add.s32.msk vm4, v2  }
0x1da: {  	[tilespmem:v9+s18+$0x0] =	vst.idx.add.s32.msk vm1, v2  }
0x1db: {  	s1 =	simm.s32 $0xA000;
	s0 =	simm.s32 $0x0;
	[tilespmem:v8+s18+$0x0] =	vst.idx.add.s32.msk vm6, v2  }
0x1dc: {  	s11 =	sand.u32 $0xF0, s0;
	v8 =	vld [tilespmem:s1+$0x0];
	[tilespmem:s1+$0x0] =	vst v0  }
0x1dd: {  	v9 =	vld [tilespmem:s11+$0xA100]  }
0x1de: {  	[tilespmem:s11+$0xA100] =	vst v0;
	v10 =	vld [tilespmem:s11+$0xA200]  }
0x1df: {  	[tilespmem:s11+$0xA200] =	vst v0;
	v11 =	vld [tilespmem:s11+$0xA300]  }
0x1e0: {  	[tilespmem:s11+$0xA300] =	vst v0;
	v12 =	vld [tilespmem:s11+$0xA400]  }
0x1e1: {  	[tilespmem:s11+$0xA400] =	vst v0;
	v13 =	vld [tilespmem:s11+$0xA500]  }
0x1e2: {  	[tilespmem:s11+$0xA500] =	vst v0;
	v14 =	vld [tilespmem:s11+$0xA600]  }
0x1e3: {  	[tilespmem:s11+$0xA600] =	vst v0;
	v15 =	vld [tilespmem:s11+$0xA700];
	v8 =	vadd.s32 v8, v9  }
0x1e4: {  	(v2sf) =	vpush v6, $0x0;
	[tilespmem:s11+$0xA700] =	vst v0;
	v16 =	vld [tilespmem:s11+$0xA800];
	v8 =	vadd.s32 v10, v8  }
0x1e5: {  	(v2sf) =	vpush v7, $0x0;
	[tilespmem:s11+$0xA800] =	vst v0;
	v7 =	vld [tilespmem:s11+$0xAE00];
	v8 =	vadd.s32 v11, v8  }
0x1e6: {  	[tilespmem:s11+$0xAE00] =	vst v0;
	v9 =	vld [tilespmem:s11+$0xA900];
	v8 =	vadd.s32 v12, v8  }
0x1e7: {  	[tilespmem:s11+$0xA900] =	vst v0;
	v10 =	vld [tilespmem:s11+$0xAA00];
	v6 =	vadd.s32 v13, v8  }
0x1e8: {  	[tilespmem:s11+$0xAA00] =	vst v0;
	v11 =	vld [tilespmem:s11+$0xAB00];
	v6 =	vadd.s32 v14, v6  }
0x1e9: {  	[tilespmem:s11+$0xAB00] =	vst v0;
	v12 =	vld [tilespmem:s11+$0xAC00];
	v6 =	vadd.s32 v15, v6  }
0x1ea: {  	[tilespmem:s11+$0xAC00] =	vst v0;
	v8 =	vld [tilespmem:s11+$0xAD00];
	v6 =	vadd.s32 v16, v6  }
0x1eb: {  	[tilespmem:s11+$0xAD00] =	vst v0;
	v6 =	vadd.s32 v9, v6  }
0x1ec: {  	s30 =	simm.s32 $0x10;
	v13 =	vld [tilespmem:s11+$0xAF00];
	[tilespmem:s11+$0xAF00] =	vst v0;
	s11 =	simm.s32 $0xA010;
	v6 =	vadd.s32 v10, v6  }
0x1ed: {  	v9 =	vld [tilespmem:s11+$0x0];
	[tilespmem:s11+$0x0] =	vst v0;
	s11 =	sand.u32 $0xF0, s30;
	v6 =	vadd.s32 v11, v6  }
0x1ee: {  	v10 =	vld [tilespmem:s11+$0xA100];
	v6 =	vadd.s32 v12, v6  }
0x1ef: {  	v14 =	vld [tilespmem:s11+$0xA600];
	v6 =	vadd.s32 v8, v6  }
0x1f0: {  	v15 =	vld [tilespmem:s11+$0xA700];
	v6 =	vadd.s32 v7, v6  }
0x1f1: {  	v11 =	vld [tilespmem:s11+$0xA200];
	v12 =	vadd.s32 v13, v6  }
0x1f2: {  	v8 =	vld [tilespmem:s11+$0xA300];
	(xrf0) =	vadd.scan.msk.s32 $0xffff, v12  }
0x1f3: {  	[tilespmem:s11+$0xA100] =	vst v0;
	v7 =	vld [tilespmem:s11+$0xA400]  }
0x1f4: {  	[tilespmem:s11+$0xA600] =	vst v0;
	v13 =	vld [tilespmem:s11+$0xA500]  }
0x1f5: {  	[tilespmem:s11+$0xA700] =	vst v0;
	v16 =	vld [tilespmem:s11+$0xA800];
	v6 =	vadd.s32 v9, v10  }
0x1f6: {  	s28 =	sadd.s32 $0xFFFFE0A4, s25;
	s31 =	spop (v2sf);
	[tilespmem:s11+$0xA800] =	vst v0;
	v18 =	vld [tilespmem:s11+$0xAC00];
	v6 =	vadd.s32 v11, v6  }
0x1f7: {  	s29 =	spop (v2sf);
	s25 =	sadd.s32 s31, s28;
	[tilespmem:s11+$0xAC00] =	vst v0;
	v19 =	vld [tilespmem:s11+$0xAD00];
	v8 =	vadd.s32 v8, v6  }
0x1f8: {  	s25 =	sadd.s32 s29, s25;
	[tilespmem:s11+$0xAD00] =	vst v0;
	v20 =	vld [tilespmem:s11+$0xAE00];
	v6 =	vimm.s32 $0x0;
	v7 =	vadd.s32 v7, v8;
	v17, _, _ =	vpop (xrf0)  }
0x1f9: {  	v21 =	vimm.s32 $0xFFFFFFFF;
	s25 =	ssub.s32 s31, s25;
	[tilespmem:s11+$0xAE00] =	vst v0;
	v9 =	vld [tilespmem:s11+$0xA900];
	v8 =	vadd.s32 v13, v7;
	v13 =	vadd.s32 v6, v17  }
0x1fa: {  	[tilespmem:s11+$0xA200] =	vst v0;
	v10 =	vld [tilespmem:s11+$0xAA00];
	v7 =	vmov s25;
	v14 =	vadd.s32 v14, v8;
	v8 =	vperm.xlane v13, v3  }
0x1fb: {  	vm1 =	vlt.s32 v21, $0x0;
	[tilespmem:s11+$0xA300] =	vst v0;
	v11 =	vld [tilespmem:s11+$0xAB00];
	vm0 =	vgt.s32 v13, v7  }
0x1fc: {  	[tilespmem:s11+$0xA400] =	vst v0;
	v13 =	vadd.s32 v15, v14;
	v22 =	vmctz.xlane vm0;
	vm0 =	vgt.s32 v8, v7  }
0x1fd: {  	[tilespmem:s11+$0xA500] =	vst v0;
	v15 =	vadd.s32 v16, v13;
	vm0 =	vmand vm1, vm0  }
0x1fe: {  	[tilespmem:s11+$0xA900] =	vst v0;
	v9 =	vadd.s32 v9, v15;
	v16 =	vnsel vm0, $0x0, v22  }
0x1ff: {  	[tilespmem:s11+$0xAA00] =	vst v0;
	v14 =	vld [tilespmem:s11+$0xAF00];
	v9 =	vadd.s32 v10, v9;
	v10 =	vshrl.u32 v16, $0x1B  }
0x200: {  	[tilespmem:s11+$0xAB00] =	vst v0;
	v9 =	vadd.s32 v11, v9;
	v10 =	vand.u32 $0x10, v10  }
0x201: {  	s1 =	simm.s32 $0xA020;
	s31 =	simm.s32 $0x20;
	[tilespmem:s11+$0xAF00] =	vst v0;
	v9 =	vadd.s32 v18, v9;
	v10 =	vadd.s32 v16, v10  }
0x202: {  	s25 =	sand.u32 $0xF0, s31;
	v13 =	vld [tilespmem:s1+$0x0];
	[tilespmem:s1+$0x0] =	vst v0;
	v9 =	vadd.s32 v19, v9;
	v11 =	vperm.xlane v12, v10  }
0x203: {  	v15 =	vld [tilespmem:s25+$0xA100];
	[tilespmem:s25+$0xA100] =	vst v0;
	v9 =	vadd.s32 v20, v9  }
0x204: {  	v16 =	vld [tilespmem:s25+$0xA200];
	[tilespmem:s25+$0xA200] =	vst v0;
	v19 =	vperm.xlane v17, v10;
	v10 =	vadd.s32 v14, v9  }
0x205: {  	v17 =	vld [tilespmem:s25+$0xA300];
	v12 =	vadd.s32 s0, v22;
	[tilespmem:s25+$0xA300] =	vst v0;
	(xrf0) =	vadd.scan.msk.s32 $0xffff, v10;
	v14 =	vsub.s32 v6, v11  }
0x206: {  	v18 =	vld [tilespmem:s25+$0xA400];
	s0 =	simm.s32 $0x30;
	v12 =	vsel vm0, v12, v21;
	v9 =	vsel vm0, v11, v6;
	v14 =	vadd.s32 v19, v14;
	v11 =	vmovc v8  }
.LBB2_17:
0x207: {  	p2 =	sne.s32 s0, $0xF0;
	[tilespmem:s25+$0xA400] =	vst v0;
	v19 =	vld [tilespmem:s25+$0xA500];
	v6 =	vsel vm0, v14, v6;
	s11 =	smov.u32 s0;
	s0 =	sadd.s32 $0x10, s0  }
0x208: {  	v13 =	vadd.s32 v13, v15;
	[tilespmem:s25+$0xA500] =	vst v0;
	v14 =	vld [tilespmem:s25+$0xA600]  }
0x209: {  	v13 =	vadd.s32 v16, v13;
	[tilespmem:s25+$0xA600] =	vst v0;
	v15 =	vld [tilespmem:s25+$0xA700]  }
0x20a: {  	v13 =	vadd.s32 v17, v13;
	[tilespmem:s25+$0xA700] =	vst v0;
	v16 =	vld [tilespmem:s25+$0xA800]  }
0x20b: {  	v13 =	vadd.s32 v18, v13;
	[tilespmem:s25+$0xA800] =	vst v0;
	v17 =	vld [tilespmem:s25+$0xA900];
	v18, _, _ =	vpop (xrf0)  }
0x20c: {  	v13 =	vadd.s32 v19, v13;
	[tilespmem:s25+$0xA900] =	vst v0;
	v19 =	vld [tilespmem:s25+$0xAA00];
	v8 =	vadd.s32 v8, v18  }
0x20d: {  	v13 =	vadd.s32 v14, v13;
	[tilespmem:s25+$0xAA00] =	vst v0;
	v14 =	vld [tilespmem:s25+$0xAB00];
	vm0 =	vgt.s32 v8, v7;
	v8 =	vperm.xlane v8, v3  }
0x20e: {  	vm1 =	vlt.s32 v12, $0x0;
	v13 =	vadd.s32 v15, v13;
	[tilespmem:s25+$0xAB00] =	vst v0;
	v15 =	vld [tilespmem:s25+$0xAC00]  }
0x20f: {  	v20 =	vmctz.xlane vm0;
	v13 =	vadd.s32 v16, v13;
	[tilespmem:s25+$0xAC00] =	vst v0;
	v16 =	vld [tilespmem:s25+$0xAD00];
	vm0 =	vgt.s32 v8, v7  }
0x210: {  	v13 =	vadd.s32 v17, v13;
	[tilespmem:s25+$0xAD00] =	vst v0;
	v17 =	vld [tilespmem:s25+$0xAE00];
	vm0 =	vmand vm1, vm0  }
0x211: {  	v13 =	vadd.s32 v19, v13;
	[tilespmem:s25+$0xAE00] =	vst v0;
	v19 =	vld [tilespmem:s25+$0xAF00];
	v21 =	vnsel vm0, $0x0, v20;
	v20 =	vadd.s32 s30, v20;
	s30 =	smov.u32 s31;
	s31 =	smov.u32 s11  }
0x212: {  	s1 =	sadd.s32 $0x10, s1;
	v14 =	vadd.s32 v14, v13;
	[tilespmem:s25+$0xAF00] =	vst v0;
	v22 =	vshrl.u32 v21, $0x1B;
	v12 =	vsel vm0, v20, v12  }
0x213: {  	v13 =	vld [tilespmem:s1+$0x0];
	v14 =	vadd.s32 v15, v14;
	v15 =	vand.u32 $0x10, v22  }
.Ltmp11:
0x214: {  	s25 =	sand.u32 $0xF0, s31;
	[tilespmem:s1+$0x0] =	vst v0;
	v14 =	vadd.s32 v16, v14;
	v16 =	vadd.s32 v21, v15;
	(pc) =	sbr.rel @p2 .LBB2_17-.Ltmp11, $4  }
0x215: {  	v15 =	vld [tilespmem:s25+$0xA100];
	v14 =	vadd.s32 v17, v14;
	v20 =	vperm.xlane v10, v16;
	v21 =	vperm.xlane v18, v16  }
0x216: {  	[tilespmem:s25+$0xA100] =	vst v0;
	v16 =	vld [tilespmem:s25+$0xA200];
	v10 =	vadd.s32 v19, v14  }
0x217: {  	[tilespmem:s25+$0xA200] =	vst v0;
	v17 =	vld [tilespmem:s25+$0xA300];
	(xrf0) =	vadd.scan.msk.s32 $0xffff, v10;
	v14 =	vsub.s32 v11, v20;
	v9 =	vsel vm0, v20, v9;
	v11 =	vmovc v8  }
0x218: {  	[tilespmem:s25+$0xA300] =	vst v0;
	v18 =	vld [tilespmem:s25+$0xA400];
	v14 =	vadd.s32 v21, v14  }
0x219: {  	v19 =	vld [tilespmem:s25+$0xA500]  }
0x21a: {  	v20 =	vld [tilespmem:s25+$0xA600];
	v13 =	vadd.s32 v13, v15  }
0x21b: {  	v21 =	vld [tilespmem:s25+$0xA700];
	v13 =	vadd.s32 v16, v13  }
0x21c: {  	v22 =	vld [tilespmem:s25+$0xA800];
	v13 =	vadd.s32 v17, v13  }
0x21d: {  	v23 =	vld [tilespmem:s25+$0xA900];
	v13 =	vadd.s32 v18, v13  }
0x21e: {  	v24 =	vld [tilespmem:s25+$0xAA00];
	v13 =	vadd.s32 v19, v13  }
0x21f: {  	v46 =	vld [tilespmem:s25+$0xAB00];
	v13 =	vadd.s32 v20, v13  }
0x220: {  	v47 =	vld [tilespmem:s25+$0xAC00];
	v13 =	vadd.s32 v21, v13  }
0x221: {  	v48 =	vld [tilespmem:s25+$0xAD00];
	v13 =	vadd.s32 v22, v13  }
0x222: {  	v49 =	vld [tilespmem:s25+$0xAE00];
	v13 =	vadd.s32 v23, v13  }
0x223: {  	v50 =	vld [tilespmem:s25+$0xAF00];
	v13 =	vadd.s32 v24, v13  }
0x224: {  	v13 =	vadd.s32 v46, v13  }
0x225: {  	v13 =	vadd.s32 v47, v13  }
0x226: {  	v13 =	vadd.s32 v48, v13  }
0x227: {  	v13 =	vadd.s32 v49, v13  }
0x228: {  	v13 =	vadd.s32 v50, v13  }
0x229: {  	(xrf0) =	vadd.scan.msk.s32 $0xffff, v13;
	_ =	sdelay $0x1  }
0x22a: {  	v51, _, _ =	vpop (xrf0)  }
0x22b: {  	v8 =	vadd.s32 v8, v51  }
0x22c: {  	v52 =	vperm.xlane v8, v3  }
0x22d: {  	vm1 =	vgt.s32 v8, v7  }
0x22e: {  	vm2 =	vlt.s32 v12, $0x0;
	v8 =	vmctz.xlane vm1;
	vm13 =	vgt.s32 v52, v7;
	v53, _, _ =	vpop (xrf0)  }
0x22f: {  	vm1 =	vmand vm2, vm13;
	v54 =	vadd.s32 v52, v53  }
0x230: {  	v55 =	vnsel vm1, $0x0, v8;
	v8 =	vadd.s32 s30, v8;
	v56 =	vperm.xlane v54, v3  }
0x231: {  	v8 =	vsel vm1, v8, v12;
	vm14 =	vgt.s32 v54, v7  }
0x232: {  	vm3 =	vlt.s32 v8, $0x0;
	v18 =	vmctz.xlane vm14;
	vm15 =	vgt.s32 v56, v7  }
0x233: {  	vm2 =	vmand vm3, vm15  }
0x234: {  	v57 =	vshrl.u32 v55, $0x1B;
	v58 =	vnsel vm2, $0x0, v18  }
0x235: {  	v7 =	vand.u32 $0x10, v57;
	v59 =	vshrl.u32 v58, $0x1B  }
0x236: {  	v7 =	vadd.s32 v55, v7;
	v60 =	vand.u32 $0x10, v59  }
0x237: {  	v10 =	vperm.xlane v10, v7;
	v12 =	vadd.s32 v58, v60  }
0x238: {  	v61 =	vadd.s32 s31, v18;
	v13 =	vperm.xlane v13, v12  }
0x239: {  	v8 =	vsel vm2, v61, v8;
	v9 =	vsel vm1, v10, v9  }
0x23a: {  	(v2sf) =	vpush v8, $0x0;
	v9 =	vsel vm2, v13, v9  }
0x23b: {  	(v2sf) =	vpush v9, $0x0  }
0x23c: {  	v7 =	vperm.xlane v51, v7  }
0x23d: {  	v11 =	vsub.s32 v11, v10;
	v62 =	vperm.xlane v53, v12  }
0x23e: {  	v6 =	vsel vm0, v14, v6;
	v7 =	vadd.s32 v7, v11;
	v63 =	vsub.s32 v52, v13  }
0x23f: {  	v6 =	vsel vm1, v7, v6;
	v7 =	vadd.s32 v62, v63  }
0x240: {  	v6 =	vsel vm2, v7, v6  }
0x241: {  	(v2sf) =	vpush v6, $0x0;
	_ =	sdelay $0x3  }
0x242: {  	[tilespmem:s25+$0xA400] =	vst v0  }
0x243: {  	[tilespmem:s25+$0xA500] =	vst v0  }
0x244: {  	[tilespmem:s25+$0xA600] =	vst v0  }
0x245: {  	[tilespmem:s25+$0xA700] =	vst v0  }
0x246: {  	[tilespmem:s25+$0xA800] =	vst v0;
	s0 =	spop (v2sf)  }
0x247: {  	[tilespmem:s25+$0xA900] =	vst v0;
	s30 =	spop (v2sf)  }
0x248: {  	[tilespmem:s25+$0xAA00] =	vst v0;
	p2 =	sne.s32 s30, $0x1  }
.Ltmp12:
0x249: {  	[tilespmem:s25+$0xAB00] =	vst v0;
	(pc) =	sbr.rel @p2 .LBB2_20-.Ltmp12, $4  }
0x24a: {  	[tilespmem:s25+$0xAC00] =	vst v0  }
0x24b: {  	[tilespmem:s25+$0xAD00] =	vst v0;
	s1 =	sshll.u32 s26, $0x8  }
0x24c: {  	[tilespmem:s25+$0xAE00] =	vst v0;
	s0 =	sor.u32 s1, s0  }
0x24d: {  	[tilespmem:s25+$0xAF00] =	vst v0;
	s25 =	sshll.u32 s0, $0x8;
	s26 =	spop (v2sf)  }
.Ltmp13:
0x24e: {  	(pc) =	sbr.rel .LBB2_25-.Ltmp13, $2  }
0x24f: {  	_ =	sdelay $0x2  }
0x250: {  	p2 =	por $0x1, $0x1;
	s0 =	simm.s32 $0x1  }
.LBB2_20:
0x251: {  	s1 =	simm.s32 $0x8040  }
0x252: {  	v7 =	vld [tilespmem:s1+$0xFFFFFFC0]  }
0x253: {  	v9 =	vld [tilespmem:s1+$0xFFFFFFE0];
	_ =	sdelay $0x2  }
0x254: {  	v11 =	vld [tilespmem:s1+$0xFFFFFFF0]  }
0x255: {  	v6 =	vmov s0;
	v13 =	vld [tilespmem:s1+$0x20];
	v8 =	vshrl.u32 v7, $0x8  }
0x256: {  	v7 =	vand.u32 $0xFF, v7;
	v10 =	vshrl.u32 v9, $0x8;
	vm3 =	veq.s32 v8, v6  }
0x257: {  	v15 =	vld [tilespmem:s1+$0x30];
	v9 =	vand.u32 $0xFF, v9;
	v14 =	vor.u32 v1, v7;
	vm2 =	veq.s32 v10, v6  }
0x258: {  	v7 =	vld [tilespmem:s1+$0xFFFFFFD0];
	v10 =	vor.u32 v1, v9;
	_ =	sdelay $0x1  }
0x259: {  	s28 =	sadd.s32 s29, s28;
	v16 =	vshrl.u32 v13, $0x8;
	v8 =	vand.u32 $0xFF, v11;
	v9 =	vshrl.u32 v11, $0x8;
	v11 =	vld [tilespmem:s1+$0x10]  }
0x25a: {  	s29 =	sadd.s32 s30, s28;
	v12 =	vld [tilespmem:s1+$0x0];
	vm1 =	veq.s32 v16, v6;
	vm0 =	veq.s32 v9, v6;
	v9 =	vand.u32 $0xFF, v13  }
0x25b: {  	s0 =	simm.s32 $0x0;
	s31 =	sadd.s32 s26, s29;
	s1 =	simm.s32 $0x80C0;
	v13 =	vand.u32 $0xFF, v15;
	v9 =	vor.u32 v1, v9;
	[tilespmem:v14+s18+$0x0] =	vst.idx.add.s32.msk vm3, v2;
	v14 =	vshrl.u32 v15, $0x8  }
.LBB2_21:
0x25c: {  	s0 =	sadd.s32 $0x8, s0;
	v15 =	vshrl.u32 v7, $0x8;
	[tilespmem:v10+s18+$0x0] =	vst.idx.add.s32.msk vm2, v2;
	vm3 =	veq.s32 v14, v6  }
0x25d: {  	v7 =	vand.u32 $0xFF, v7;
	v10 =	vor.u32 v1, v8;
	v14 =	vld [tilespmem:s1+$0xFFFFFFF0];
	p2 =	slt.u32 s0, $0x1F8;
	vm4 =	veq.s32 v15, v6  }
0x25e: {  	v13 =	vor.u32 v1, v13;
	v16 =	vor.u32 v1, v7;
	v15 =	vld [tilespmem:s1+$0xFFFFFFE0];
	v7 =	vshrl.u32 v11, $0x8  }
0x25f: {  	v17 =	vld [tilespmem:s1+$0xFFFFFFC0];
	v8 =	vshrl.u32 v12, $0x8;
	vm5 =	veq.s32 v7, v6;
	v7 =	vand.u32 $0xFF, v11  }
0x260: {  	v18 =	vld [tilespmem:s1+$0x30];
	vm6 =	veq.s32 v8, v6;
	v8 =	vand.u32 $0xFF, v12;
	v11 =	vor.u32 v1, v7  }
0x261: {  	v19 =	vld [tilespmem:s1+$0x20];
	v12 =	vor.u32 v1, v8  }
0x262: {  	v7 =	vld [tilespmem:s1+$0xFFFFFFD0];
	v8 =	vand.u32 $0xFF, v14  }
0x263: {  	[tilespmem:v10+s18+$0x0] =	vst.idx.add.s32.msk vm0, v2  }
0x264: {  	v20 =	vshrl.u32 v15, $0x8;
	v15 =	vand.u32 $0xFF, v15;
	v10 =	vshrl.u32 v17, $0x8;
	[tilespmem:v9+s18+$0x0] =	vst.idx.add.s32.msk vm1, v2  }
0x265: {  	v9 =	vand.u32 $0xFF, v17;
	vm2 =	veq.s32 v20, v6;
	vm7 =	veq.s32 v10, v6;
	[tilespmem:v11+s18+$0x0] =	vst.idx.add.s32.msk vm5, v2  }
0x266: {  	v9 =	vor.u32 v1, v9;
	v10 =	vor.u32 v1, v15;
	[tilespmem:v12+s18+$0x0] =	vst.idx.add.s32.msk vm6, v2  }
.Ltmp14:
0x267: {  	v11 =	vshrl.u32 v14, $0x8;
	[tilespmem:v13+s18+$0x0] =	vst.idx.add.s32.msk vm3, v2;
	(pc) =	sbr.rel @p2 .LBB2_21-.Ltmp14, $4  }
0x268: {  	vm0 =	veq.s32 v11, v6;
	[tilespmem:v16+s18+$0x0] =	vst.idx.add.s32.msk vm4, v2  }
0x269: {  	v13 =	vshrl.u32 v19, $0x8;
	v11 =	vld [tilespmem:s1+$0x10]  }
0x26a: {  	vm1 =	veq.s32 v13, v6;
	v13 =	vand.u32 $0xFF, v19;
	v12 =	vld [tilespmem:s1+$0x0]  }
0x26b: {  	v14 =	vshrl.u32 v18, $0x8;
	s1 =	sadd.s32 $0x80, s1;
	[tilespmem:v9+s18+$0x0] =	vst.idx.add.s32.msk vm7, v2;
	v9 =	vor.u32 v1, v13;
	v13 =	vand.u32 $0xFF, v18  }
0x26c: {  	_ = 	snop  }
0x26d: {  	v8 =	vor.u32 v1, v8  }
0x26e: {  	vm5 =	veq.s32 v14, v6;
	v15 =	vshrl.u32 v11, $0x8;
	v11 =	vand.u32 $0xFF, v11  }
0x26f: {  	v16 =	vshrl.u32 v12, $0x8;
	vm3 =	veq.s32 v15, v6;
	v12 =	vand.u32 $0xFF, v12  }
0x270: {  	v11 =	vor.u32 v1, v11;
	v15 =	vshrl.u32 v7, $0x8;
	vm4 =	veq.s32 v16, v6  }
0x271: {  	[tilespmem:v10+s18+$0x0] =	vst.idx.add.s32.msk vm2, v2;
	vm2 =	veq.s32 v15, v6;
	v6 =	vand.u32 $0xFF, v7;
	v7 =	vor.u32 v1, v13  }
0x272: {  	v12 =	vor.u32 v1, v12  }
0x273: {  	[tilespmem:v9+s18+$0x0] =	vst.idx.add.s32.msk vm1, v2;
	v6 =	vor.u32 v1, v6  }
0x274: {  	[tilespmem:v8+s18+$0x0] =	vst.idx.add.s32.msk vm0, v2  }
0x275: {  	[tilespmem:v11+s18+$0x0] =	vst.idx.add.s32.msk vm3, v2  }
0x276: {  	[tilespmem:v7+s18+$0x0] =	vst.idx.add.s32.msk vm5, v2  }
0x277: {  	[tilespmem:v12+s18+$0x0] =	vst.idx.add.s32.msk vm4, v2  }
0x278: {  	s0 =	simm.s32 $0xA000;
	s1 =	simm.s32 $0x0;
	[tilespmem:v6+s18+$0x0] =	vst.idx.add.s32.msk vm2, v2  }
0x279: {  	s11 =	sand.u32 $0xF0, s1;
	v6 =	vld [tilespmem:s0+$0x0];
	[tilespmem:s0+$0x0] =	vst v0  }
0x27a: {  	v7 =	vld [tilespmem:s11+$0xA100];
	[tilespmem:s11+$0xA100] =	vst v0  }
0x27b: {  	v8 =	vld [tilespmem:s11+$0xA200];
	[tilespmem:s11+$0xA200] =	vst v0  }
0x27c: {  	v9 =	vld [tilespmem:s11+$0xA300];
	[tilespmem:s11+$0xA300] =	vst v0  }
0x27d: {  	v10 =	vld [tilespmem:s11+$0xA400];
	[tilespmem:s11+$0xA400] =	vst v0  }
0x27e: {  	v11 =	vld [tilespmem:s11+$0xA500];
	[tilespmem:s11+$0xA500] =	vst v0  }
0x27f: {  	v12 =	vld [tilespmem:s11+$0xA600];
	[tilespmem:s11+$0xA600] =	vst v0;
	v6 =	vadd.s32 v6, v7  }
0x280: {  	v13 =	vld [tilespmem:s11+$0xA700];
	[tilespmem:s11+$0xA700] =	vst v0;
	v6 =	vadd.s32 v8, v6  }
0x281: {  	v14 =	vld [tilespmem:s11+$0xA800];
	[tilespmem:s11+$0xA800] =	vst v0;
	v6 =	vadd.s32 v9, v6  }
0x282: {  	v7 =	vld [tilespmem:s11+$0xA900];
	[tilespmem:s11+$0xA900] =	vst v0;
	v6 =	vadd.s32 v10, v6  }
0x283: {  	v8 =	vld [tilespmem:s11+$0xAA00];
	[tilespmem:s11+$0xAA00] =	vst v0;
	v6 =	vadd.s32 v11, v6  }
0x284: {  	v9 =	vld [tilespmem:s11+$0xAB00];
	[tilespmem:s11+$0xAB00] =	vst v0;
	v6 =	vadd.s32 v12, v6  }
0x285: {  	v10 =	vld [tilespmem:s11+$0xAC00];
	[tilespmem:s11+$0xAC00] =	vst v0;
	v6 =	vadd.s32 v13, v6  }
0x286: {  	v11 =	vld [tilespmem:s11+$0xAD00];
	[tilespmem:s11+$0xAD00] =	vst v0;
	v6 =	vadd.s32 v14, v6  }
0x287: {  	v12 =	vld [tilespmem:s11+$0xAE00];
	[tilespmem:s11+$0xAE00] =	vst v0;
	v6 =	vadd.s32 v7, v6  }
0x288: {  	s29 =	simm.s32 $0x10;
	v13 =	vld [tilespmem:s11+$0xAF00];
	[tilespmem:s11+$0xAF00] =	vst v0;
	s11 =	simm.s32 $0xA010;
	v6 =	vadd.s32 v8, v6  }
0x289: {  	s0 =	sand.u32 $0xF0, s29;
	v7 =	vld [tilespmem:s11+$0x0];
	[tilespmem:s11+$0x0] =	vst v0;
	v6 =	vadd.s32 v9, v6  }
0x28a: {  	v8 =	vld [tilespmem:s0+$0xA100];
	v6 =	vadd.s32 v10, v6  }
0x28b: {  	v14 =	vld [tilespmem:s0+$0xA600];
	v6 =	vadd.s32 v11, v6  }
0x28c: {  	v15 =	vld [tilespmem:s0+$0xA700];
	v6 =	vadd.s32 v12, v6  }
0x28d: {  	v9 =	vld [tilespmem:s0+$0xA200];
	v12 =	vadd.s32 v13, v6  }
0x28e: {  	[tilespmem:s0+$0xA100] =	vst v0;
	v10 =	vld [tilespmem:s0+$0xA300];
	(xrf0) =	vadd.scan.msk.s32 $0xffff, v12  }
0x28f: {  	[tilespmem:s0+$0xA600] =	vst v0;
	v11 =	vld [tilespmem:s0+$0xA400]  }
0x290: {  	[tilespmem:s0+$0xA700] =	vst v0;
	v13 =	vld [tilespmem:s0+$0xA500]  }
0x291: {  	v16 =	vld [tilespmem:s0+$0xA800];
	[tilespmem:s0+$0xA800] =	vst v0;
	v6 =	vadd.s32 v7, v8  }
0x292: {  	v17 =	vld [tilespmem:s0+$0xA900];
	[tilespmem:s0+$0xA900] =	vst v0;
	v6 =	vadd.s32 v9, v6  }
0x293: {  	v18 =	vld [tilespmem:s0+$0xAC00];
	[tilespmem:s0+$0xAC00] =	vst v0;
	v7 =	vadd.s32 v10, v6  }
0x294: {  	v19 =	vld [tilespmem:s0+$0xAD00];
	[tilespmem:s0+$0xAD00] =	vst v0;
	v6 =	vimm.s32 $0x0;
	v7 =	vadd.s32 v11, v7;
	v11, _, _ =	vpop (xrf0)  }
0x295: {  	v21 =	vimm.s32 $0xFFFFFFFF;
	s11 =	ssub.s32 s30, s31;
	v20 =	vld [tilespmem:s0+$0xAE00];
	[tilespmem:s0+$0xAE00] =	vst v0;
	v8 =	vadd.s32 v13, v7;
	v13 =	vadd.s32 v6, v11  }
0x296: {  	[tilespmem:s0+$0xA200] =	vst v0;
	v9 =	vld [tilespmem:s0+$0xAA00];
	v7 =	vmov s11;
	v14 =	vadd.s32 v14, v8;
	v8 =	vperm.xlane v13, v3  }
0x297: {  	vm1 =	vlt.s32 v21, $0x0;
	[tilespmem:s0+$0xA300] =	vst v0;
	v10 =	vld [tilespmem:s0+$0xAB00];
	vm0 =	vgt.s32 v13, v7  }
0x298: {  	[tilespmem:s0+$0xA400] =	vst v0;
	v13 =	vadd.s32 v15, v14;
	v22 =	vmctz.xlane vm0;
	vm0 =	vgt.s32 v8, v7  }
0x299: {  	[tilespmem:s0+$0xA500] =	vst v0;
	v15 =	vadd.s32 v16, v13;
	vm0 =	vmand vm1, vm0  }
0x29a: {  	[tilespmem:s0+$0xAA00] =	vst v0;
	v15 =	vadd.s32 v17, v15;
	v16 =	vnsel vm0, $0x0, v22  }
0x29b: {  	[tilespmem:s0+$0xAB00] =	vst v0;
	v14 =	vld [tilespmem:s0+$0xAF00];
	v9 =	vadd.s32 v9, v15;
	v17 =	vshrl.u32 v16, $0x1B  }
0x29c: {  	s31 =	simm.s32 $0x20;
	[tilespmem:s0+$0xAF00] =	vst v0;
	s0 =	simm.s32 $0xA020;
	v9 =	vadd.s32 v10, v9;
	v10 =	vand.u32 $0x10, v17  }
0x29d: {  	s30 =	sand.u32 $0xF0, s31;
	v13 =	vld [tilespmem:s0+$0x0];
	[tilespmem:s0+$0x0] =	vst v0;
	v9 =	vadd.s32 v18, v9;
	v10 =	vadd.s32 v16, v10  }
0x29e: {  	v15 =	vld [tilespmem:s30+$0xA100];
	v9 =	vadd.s32 v19, v9;
	v11 =	vperm.xlane v11, v10  }
0x29f: {  	[tilespmem:s30+$0xA100] =	vst v0;
	v17 =	vld [tilespmem:s30+$0xA300];
	v9 =	vadd.s32 v20, v9;
	v18 =	vperm.xlane v12, v10  }
0x2a0: {  	[tilespmem:s30+$0xA300] =	vst v0;
	v16 =	vld [tilespmem:s30+$0xA200];
	v10 =	vadd.s32 v14, v9  }
0x2a1: {  	[tilespmem:s30+$0xA200] =	vst v0;
	v12 =	vadd.s32 s1, v22;
	(xrf0) =	vadd.scan.msk.s32 $0xffff, v10;
	v14 =	vsub.s32 v6, v18  }
0x2a2: {  	s1 =	simm.s32 $0x30;
	v12 =	vsel vm0, v12, v21;
	v9 =	vsel vm0, v18, v6;
	v18 =	vld [tilespmem:s30+$0xA400];
	v14 =	vadd.s32 v11, v14;
	v11 =	vmovc v8  }
.LBB2_23:
0x2a3: {  	p2 =	sne.s32 s1, $0xF0;
	[tilespmem:s30+$0xA400] =	vst v0;
	v19 =	vld [tilespmem:s30+$0xA500];
	v6 =	vsel vm0, v14, v6;
	s11 =	smov.u32 s1;
	s1 =	sadd.s32 $0x10, s1  }
0x2a4: {  	v13 =	vadd.s32 v13, v15;
	[tilespmem:s30+$0xA500] =	vst v0;
	v14 =	vld [tilespmem:s30+$0xA600]  }
0x2a5: {  	v13 =	vadd.s32 v16, v13;
	[tilespmem:s30+$0xA600] =	vst v0;
	v15 =	vld [tilespmem:s30+$0xA700]  }
0x2a6: {  	v13 =	vadd.s32 v17, v13;
	[tilespmem:s30+$0xA700] =	vst v0;
	v16 =	vld [tilespmem:s30+$0xA800]  }
0x2a7: {  	v13 =	vadd.s32 v18, v13;
	[tilespmem:s30+$0xA800] =	vst v0;
	v17 =	vld [tilespmem:s30+$0xA900];
	v18, _, _ =	vpop (xrf0)  }
0x2a8: {  	v13 =	vadd.s32 v19, v13;
	[tilespmem:s30+$0xA900] =	vst v0;
	v19 =	vld [tilespmem:s30+$0xAA00];
	v8 =	vadd.s32 v8, v18  }
0x2a9: {  	v13 =	vadd.s32 v14, v13;
	[tilespmem:s30+$0xAA00] =	vst v0;
	v14 =	vld [tilespmem:s30+$0xAB00];
	vm0 =	vgt.s32 v8, v7;
	v8 =	vperm.xlane v8, v3  }
0x2aa: {  	vm1 =	vlt.s32 v12, $0x0;
	v13 =	vadd.s32 v15, v13;
	[tilespmem:s30+$0xAB00] =	vst v0;
	v15 =	vld [tilespmem:s30+$0xAC00]  }
0x2ab: {  	v20 =	vmctz.xlane vm0;
	v13 =	vadd.s32 v16, v13;
	[tilespmem:s30+$0xAC00] =	vst v0;
	v16 =	vld [tilespmem:s30+$0xAD00];
	vm0 =	vgt.s32 v8, v7  }
0x2ac: {  	v13 =	vadd.s32 v17, v13;
	[tilespmem:s30+$0xAD00] =	vst v0;
	v17 =	vld [tilespmem:s30+$0xAE00];
	vm0 =	vmand vm1, vm0  }
0x2ad: {  	v13 =	vadd.s32 v19, v13;
	[tilespmem:s30+$0xAE00] =	vst v0;
	v19 =	vld [tilespmem:s30+$0xAF00];
	v21 =	vnsel vm0, $0x0, v20;
	v20 =	vadd.s32 s29, v20;
	s29 =	smov.u32 s31;
	s31 =	smov.u32 s11  }
0x2ae: {  	s0 =	sadd.s32 $0x10, s0;
	v14 =	vadd.s32 v14, v13;
	[tilespmem:s30+$0xAF00] =	vst v0;
	v22 =	vshrl.u32 v21, $0x1B;
	v12 =	vsel vm0, v20, v12  }
0x2af: {  	v13 =	vld [tilespmem:s0+$0x0];
	v14 =	vadd.s32 v15, v14;
	v15 =	vand.u32 $0x10, v22  }
.Ltmp15:
0x2b0: {  	s30 =	sand.u32 $0xF0, s31;
	[tilespmem:s0+$0x0] =	vst v0;
	v14 =	vadd.s32 v16, v14;
	v16 =	vadd.s32 v21, v15;
	(pc) =	sbr.rel @p2 .LBB2_23-.Ltmp15, $4  }
0x2b1: {  	v15 =	vld [tilespmem:s30+$0xA100];
	v14 =	vadd.s32 v17, v14;
	v20 =	vperm.xlane v10, v16;
	v21 =	vperm.xlane v18, v16  }
0x2b2: {  	[tilespmem:s30+$0xA100] =	vst v0;
	v16 =	vld [tilespmem:s30+$0xA200];
	v10 =	vadd.s32 v19, v14  }
0x2b3: {  	[tilespmem:s30+$0xA200] =	vst v0;
	v17 =	vld [tilespmem:s30+$0xA300];
	(xrf0) =	vadd.scan.msk.s32 $0xffff, v10;
	v14 =	vsub.s32 v11, v20;
	v9 =	vsel vm0, v20, v9;
	v11 =	vmovc v8  }
0x2b4: {  	[tilespmem:s30+$0xA300] =	vst v0;
	v18 =	vld [tilespmem:s30+$0xA400];
	v14 =	vadd.s32 v21, v14  }
0x2b5: {  	v19 =	vld [tilespmem:s30+$0xA500]  }
0x2b6: {  	v20 =	vld [tilespmem:s30+$0xA600];
	v13 =	vadd.s32 v13, v15  }
0x2b7: {  	v21 =	vld [tilespmem:s30+$0xA700];
	v13 =	vadd.s32 v16, v13  }
0x2b8: {  	v22 =	vld [tilespmem:s30+$0xA800];
	v13 =	vadd.s32 v17, v13  }
0x2b9: {  	v23 =	vld [tilespmem:s30+$0xA900];
	v13 =	vadd.s32 v18, v13  }
0x2ba: {  	v24 =	vld [tilespmem:s30+$0xAA00];
	v13 =	vadd.s32 v19, v13  }
0x2bb: {  	v46 =	vld [tilespmem:s30+$0xAB00];
	v13 =	vadd.s32 v20, v13  }
0x2bc: {  	v47 =	vld [tilespmem:s30+$0xAC00];
	v13 =	vadd.s32 v21, v13  }
0x2bd: {  	v48 =	vld [tilespmem:s30+$0xAD00];
	v13 =	vadd.s32 v22, v13  }
0x2be: {  	v49 =	vld [tilespmem:s30+$0xAE00];
	v13 =	vadd.s32 v23, v13  }
0x2bf: {  	v50 =	vld [tilespmem:s30+$0xAF00];
	v13 =	vadd.s32 v24, v13  }
0x2c0: {  	v13 =	vadd.s32 v46, v13  }
0x2c1: {  	v13 =	vadd.s32 v47, v13  }
0x2c2: {  	v13 =	vadd.s32 v48, v13  }
0x2c3: {  	v13 =	vadd.s32 v49, v13  }
0x2c4: {  	v13 =	vadd.s32 v50, v13  }
0x2c5: {  	(xrf0) =	vadd.scan.msk.s32 $0xffff, v13;
	_ =	sdelay $0x2  }
0x2c6: {  	v51, _, _ =	vpop (xrf0)  }
0x2c7: {  	v8 =	vadd.s32 v8, v51  }
0x2c8: {  	vm1 =	vgt.s32 v8, v7;
	v8 =	vperm.xlane v8, v3  }
0x2c9: {  	v52 =	vmctz.xlane vm1;
	v53, _, _ =	vpop (xrf0)  }
0x2ca: {  	vm13 =	vlt.s32 v12, $0x0;
	vm2 =	vgt.s32 v8, v7;
	v54 =	vadd.s32 v8, v53  }
0x2cb: {  	vm1 =	vmand vm13, vm2;
	v55 =	vadd.s32 s29, v52;
	v56 =	vperm.xlane v54, v3  }
0x2cc: {  	v16 =	vnsel vm1, $0x0, v52;
	v57 =	vsel vm1, v55, v12;
	vm14 =	vgt.s32 v54, v7  }
0x2cd: {  	vm3 =	vlt.s32 v57, $0x0;
	v18 =	vmctz.xlane vm14;
	vm15 =	vgt.s32 v56, v7  }
0x2ce: {  	v7 =	vshrl.u32 v16, $0x1B;
	vm2 =	vmand vm3, vm15  }
0x2cf: {  	v7 =	vand.u32 $0x10, v7;
	v58 =	vnsel vm2, $0x0, v18  }
0x2d0: {  	v7 =	vadd.s32 v16, v7;
	v59 =	vshrl.u32 v58, $0x1B  }
0x2d1: {  	v10 =	vperm.xlane v10, v7;
	v16 =	vand.u32 $0x10, v59  }
0x2d2: {  	v6 =	vsel vm0, v14, v6;
	v7 =	vperm.xlane v51, v7;
	v60 =	vadd.s32 v58, v16  }
0x2d3: {  	v62 =	vadd.s32 s31, v18;
	v11 =	vsub.s32 v11, v10;
	v61 =	vperm.xlane v13, v60  }
0x2d4: {  	v9 =	vsel vm1, v10, v9;
	v7 =	vadd.s32 v7, v11;
	v63 =	vperm.xlane v53, v60  }
0x2d5: {  	v6 =	vsel vm1, v7, v6;
	v7 =	vsel vm2, v62, v57;
	v8 =	vsub.s32 v8, v61  }
0x2d6: {  	v9 =	vsel vm2, v61, v9;
	(v2sf) =	vpush v7, $0x0;
	v8 =	vadd.s32 v63, v8  }
0x2d7: {  	(v2sf) =	vpush v9, $0x0;
	v6 =	vsel vm2, v8, v6  }
0x2d8: {  	(v2sf) =	vpush v6, $0x0;
	_ =	sdelay $0x5  }
0x2d9: {  	[tilespmem:s30+$0xA400] =	vst v0  }
0x2da: {  	[tilespmem:s30+$0xA500] =	vst v0  }
0x2db: {  	[tilespmem:s30+$0xA600] =	vst v0  }
0x2dc: {  	[tilespmem:s30+$0xA700] =	vst v0  }
0x2dd: {  	[tilespmem:s30+$0xA800] =	vst v0  }
0x2de: {  	[tilespmem:s30+$0xA900] =	vst v0  }
0x2df: {  	[tilespmem:s30+$0xAA00] =	vst v0  }
0x2e0: {  	[tilespmem:s30+$0xAB00] =	vst v0;
	s1 =	spop (v2sf)  }
0x2e1: {  	[tilespmem:s30+$0xAC00] =	vst v0;
	s0 =	sadd.s32 s26, s28;
	s11 =	spop (v2sf)  }
0x2e2: {  	[tilespmem:s30+$0xAD00] =	vst v0;
	s0 =	sadd.s32 s11, s0;
	s31 =	spop (v2sf)  }
0x2e3: {  	[tilespmem:s30+$0xAE00] =	vst v0;
	s0 =	sadd.s32 s31, s0  }
0x2e4: {  	[tilespmem:s30+$0xAF00] =	vst v0;
	s25 =	sor.u32 s25, s1;
	p2 =	seq.s32 s0, s11  }
.LBB2_25:
.Ltmp16:
0x2e5: {  	(pc) =	sbr.rel @!p2 .LBB2_29-.Ltmp16, $4  }
0x2e6: {  	s1 =	simm.s32 @p1 $0x3  }
0x2e7: {  	_ =	swait.ge @p1 [sflag:s1], $0x2000  }
0x2e8: {  	s11 =	sxor.u32 $0x80000000, s25;
	[sflag:s1] =	ssyncset.done @p1 $0x0  }
0x2e9: {  	v6 =	vmov s11;
	[sflag:s1] =	ssyncadd.s32 @p1 $0xFFFFE000  }
0x2ea: {  	s0 =	simm.s32 $0x8040;
	v8 =	vld [tilespmem:s24+$0x30]  }
0x2eb: {  	v7 =	vld [tilespmem:s0+$0x30]  }
0x2ec: {  	v9 =	vld [tilespmem:s0+$0xFFFFFFD0]  }
0x2ed: {  	v10 =	vld [tilespmem:s0+$0xFFFFFFE0]  }
0x2ee: {  	v11 =	vld [tilespmem:s0+$0xFFFFFFF0]  }
0x2ef: {  	v12 =	vld [tilespmem:s0+$0x0]  }
0x2f0: {  	v13 =	vld [tilespmem:s0+$0x10]  }
0x2f1: {  	v14 =	vld [tilespmem:s0+$0x20]  }
0x2f2: {  	v15 =	vld [tilespmem:s0+$0xFFFFFFC0];
	v7 =	vxor.u32 $0x80000000, v7  }
0x2f3: {  	vm1 =	vgt.f32 v8, $0.0e+00;
	v8 =	vld [tilespmem:s24+$0xFFFFFFC0];
	vm0 =	vge.s32 v7, v6;
	v7 =	vxor.u32 $0x80000000, v9  }
0x2f4: {  	v9 =	vld [tilespmem:s24+$0xFFFFFFD0];
	vm0 =	vmand vm0, vm1;
	vm5 =	vge.s32 v7, v6;
	v7 =	vxor.u32 $0x80000000, v10  }
0x2f5: {  	v10 =	vxor.u32 $0x80000000, v12;
	vm4 =	vge.s32 v7, v6;
	v7 =	vxor.u32 $0x80000000, v11;
	v11 =	vld [tilespmem:s24+$0xFFFFFFE0]  }
0x2f6: {  	vm1 =	vge.s32 v10, v6;
	v10 =	vld [tilespmem:s24+$0xFFFFFFF0];
	vm3 =	vge.s32 v7, v6;
	v7 =	vxor.u32 $0x80000000, v13  }
0x2f7: {  	v63 =	vxor.u32 $0x80000000, v15;
	v62 =	vsel vm0, $0x3F800000, v4;
	vm0 =	vge.s32 v7, v6;
	v7 =	vld [tilespmem:s24+$0x0]  }
0x2f8: {  	s0 =	simm.s32 $0xB0C0;
	v14 =	vxor.u32 $0x80000000, v14;
	vm6 =	vge.s32 v63, v6;
	vm7 =	vgt.f32 v8, $0.0e+00;
	v8 =	vld [tilespmem:s24+$0x10]  }
0x2f9: {  	s1 =	simm.s32 $0x0;
	s23 =	simm.s32 $0x80C0;
	vm2 =	vge.s32 v14, v6;
	[tilespmem:s0+$0x30] =	vst v62;
	vm6 =	vmand vm6, vm7;
	vm7 =	vgt.f32 v9, $0.0e+00;
	v9 =	vld [tilespmem:s24+$0x20]  }
.LBB2_27:
0x2fa: {  	v12 =	vld [tilespmem:s23+$0x30];
	s1 =	sadd.s32 $0x8, s1;
	v13 =	vsel vm6, $0x3F800000, v4;
	vm5 =	vmand vm5, vm7;
	vm6 =	vgt.f32 v11, $0.0e+00;
	s24 =	sadd.s32 $0x80, s24  }
0x2fb: {  	v11 =	vld [tilespmem:s24+$0x30];
	p1 =	slt.u32 s1, $0x1F8;
	[tilespmem:s0+$0xFFFFFFC0] =	vst v13;
	v13 =	vsel vm5, $0x3F800000, v4;
	vm4 =	vmand vm4, vm6;
	vm5 =	vgt.f32 v10, $0.0e+00  }
0x2fc: {  	v10 =	vld [tilespmem:s23+$0xFFFFFFD0];
	[tilespmem:s0+$0xFFFFFFD0] =	vst v13;
	v13 =	vsel vm4, $0x3F800000, v4;
	vm3 =	vmand vm3, vm5;
	vm4 =	vgt.f32 v7, $0.0e+00  }
0x2fd: {  	v7 =	vld [tilespmem:s23+$0xFFFFFFE0];
	[tilespmem:s0+$0xFFFFFFE0] =	vst v13;
	v13 =	vsel vm3, $0x3F800000, v4;
	vm1 =	vmand vm1, vm4;
	vm3 =	vgt.f32 v8, $0.0e+00  }
0x2fe: {  	v8 =	vld [tilespmem:s23+$0xFFFFFFF0];
	[tilespmem:s0+$0xFFFFFFF0] =	vst v13;
	v13 =	vsel vm1, $0x3F800000, v4;
	vm0 =	vmand vm0, vm3;
	vm1 =	vgt.f32 v9, $0.0e+00  }
0x2ff: {  	v9 =	vld [tilespmem:s23+$0x0];
	v12 =	vxor.u32 $0x80000000, v12;
	[tilespmem:s0+$0x0] =	vst v13;
	v13 =	vsel vm0, $0x3F800000, v4;
	vm0 =	vmand vm2, vm1  }
0x300: {  	v14 =	vld [tilespmem:s23+$0x10];
	vm1 =	vge.s32 v12, v6;
	vm2 =	vgt.f32 v11, $0.0e+00;
	[tilespmem:s0+$0x10] =	vst v13;
	v11 =	vsel vm0, $0x3F800000, v4  }
0x301: {  	v10 =	vxor.u32 $0x80000000, v10;
	v12 =	vld [tilespmem:s23+$0x20];
	vm0 =	vmand vm1, vm2;
	[tilespmem:s0+$0x20] =	vst v11  }
0x302: {  	s0 =	sadd.s32 $0x80, s0;
	v13 =	vld [tilespmem:s23+$0xFFFFFFC0];
	vm5 =	vge.s32 v10, v6;
	v7 =	vxor.u32 $0x80000000, v7;
	v10 =	vsel vm0, $0x3F800000, v4  }
0x303: {  	v15 =	vld [tilespmem:s24+$0xFFFFFFC0];
	vm4 =	vge.s32 v7, v6;
	v7 =	vxor.u32 $0x80000000, v8;
	[tilespmem:s0+$0x30] =	vst v10  }
0x304: {  	v16 =	vld [tilespmem:s24+$0xFFFFFFD0];
	vm3 =	vge.s32 v7, v6;
	v7 =	vxor.u32 $0x80000000, v9  }
.Ltmp17:
0x305: {  	v11 =	vld [tilespmem:s24+$0xFFFFFFE0];
	vm1 =	vge.s32 v7, v6;
	v7 =	vxor.u32 $0x80000000, v14;
	(pc) =	sbr.rel @p1 .LBB2_27-.Ltmp17, $4  }
0x306: {  	v10 =	vld [tilespmem:s24+$0xFFFFFFF0];
	vm0 =	vge.s32 v7, v6;
	v8 =	vxor.u32 $0x80000000, v12  }
0x307: {  	v9 =	vxor.u32 $0x80000000, v13;
	v7 =	vld [tilespmem:s24+$0x0];
	vm2 =	vge.s32 v8, v6  }
0x308: {  	vm6 =	vge.s32 v9, v6;
	vm7 =	vgt.f32 v15, $0.0e+00;
	v8 =	vld [tilespmem:s24+$0x10]  }
0x309: {  	s23 =	sadd.s32 $0x80, s23;
	vm6 =	vmand vm6, vm7;
	vm7 =	vgt.f32 v16, $0.0e+00;
	v9 =	vld [tilespmem:s24+$0x20]  }
0x30a: {  	v6 =	vsel vm6, $0x3F800000, v4;
	vm5 =	vmand vm5, vm7;
	vm10 =	vgt.f32 v11, $0.0e+00  }
0x30b: {  	[tilespmem:s0+$0xFFFFFFC0] =	vst v6;
	v6 =	vsel vm5, $0x3F800000, v4;
	vm4 =	vmand vm4, vm10;
	vm11 =	vgt.f32 v10, $0.0e+00  }
0x30c: {  	[tilespmem:s0+$0xFFFFFFD0] =	vst v6;
	v6 =	vsel vm4, $0x3F800000, v4;
	vm3 =	vmand vm3, vm11;
	vm12 =	vgt.f32 v7, $0.0e+00  }
.Ltmp18:
0x30d: {  	[tilespmem:s0+$0xFFFFFFE0] =	vst v6;
	v6 =	vsel vm3, $0x3F800000, v4;
	vm1 =	vmand vm1, vm12;
	vm13 =	vgt.f32 v8, $0.0e+00;
	(pc) =	sbr.rel .LBB2_32-.Ltmp18, $4  }
0x30e: {  	[tilespmem:s0+$0xFFFFFFF0] =	vst v6;
	v6 =	vsel vm1, $0x3F800000, v4;
	vm0 =	vmand vm0, vm13;
	vm14 =	vgt.f32 v9, $0.0e+00  }
0x30f: {  	[tilespmem:s0+$0x0] =	vst v6;
	v6 =	vsel vm0, $0x3F800000, v4;
	vm15 =	vmand vm2, vm14  }
0x310: {  	[tilespmem:s0+$0x10] =	vst v6;
	v6 =	vsel vm15, $0x3F800000, v4  }
0x311: {  	[tilespmem:s0+$0x20] =	vst v6  }
.LBB2_29:
0x312: {  	s1 =	simm.s32 $0x8000  }
0x313: {  	v9 =	vld [tilespmem:s1+$0x0];
	_ =	sdelay $0x3  }
0x314: {  	v8 =	vmov s25  }
0x315: {  	vm0 =	veq.s32 v9, v8  }
0x316: {  	v7 =	vsel vm0, $0x1, v0  }
0x317: {  	(xrf0) =	vadd.scan.msk.s32 $0xffff, v7  }
0x318: {  	s29 =	simm.s32 $0x0  }
0x319: {  	s11 =	sand.u32 $0x1F80, s29  }
0x31a: {  	s24 =	sand.u32 $0x70, s29;
	s11 =	sadd.s32 s11, s23  }
0x31b: {  	s11 =	sadd.s32 s24, s11  }
0x31c: {  	v11 =	vld [tilespmem:s11+$0x0];
	v7 =	vsel vm0, $0xFFFFFFFF, v0  }
0x31d: {  	v12 =	vadd.s32 s29, v7;
	v10, _, _ =	vpop (xrf0)  }
0x31e: {  	v7 =	vmov s0;
	(v2sf) =	vpush v10, $0xF;
	v10 =	vadd.s32 v10, v12  }
0x31f: {  	v9 =	vxor.u32 $0x80000000, v9;
	vm1 =	vlt.s32 v10, v7  }
0x320: {  	vm2 =	vgt.s32 v9, v6;
	vm0 =	vmand vm0, vm1  }
0x321: {  	vm1 =	vgt.f32 v11, $0.0e+00;
	vm0 =	vmor vm2, vm0  }
0x322: {  	vm0 =	vmand vm1, vm0  }
0x323: {  	s24 =	simm.s32 $0xB080;
	v9 =	vsel vm0, $0x3F800000, v4  }
0x324: {  	s25 =	simm.s32 $0x8010;
	[tilespmem:s24+$0x0] =	vst v9  }
0x325: {  	v9 =	vld [tilespmem:s25+$0x0];
	_ =	sdelay $0x4  }
0x326: {  	vm0 =	veq.s32 v9, v8  }
0x327: {  	v10 =	vsel vm0, $0x1, v0  }
0x328: {  	s30 =	simm.s32 $0x10;
	(xrf0) =	vadd.scan.msk.s32 $0xffff, v10  }
0x329: {  	s31 =	sand.u32 $0x1F80, s30  }
0x32a: {  	s28 =	sand.u32 $0x70, s30;
	s11 =	sadd.s32 s31, s23  }
0x32b: {  	s28 =	sadd.s32 s28, s11;
	s26 =	spop (v2sf)  }
0x32c: {  	s0 =	simm.s32 $0x20;
	s1 =	sadd.s32 $0x0, s26;
	s26 =	simm.s32 $0x30  }
.LBB2_30:
0x32d: {  	p1 =	sne.s32 s26, $0x1FF0;
	v10 =	vld [tilespmem:s28+$0x0];
	v11 =	vsel vm0, $0xFFFFFFFF, v0  }
0x32e: {  	v11 =	vadd.s32 s1, v11;
	v12, _, _ =	vpop (xrf0)  }
0x32f: {  	v11 =	vadd.s32 v12, v11;
	(v2sf) =	vpush v12, $0xF  }
0x330: {  	v9 =	vxor.u32 $0x80000000, v9;
	vm1 =	vlt.s32 v11, v7  }
0x331: {  	vm2 =	vgt.s32 v9, v6;
	vm0 =	vmand vm0, vm1  }
0x332: {  	vm0 =	vmor vm2, vm0;
	vm1 =	vgt.f32 v10, $0.0e+00  }
0x333: {  	vm0 =	vmand vm1, vm0  }
0x334: {  	s24 =	sadd.s32 $0x10, s24;
	v9 =	vsel vm0, $0x3F800000, v4  }
0x335: {  	s25 =	sadd.s32 $0x10, s25;
	[tilespmem:s24+$0x0] =	vst v9  }
0x336: {  	v9 =	vld [tilespmem:s25+$0x0];
	_ =	sdelay $0x4  }
0x337: {  	vm0 =	veq.s32 v9, v8  }
0x338: {  	v10 =	vsel vm0, $0x1, v0  }
.Ltmp19:
0x339: {  	(xrf0) =	vadd.scan.msk.s32 $0xffff, v10;
	(pc) =	sbr.rel @p1 .LBB2_30-.Ltmp19, $4  }
0x33a: {  	s11 =	spop (v2sf)  }
0x33b: {  	s28 =	sand.u32 $0x1F80, s0;
	s1 =	sadd.s32 s1, s11  }
0x33c: {  	s28 =	sadd.s32 s28, s23;
	s11 =	sand.u32 $0x70, s0;
	s0 =	smov.u32 s26  }
0x33d: {  	s26 =	sadd.s32 $0x10, s26;
	s28 =	sadd.s32 s11, s28  }
0x33e: {  	v10 =	vld [tilespmem:s28+$0x0];
	v11 =	vsel vm0, $0xFFFFFFFF, v0  }
0x33f: {  	v11 =	vadd.s32 s1, v11;
	v12, _, _ =	vpop (xrf0)  }
0x340: {  	v11 =	vadd.s32 v12, v11  }
0x341: {  	v9 =	vxor.u32 $0x80000000, v9;
	vm1 =	vlt.s32 v11, v7  }
0x342: {  	vm2 =	vgt.s32 v9, v6;
	vm10 =	vmand vm0, vm1  }
0x343: {  	vm0 =	vmor vm2, vm10;
	vm11 =	vgt.f32 v10, $0.0e+00  }
0x344: {  	vm0 =	vmand vm11, vm0  }
0x345: {  	s11 =	sadd.s32 $0x10, s24;
	v61 =	vsel vm0, $0x3F800000, v4  }
0x346: {  	s31 =	sadd.s32 $0x10, s25;
	[tilespmem:s11+$0x0] =	vst v61  }
0x347: {  	v9 =	vld [tilespmem:s31+$0x0];
	_ =	sdelay $0x4  }
0x348: {  	(v2sf) =	vpush v12, $0xF;
	vm12 =	veq.s32 v9, v8  }
0x349: {  	v8 =	vsel vm12, $0x1, v0  }
0x34a: {  	(xrf0) =	vadd.scan.msk.s32 $0xffff, v8;
	_ =	sdelay $0x5  }
0x34b: {  	v8, _, _ =	vpop (xrf0)  }
0x34c: {  	(v2sf) =	vpush v8, $0xF;
	_ =	sdelay $0x3  }
0x34d: {  	s25 =	sand.u32 $0x1F80, s0  }
0x34e: {  	s26 =	sand.u32 $0x70, s0;
	s23 =	sadd.s32 s25, s23  }
0x34f: {  	s0 =	sadd.s32 s26, s23;
	s28 =	spop (v2sf)  }
0x350: {  	v62 =	vld [tilespmem:s0+$0x0];
	v63 =	vsel vm12, $0xFFFFFFFF, v0;
	s29 =	sadd.s32 s1, s28  }
0x351: {  	v11 =	vadd.s32 s29, v63  }
0x352: {  	v8 =	vadd.s32 v8, v11  }
0x353: {  	v9 =	vxor.u32 $0x80000000, v9;
	vm13 =	vlt.s32 v8, v7  }
.Ltmp20:
0x354: {  	vm14 =	vgt.s32 v9, v6;
	vm0 =	vmand vm12, vm13;
	(pc) =	sbr.rel .LBB2_32-.Ltmp20, $4  }
0x355: {  	vm15 =	vgt.f32 v62, $0.0e+00;
	vm0 =	vmor vm14, vm0  }
0x356: {  	vm0 =	vmand vm15, vm0  }
0x357: {  	s30 =	sadd.s32 $0x10, s11;
	v6 =	vsel vm0, $0x3F800000, v4  }
0x358: {  	[tilespmem:s30+$0x0] =	vst v6;
	s31 =	spop (v2sf)  }
.LBB2_34:
0x359: {  	_ =	sfence.sel $0x180000  }
0x35a: {  	[bflag:$0x0] =	sbarrier.arrive $0xFFFF  }
0x35b: {  	_ =	strace $0x90000047  }
0x35c: {  	s0 =	stileid.u32;
	[bflag:$0x2] =	sbarrier.arrive $0xFFFF  }
0x35d: {  	p0 =	sne.s32 s0, $0x0;
	s0 =	rddreg [dreg:$0x4]  }
0x35e: {  	s0 =	sadd.s32 @!p0 $0x100000, s0  }
0x35f: {  	[sflag:s0] =	ssyncadd.tile.s32 @!p0 $0x1;
	_ =	shalt  }
.Lfunc_end2:
_tile_overlayer_lowered:
.L_overlay_start_2:
0x360: {  	(tag) =	ssettag $0x2  }
0x361: {  	s0 =	rddreg [dreg:$0x0];
	s2 =	stileid.u32  }
0x362: {  	s1 =	rddreg [dreg:$0x1];
	p0 =	sne.s32 s2, $0x0  }
0x363: {  	s3 =	rddreg [dreg:$0x2];
	[bflag:$0x3] =	sbarrier.arrive $0xFFFF;
	s2 =	simm.s32 @!p0 $0x1C04  }
0x364: {  	[timem:s3], [sflag:s2] =	dma.local @!p0 [hbm:s0], s1  }
0x365: {  	s0 =	simm.s32 @!p0 $0x4  }
0x366: {  	_ =	swait.ge @!p0 [sflag:s0], s1  }
0x367: {  	s1 =	ssub.s32 @!p0 $0x0, s1;
	[sflag:s0] =	ssyncset.done @!p0 $0x0  }
0x368: {  	[sflag:s0] =	ssyncadd.s32 @!p0 s1  }
0x369: {  	[bflag:$0x3] =	sbarrier.arrive $0xFFFF  }
0x36a: {  	_ =	shalt  }

</sc_bundles>
